<compile_context>
chip_gen: v7x
topology: tpu7x:2x2x1
jax: 0.10.2.dev20260603
libtpu: 0.0.44.dev20260713+nightly
codegen_flags: <defaults>
</compile_context>

<pallas_src>
import jax
import jax.numpy as jnp
from jax import lax
from jax.experimental import pallas as pl
from jax.experimental.pallas import tpu as pltpu
from jax.experimental.pallas import tpu_sc as plsc

OBS_DIM = 128
D_MODEL = 128
BATCH = 16384
OUT_DIM = OBS_DIM - 1 + D_MODEL

_info = plsc.get_sparse_core_info()
NC, NS, L = _info.num_cores, _info.num_subcores, _info.num_lanes
NW = NC * NS
B_PER_W = BATCH // NW
CHUNK = 128
N_CHUNKS = B_PER_W // CHUNK
N_PAIRS = N_CHUNKS // 2


def _sc_body(obs_hbm, pe_hbm, out_hbm, out_v, pe_v, idx_v,
             sem_obs0, sem_obs1, sem_g, sem_out0, sem_out1):
    wid = lax.axis_index("s") * NC + lax.axis_index("c")
    base = wid * B_PER_W
    lane = lax.iota(jnp.int32, L)
    col = jnp.full((L,), OBS_DIM - 1, dtype=jnp.int32)
    merge_cols = [lane + (OBS_DIM - 1 + L * j) for j in range(D_MODEL // L)]
    sem_obs = [sem_obs0, sem_obs1]
    sem_out = [sem_out0, sem_out1]

    def obs_copy(c, bs):
        return pltpu.make_async_copy(
            obs_hbm.at[pl.ds(base + c * CHUNK, CHUNK)],
            out_v.at[bs, :, pl.ds(0, OBS_DIM)],
            sem_obs[bs],
        )

    HALF = CHUNK // 2

    def out_copy_half(c, bs, h):
        return pltpu.make_async_copy(
            out_v.at[bs, pl.ds(h * HALF, HALF)],
            out_hbm.at[pl.ds(base + c * CHUNK + h * HALF, HALF)],
            sem_out[bs],
        )

    def drain_out(c, bs):
        out_copy_half(c, bs, 0).wait()
        out_copy_half(c, bs, 1).wait()

    obs_copy(0, 0).start()

    def pair(g, _):
        for c2 in range(2):
            bs = c2
            c = 2 * g + c2
            obs_copy(c, bs).wait()
            for i in range(CHUNK // L):
                vals = plsc.load_gather(out_v.at[bs], [lane + i * L, col])
                idx_v[bs, pl.ds(i * L, L)] = vals.astype(jnp.int32)
            h_g = pltpu.async_copy(pe_hbm.at[idx_v.at[bs]], pe_v.at[bs], sem_g)
            if c2 == 0:
                @pl.when(g > 0)
                def _():
                    drain_out(2 * g - 1, 1)
                obs_copy(c + 1, 1).start()
            else:
                @pl.when(g < N_PAIRS - 1)
                def _():
                    drain_out(c - 1, 0)
                    obs_copy(c + 1, 0).start()
            h_g.wait()

            for h in range(2):
                @plsc.parallel_loop(h * HALF, (h + 1) * HALF, unroll=2)
                def _merge(r):
                    row_vec = jnp.full((L,), 0, dtype=jnp.int32) + r
                    for j in range(D_MODEL // L):
                        vals = pe_v[bs, r, pl.ds(j * L, L)]
                        plsc.store_scatter(out_v.at[bs],
                                           [row_vec, merge_cols[j]], vals)

                out_copy_half(c, bs, h).start()
        return _

    lax.fori_loop(0, N_PAIRS, pair, None)
    drain_out(N_CHUNKS - 2, 0)
    drain_out(N_CHUNKS - 1, 1)


@jax.jit
def _run(obs, pe):
    mesh = plsc.VectorSubcoreMesh(core_axis_name="c", subcore_axis_name="s")
    return pl.kernel(
        _sc_body,
        mesh=mesh,
        compiler_params=pltpu.CompilerParams(needs_layout_passes=False),
        out_type=jax.ShapeDtypeStruct((BATCH, OUT_DIM), jnp.float32),
        scratch_types=[
            pltpu.VMEM((2, CHUNK, OUT_DIM), jnp.float32),
            pltpu.VMEM((2, CHUNK, D_MODEL), jnp.float32),
            pltpu.VMEM((2, CHUNK), jnp.int32),
            pltpu.SemaphoreType.DMA,
            pltpu.SemaphoreType.DMA,
            pltpu.SemaphoreType.DMA,
            pltpu.SemaphoreType.DMA,
            pltpu.SemaphoreType.DMA,
        ],
    )(obs, pe)


def kernel(obs, pe):
    return _run(obs, pe)

# --- scband reference (transcript-rebuilt; emitter-appended) ---
"""Pipeline reference for scband-custom-feature-extractor-49340584297087 (READ-ONLY COPY).

The authoritative reference and input builder live on the scoring server;
editing this copy changes nothing except your own understanding.
"""

import jax, jax.numpy as jnp
import numpy as np

OBS_DIM = 128
D_MODEL = 128
MAX_LEN = 100000
BATCH = 16384


def make_pe():
    position = np.arange(MAX_LEN)[:, None].astype(np.float64)
    div_term = np.exp(np.arange(0, D_MODEL, 2).astype(np.float64) * (-np.log(10000.0) / D_MODEL))
    pe = np.zeros((MAX_LEN, D_MODEL), dtype=np.float32)
    pe[:, 0::2] = np.sin(position * div_term).astype(np.float32)
    pe[:, 1::2] = np.cos(position * div_term).astype(np.float32)
    return jnp.asarray(pe)


def setup_inputs(seed: int = 0):
    key = jax.random.key(seed)
    # obs is float32 but every entry is an integer in [0, MAX_LEN) so the
    # last column is a valid agent index after the long() cast in forward.
    obs = jax.random.randint(key, (BATCH, OBS_DIM), 0, MAX_LEN).astype(jnp.float32)
    pe = make_pe()
    return {"obs": obs, "pe": pe}


def reference(obs, pe):
    agent_idx = obs[:, -1].astype(jnp.int32)
    pe_features = jnp.take(pe, agent_idx, axis=0)
    return jnp.concatenate((obs[:, :-1], pe_features), axis=-1)

if __name__ == "__main__":
    import jax
    _d = setup_inputs()
    print(jax.jit(kernel)(*tuple(_d.values())))

</pallas_src>

<mosaic_0001>
#map = affine_map<(d0, d1) -> (0, 0)>
module attributes {stable_mosaic.version = 14 : i64} {
  func.func @_sc_body(%arg0: i32, %arg1: i32, %arg2: memref<16384x128xf32, #tpu.memory_space<hbm>>, %arg3: memref<100000x128xf32, #tpu.memory_space<hbm>>, %arg4: memref<16384x255xf32, #tpu.memory_space<hbm>>, %arg5: memref<2x128x255xf32, #tpu.memory_space<vmem>>, %arg6: memref<2x128x128xf32, #tpu.memory_space<vmem>>, %arg7: memref<2x128xi32, #tpu.memory_space<vmem>>, %arg8: memref<!tpu.dma_semaphore, #tpu.memory_space<semaphore_mem>>, %arg9: memref<!tpu.dma_semaphore, #tpu.memory_space<semaphore_mem>>, %arg10: memref<!tpu.dma_semaphore, #tpu.memory_space<semaphore_mem>>, %arg11: memref<!tpu.dma_semaphore, #tpu.memory_space<semaphore_mem>>, %arg12: memref<!tpu.dma_semaphore, #tpu.memory_space<semaphore_mem>>) attributes {dimension_semantics = [#tpu.dimension_semantics<core_parallel>, #tpu.dimension_semantics<subcore_parallel>], iteration_bounds = array<i64: 2, 16>, scalar_prefetch = 0 : i64, scratch_operands = 8 : i64, tpu.core_type = #tpu.core_type<sc_vector_subcore>, window_params = [{transform_indices = #map}, {transform_indices = #map}, {transform_indices = #map}]} {
    %mul3A = arith.constant 2 : i32
    %mul3A_0 = arith.muli %arg1, %mul3A : i32
    %add3A = arith.addi %mul3A_0, %arg0 : i32
    %mul3A_1 = arith.constant 512 : i32
    %mul3A_2 = arith.muli %add3A, %mul3A_1 : i32
    %iota3A = tpu.iota {dimensions = array<i32: 0>} : vector<16xi32>
    %broadcast_in_dim3A = arith.constant 127 : i32
    %broadcast_in_dim3A_3 = vector.broadcast %broadcast_in_dim3A : i32 to vector<16xi32>
    %add3A_4 = arith.constant 127 : i32
    %add3A_5 = vector.broadcast %add3A_4 : i32 to vector<16xi32>
    %add3A_6 = arith.addi %iota3A, %add3A_5 : vector<16xi32>
    %add3A_7 = arith.constant 143 : i32
    %add3A_8 = vector.broadcast %add3A_7 : i32 to vector<16xi32>
    %add3A_9 = arith.addi %iota3A, %add3A_8 : vector<16xi32>
    %add3A_10 = arith.constant 159 : i32
    %add3A_11 = vector.broadcast %add3A_10 : i32 to vector<16xi32>
    %add3A_12 = arith.addi %iota3A, %add3A_11 : vector<16xi32>
    %add3A_13 = arith.constant 175 : i32
    %add3A_14 = vector.broadcast %add3A_13 : i32 to vector<16xi32>
    %add3A_15 = arith.addi %iota3A, %add3A_14 : vector<16xi32>
    %add3A_16 = arith.constant 191 : i32
    %add3A_17 = vector.broadcast %add3A_16 : i32 to vector<16xi32>
    %add3A_18 = arith.addi %iota3A, %add3A_17 : vector<16xi32>
    %add3A_19 = arith.constant 207 : i32
    %add3A_20 = vector.broadcast %add3A_19 : i32 to vector<16xi32>
    %add3A_21 = arith.addi %iota3A, %add3A_20 : vector<16xi32>
    %add3A_22 = arith.constant 223 : i32
    %add3A_23 = vector.broadcast %add3A_22 : i32 to vector<16xi32>
    %add3A_24 = arith.addi %iota3A, %add3A_23 : vector<16xi32>
    %add3A_25 = arith.constant 239 : i32
    %add3A_26 = vector.broadcast %add3A_25 : i32 to vector<16xi32>
    %add3A_27 = arith.addi %iota3A, %add3A_26 : vector<16xi32>
    %add3A_28 = arith.constant 0 : i32
    %add3A_29 = arith.addi %mul3A_2, %add3A_28 : i32
    %dma_start3A = arith.constant 0 : i32
    %dma_start3A_30 = arith.constant 0 : i32
    %dma_start3A_31 = arith.constant 0 : i32
    %dma_start3A_32 = tpu.memref_slice %arg5[%dma_start3A, %dma_start3A_30, %dma_start3A_31] : memref<2x128x255xf32, #tpu.memory_space<vmem>> -> memref<1x128x128xf32, #tpu.memory_space<vmem>>
    %dma_start3A_33 = tpu.memref_squeeze %dma_start3A_32 : memref<1x128x128xf32, #tpu.memory_space<vmem>> -> memref<128x128xf32, #tpu.memory_space<vmem>>
    %dma_start3A_34 = arith.constant 0 : i32
    %dma_start3A_35 = tpu.memref_slice %arg2[%add3A_29, %dma_start3A_34] : memref<16384x128xf32, #tpu.memory_space<hbm>> -> memref<128x128xf32, #tpu.memory_space<hbm>>
    %dma_start3A_36 = arith.constant 0 : i32
    %dma_start3A_37 = arith.constant 0 : i32
    %dma_start3A_38 = tpu.memref_slice %arg5[%dma_start3A, %dma_start3A_36, %dma_start3A_37] : memref<2x128x255xf32, #tpu.memory_space<vmem>> -> memref<1x128x128xf32, #tpu.memory_space<vmem>>
    %dma_start3A_39 = tpu.memref_squeeze %dma_start3A_38 : memref<1x128x128xf32, #tpu.memory_space<vmem>> -> memref<128x128xf32, #tpu.memory_space<vmem>>
    %dma_start3A_40 = arith.constant 0 : i32
    %dma_start3A_41 = tpu.memref_slice %arg2[%add3A_29, %dma_start3A_40] : memref<16384x128xf32, #tpu.memory_space<hbm>> -> memref<128x128xf32, #tpu.memory_space<hbm>>
    tpu.enqueue_dma source(%dma_start3A_41 : memref<128x128xf32, #tpu.memory_space<hbm>>) target(%dma_start3A_39 : memref<128x128xf32, #tpu.memory_space<vmem>>) target_semaphore(%arg8 : memref<!tpu.dma_semaphore, #tpu.memory_space<semaphore_mem>>)
    %scan3A = arith.constant 0 : i32
    %scan3A_42 = arith.constant 2 : i32
    %scan3A_43 = arith.addi %scan3A, %scan3A_42 : i32
    %scan3A_44 = arith.constant 1 : i32
    scf.for %scan3A_113 = %scan3A to %scan3A_43 step %scan3A_44  : i32 {
      %mul3A_114 = arith.constant 2 : i32
      %mul3A_115 = arith.muli %mul3A_114, %scan3A_113 : i32
      %add3A_116 = arith.constant 0 : i32
      %add3A_117 = arith.addi %mul3A_115, %add3A_116 : i32
      %mul3A_118 = arith.constant 128 : i32
      %mul3A_119 = arith.muli %add3A_117, %mul3A_118 : i32
      %add3A_120 = arith.addi %mul3A_2, %mul3A_119 : i32
      %dma_wait3A_121 = arith.constant 0 : i32
      %dma_wait3A_122 = arith.constant 0 : i32
      %dma_wait3A_123 = arith.constant 0 : i32
      %dma_wait3A_124 = tpu.memref_slice %arg5[%dma_wait3A_121, %dma_wait3A_122, %dma_wait3A_123] : memref<2x128x255xf32, #tpu.memory_space<vmem>> -> memref<1x128x128xf32, #tpu.memory_space<vmem>>
      %dma_wait3A_125 = tpu.memref_squeeze %dma_wait3A_124 : memref<1x128x128xf32, #tpu.memory_space<vmem>> -> memref<128x128xf32, #tpu.memory_space<vmem>>
      %dma_wait3A_126 = arith.constant 0 : i32
      %dma_wait3A_127 = tpu.memref_slice %arg2[%add3A_120, %dma_wait3A_126] : memref<16384x128xf32, #tpu.memory_space<hbm>> -> memref<128x128xf32, #tpu.memory_space<hbm>>
      %dma_wait3A_128 = arith.constant 0 : i32
      %dma_wait3A_129 = arith.constant 0 : i32
      %dma_wait3A_130 = tpu.memref_slice %arg5[%dma_wait3A_121, %dma_wait3A_128, %dma_wait3A_129] : memref<2x128x255xf32, #tpu.memory_space<vmem>> -> memref<1x128x128xf32, #tpu.memory_space<vmem>>
      %dma_wait3A_131 = tpu.memref_squeeze %dma_wait3A_130 : memref<1x128x128xf32, #tpu.memory_space<vmem>> -> memref<128x128xf32, #tpu.memory_space<vmem>>
      %dma_wait3A_132 = arith.constant 0 : i32
      %dma_wait3A_133 = tpu.memref_slice %arg2[%add3A_120, %dma_wait3A_132] : memref<16384x128xf32, #tpu.memory_space<hbm>> -> memref<128x128xf32, #tpu.memory_space<hbm>>
      tpu.wait_dma2 semaphore(%arg8 : memref<!tpu.dma_semaphore, #tpu.memory_space<semaphore_mem>>) src(%dma_wait3A_133 : memref<128x128xf32, #tpu.memory_space<hbm>>) dst(%dma_wait3A_131 : memref<128x128xf32, #tpu.memory_space<vmem>>)
      %add3A_134 = arith.constant 0 : i32
      %add3A_135 = vector.broadcast %add3A_134 : i32 to vector<16xi32>
      %add3A_136 = arith.addi %iota3A, %add3A_135 : vector<16xi32>
      %gather3A = arith.constant 0 : i32
      %gather3A_137 = arith.constant 0 : i32
      %gather3A_138 = arith.constant 0 : i32
      %gather3A_139 = tpu.memref_slice %arg5[%gather3A, %gather3A_137, %gather3A_138] : memref<2x128x255xf32, #tpu.memory_space<vmem>> -> memref<1x128x255xf32, #tpu.memory_space<vmem>>
      %gather3A_140 = tpu.memref_squeeze %gather3A_139 : memref<1x128x255xf32, #tpu.memory_space<vmem>> -> memref<128x255xf32, #tpu.memory_space<vmem>>
      %gather3A_141 = tpu.vector_load_idx %gather3A_140[%add3A_136, %broadcast_in_dim3A_3] : memref<128x255xf32, #tpu.memory_space<vmem>>[vector<16xi32>, vector<16xi32>], vector<16xf32>,
      %convert_element_type3A = arith.fptosi %gather3A_141 : vector<16xf32> to vector<16xi32>
      %swap3A = arith.constant 0 : i32
      %swap3A_142 = arith.index_cast %swap3A : i32 to index
      %swap3A_143 = arith.constant 0 : index
      %swap3A_144 = tpu.vector_load %arg7[%swap3A_142, %swap3A_143] {strides = array<i32>} : memref<2x128xi32, #tpu.memory_space<vmem>>, vector<16xi32>,
      tpu.vector_store %arg7[%swap3A_142, %swap3A_143], %convert_element_type3A {strides = array<i32>} : memref<2x128xi32, #tpu.memory_space<vmem>>, vector<16xi32>,
      %add3A_145 = arith.constant 16 : i32
      %add3A_146 = vector.broadcast %add3A_145 : i32 to vector<16xi32>
      %add3A_147 = arith.addi %iota3A, %add3A_146 : vector<16xi32>
      %gather3A_148 = arith.constant 0 : i32
      %gather3A_149 = arith.constant 0 : i32
      %gather3A_150 = arith.constant 0 : i32
      %gather3A_151 = tpu.memref_slice %arg5[%gather3A_148, %gather3A_149, %gather3A_150] : memref<2x128x255xf32, #tpu.memory_space<vmem>> -> memref<1x128x255xf32, #tpu.memory_space<vmem>>
      %gather3A_152 = tpu.memref_squeeze %gather3A_151 : memref<1x128x255xf32, #tpu.memory_space<vmem>> -> memref<128x255xf32, #tpu.memory_space<vmem>>
      %gather3A_153 = tpu.vector_load_idx %gather3A_152[%add3A_147, %broadcast_in_dim3A_3] : memref<128x255xf32, #tpu.memory_space<vmem>>[vector<16xi32>, vector<16xi32>], vector<16xf32>,
      %convert_element_type3A_154 = arith.fptosi %gather3A_153 : vector<16xf32> to vector<16xi32>
      %swap3A_155 = arith.constant 0 : i32
      %swap3A_156 = arith.index_cast %swap3A_155 : i32 to index
      %swap3A_157 = arith.constant 16 : index
      %swap3A_158 = tpu.vector_load %arg7[%swap3A_156, %swap3A_157] {strides = array<i32>} : memref<2x128xi32, #tpu.memory_space<vmem>>, vector<16xi32>,
      tpu.vector_store %arg7[%swap3A_156, %swap3A_157], %convert_element_type3A_154 {strides = array<i32>} : memref<2x128xi32, #tpu.memory_space<vmem>>, vector<16xi32>,
      %add3A_159 = arith.constant 32 : i32
      %add3A_160 = vector.broadcast %add3A_159 : i32 to vector<16xi32>
      %add3A_161 = arith.addi %iota3A, %add3A_160 : vector<16xi32>
      %gather3A_162 = arith.constant 0 : i32
      %gather3A_163 = arith.constant 0 : i32
      %gather3A_164 = arith.constant 0 : i32
      %gather3A_165 = tpu.memref_slice %arg5[%gather3A_162, %gather3A_163, %gather3A_164] : memref<2x128x255xf32, #tpu.memory_space<vmem>> -> memref<1x128x255xf32, #tpu.memory_space<vmem>>
      %gather3A_166 = tpu.memref_squeeze %gather3A_165 : memref<1x128x255xf32, #tpu.memory_space<vmem>> -> memref<128x255xf32, #tpu.memory_space<vmem>>
      %gather3A_167 = tpu.vector_load_idx %gather3A_166[%add3A_161, %broadcast_in_dim3A_3] : memref<128x255xf32, #tpu.memory_space<vmem>>[vector<16xi32>, vector<16xi32>], vector<16xf32>,
      %convert_element_type3A_168 = arith.fptosi %gather3A_167 : vector<16xf32> to vector<16xi32>
      %swap3A_169 = arith.constant 0 : i32
      %swap3A_170 = arith.index_cast %swap3A_169 : i32 to index
      %swap3A_171 = arith.constant 32 : index
      %swap3A_172 = tpu.vector_load %arg7[%swap3A_170, %swap3A_171] {strides = array<i32>} : memref<2x128xi32, #tpu.memory_space<vmem>>, vector<16xi32>,
      tpu.vector_store %arg7[%swap3A_170, %swap3A_171], %convert_element_type3A_168 {strides = array<i32>} : memref<2x128xi32, #tpu.memory_space<vmem>>, vector<16xi32>,
      %add3A_173 = arith.constant 48 : i32
      %add3A_174 = vector.broadcast %add3A_173 : i32 to vector<16xi32>
      %add3A_175 = arith.addi %iota3A, %add3A_174 : vector<16xi32>
      %gather3A_176 = arith.constant 0 : i32
      %gather3A_177 = arith.constant 0 : i32
      %gather3A_178 = arith.constant 0 : i32
      %gather3A_179 = tpu.memref_slice %arg5[%gather3A_176, %gather3A_177, %gather3A_178] : memref<2x128x255xf32, #tpu.memory_space<vmem>> -> memref<1x128x255xf32, #tpu.memory_space<vmem>>
      %gather3A_180 = tpu.memref_squeeze %gather3A_179 : memref<1x128x255xf32, #tpu.memory_space<vmem>> -> memref<128x255xf32, #tpu.memory_space<vmem>>
      %gather3A_181 = tpu.vector_load_idx %gather3A_180[%add3A_175, %broadcast_in_dim3A_3] : memref<128x255xf32, #tpu.memory_space<vmem>>[vector<16xi32>, vector<16xi32>], vector<16xf32>,
      %convert_element_type3A_182 = arith.fptosi %gather3A_181 : vector<16xf32> to vector<16xi32>
      %swap3A_183 = arith.constant 0 : i32
      %swap3A_184 = arith.index_cast %swap3A_183 : i32 to index
      %swap3A_185 = arith.constant 48 : index
      %swap3A_186 = tpu.vector_load %arg7[%swap3A_184, %swap3A_185] {strides = array<i32>} : memref<2x128xi32, #tpu.memory_space<vmem>>, vector<16xi32>,
      tpu.vector_store %arg7[%swap3A_184, %swap3A_185], %convert_element_type3A_182 {strides = array<i32>} : memref<2x128xi32, #tpu.memory_space<vmem>>, vector<16xi32>,
      %add3A_187 = arith.constant 64 : i32
      %add3A_188 = vector.broadcast %add3A_187 : i32 to vector<16xi32>
      %add3A_189 = arith.addi %iota3A, %add3A_188 : vector<16xi32>
      %gather3A_190 = arith.constant 0 : i32
      %gather3A_191 = arith.constant 0 : i32
      %gather3A_192 = arith.constant 0 : i32
      %gather3A_193 = tpu.memref_slice %arg5[%gather3A_190, %gather3A_191, %gather3A_192] : memref<2x128x255xf32, #tpu.memory_space<vmem>> -> memref<1x128x255xf32, #tpu.memory_space<vmem>>
      %gather3A_194 = tpu.memref_squeeze %gather3A_193 : memref<1x128x255xf32, #tpu.memory_space<vmem>> -> memref<128x255xf32, #tpu.memory_space<vmem>>
      %gather3A_195 = tpu.vector_load_idx %gather3A_194[%add3A_189, %broadcast_in_dim3A_3] : memref<128x255xf32, #tpu.memory_space<vmem>>[vector<16xi32>, vector<16xi32>], vector<16xf32>,
      %convert_element_type3A_196 = arith.fptosi %gather3A_195 : vector<16xf32> to vector<16xi32>
      %swap3A_197 = arith.constant 0 : i32
      %swap3A_198 = arith.index_cast %swap3A_197 : i32 to index
      %swap3A_199 = arith.constant 64 : index
      %swap3A_200 = tpu.vector_load %arg7[%swap3A_198, %swap3A_199] {strides = array<i32>} : memref<2x128xi32, #tpu.memory_space<vmem>>, vector<16xi32>,
      tpu.vector_store %arg7[%swap3A_198, %swap3A_199], %convert_element_type3A_196 {strides = array<i32>} : memref<2x128xi32, #tpu.memory_space<vmem>>, vector<16xi32>,
      %add3A_201 = arith.constant 80 : i32
      %add3A_202 = vector.broadcast %add3A_201 : i32 to vector<16xi32>
      %add3A_203 = arith.addi %iota3A, %add3A_202 : vector<16xi32>
      %gather3A_204 = arith.constant 0 : i32
      %gather3A_205 = arith.constant 0 : i32
      %gather3A_206 = arith.constant 0 : i32
      %gather3A_207 = tpu.memref_slice %arg5[%gather3A_204, %gather3A_205, %gather3A_206] : memref<2x128x255xf32, #tpu.memory_space<vmem>> -> memref<1x128x255xf32, #tpu.memory_space<vmem>>
      %gather3A_208 = tpu.memref_squeeze %gather3A_207 : memref<1x128x255xf32, #tpu.memory_space<vmem>> -> memref<128x255xf32, #tpu.memory_space<vmem>>
      %gather3A_209 = tpu.vector_load_idx %gather3A_208[%add3A_203, %broadcast_in_dim3A_3] : memref<128x255xf32, #tpu.memory_space<vmem>>[vector<16xi32>, vector<16xi32>], vector<16xf32>,
      %convert_element_type3A_210 = arith.fptosi %gather3A_209 : vector<16xf32> to vector<16xi32>
      %swap3A_211 = arith.constant 0 : i32
      %swap3A_212 = arith.index_cast %swap3A_211 : i32 to index
      %swap3A_213 = arith.constant 80 : index
      %swap3A_214 = tpu.vector_load %arg7[%swap3A_212, %swap3A_213] {strides = array<i32>} : memref<2x128xi32, #tpu.memory_space<vmem>>, vector<16xi32>,
      tpu.vector_store %arg7[%swap3A_212, %swap3A_213], %convert_element_type3A_210 {strides = array<i32>} : memref<2x128xi32, #tpu.memory_space<vmem>>, vector<16xi32>,
      %add3A_215 = arith.constant 96 : i32
      %add3A_216 = vector.broadcast %add3A_215 : i32 to vector<16xi32>
      %add3A_217 = arith.addi %iota3A, %add3A_216 : vector<16xi32>
      %gather3A_218 = arith.constant 0 : i32
      %gather3A_219 = arith.constant 0 : i32
      %gather3A_220 = arith.constant 0 : i32
      %gather3A_221 = tpu.memref_slice %arg5[%gather3A_218, %gather3A_219, %gather3A_220] : memref<2x128x255xf32, #tpu.memory_space<vmem>> -> memref<1x128x255xf32, #tpu.memory_space<vmem>>
      %gather3A_222 = tpu.memref_squeeze %gather3A_221 : memref<1x128x255xf32, #tpu.memory_space<vmem>> -> memref<128x255xf32, #tpu.memory_space<vmem>>
      %gather3A_223 = tpu.vector_load_idx %gather3A_222[%add3A_217, %broadcast_in_dim3A_3] : memref<128x255xf32, #tpu.memory_space<vmem>>[vector<16xi32>, vector<16xi32>], vector<16xf32>,
      %convert_element_type3A_224 = arith.fptosi %gather3A_223 : vector<16xf32> to vector<16xi32>
      %swap3A_225 = arith.constant 0 : i32
      %swap3A_226 = arith.index_cast %swap3A_225 : i32 to index
      %swap3A_227 = arith.constant 96 : index
      %swap3A_228 = tpu.vector_load %arg7[%swap3A_226, %swap3A_227] {strides = array<i32>} : memref<2x128xi32, #tpu.memory_space<vmem>>, vector<16xi32>,
      tpu.vector_store %arg7[%swap3A_226, %swap3A_227], %convert_element_type3A_224 {strides = array<i32>} : memref<2x128xi32, #tpu.memory_space<vmem>>, vector<16xi32>,
      %add3A_229 = arith.constant 112 : i32
      %add3A_230 = vector.broadcast %add3A_229 : i32 to vector<16xi32>
      %add3A_231 = arith.addi %iota3A, %add3A_230 : vector<16xi32>
      %gather3A_232 = arith.constant 0 : i32
      %gather3A_233 = arith.constant 0 : i32
      %gather3A_234 = arith.constant 0 : i32
      %gather3A_235 = tpu.memref_slice %arg5[%gather3A_232, %gather3A_233, %gather3A_234] : memref<2x128x255xf32, #tpu.memory_space<vmem>> -> memref<1x128x255xf32, #tpu.memory_space<vmem>>
      %gather3A_236 = tpu.memref_squeeze %gather3A_235 : memref<1x128x255xf32, #tpu.memory_space<vmem>> -> memref<128x255xf32, #tpu.memory_space<vmem>>
      %gather3A_237 = tpu.vector_load_idx %gather3A_236[%add3A_231, %broadcast_in_dim3A_3] : memref<128x255xf32, #tpu.memory_space<vmem>>[vector<16xi32>, vector<16xi32>], vector<16xf32>,
      %convert_element_type3A_238 = arith.fptosi %gather3A_237 : vector<16xf32> to vector<16xi32>
      %swap3A_239 = arith.constant 0 : i32
      %swap3A_240 = arith.index_cast %swap3A_239 : i32 to index
      %swap3A_241 = arith.constant 112 : index
      %swap3A_242 = tpu.vector_load %arg7[%swap3A_240, %swap3A_241] {strides = array<i32>} : memref<2x128xi32, #tpu.memory_space<vmem>>, vector<16xi32>,
      tpu.vector_store %arg7[%swap3A_240, %swap3A_241], %convert_element_type3A_238 {strides = array<i32>} : memref<2x128xi32, #tpu.memory_space<vmem>>, vector<16xi32>,
      %dma_start3A_243 = arith.constant 0 : i32
      %dma_start3A_244 = arith.constant 0 : i32
      %dma_start3A_245 = arith.constant 0 : i32
      %dma_start3A_246 = arith.constant 0 : i32
      %dma_start3A_247 = tpu.memref_slice %arg6[%dma_start3A_244, %dma_start3A_245, %dma_start3A_246] : memref<2x128x128xf32, #tpu.memory_space<vmem>> -> memref<1x128x128xf32, #tpu.memory_space<vmem>>
      %dma_start3A_248 = tpu.memref_squeeze %dma_start3A_247 : memref<1x128x128xf32, #tpu.memory_space<vmem>> -> memref<128x128xf32, #tpu.memory_space<vmem>>
      %dma_start3A_249 = arith.constant 0 : i32
      %dma_start3A_250 = tpu.memref_slice %arg7[%dma_start3A_243, %dma_start3A_249] : memref<2x128xi32, #tpu.memory_space<vmem>> -> memref<1x128xi32, #tpu.memory_space<vmem>>
      %dma_start3A_251 = tpu.memref_squeeze %dma_start3A_250 : memref<1x128xi32, #tpu.memory_space<vmem>> -> memref<128xi32, #tpu.memory_space<vmem>>
      %dma_start3A_252 = arith.constant 0 : i32
      %dma_start3A_253 = arith.constant 0 : i32
      %dma_start3A_254 = tpu.memref_slice %arg3[%dma_start3A_252, %dma_start3A_253] : memref<100000x128xf32, #tpu.memory_space<hbm>> -> memref<100000x128xf32, #tpu.memory_space<hbm>>
      tpu.enqueue_indirect_dma source(%dma_start3A_254 : memref<100000x128xf32, #tpu.memory_space<hbm>>) target(%dma_start3A_248 : memref<128x128xf32, #tpu.memory_space<vmem>>) offsets(%dma_start3A_251 : memref<128xi32, #tpu.memory_space<vmem>>) semaphore(%arg10 : memref<!tpu.dma_semaphore, #tpu.memory_space<semaphore_mem>>)
      %gt3A = arith.constant 0 : i32
      %gt3A_255 = arith.cmpi sgt, %scan3A_113, %gt3A : i32
      %convert_element_type3A_256 = arith.extui %gt3A_255 : i1 to i32
      %cond3A = arith.constant 0 : i32
      %cond3A_257 = arith.cmpi ne, %convert_element_type3A_256, %cond3A : i32
      scf.if %cond3A_257 {
        %mul3A_531 = arith.constant 2 : i32
        %mul3A_532 = arith.muli %mul3A_531, %scan3A_113 : i32
        %sub3A = arith.constant 1 : i32
        %sub3A_533 = arith.subi %mul3A_532, %sub3A : i32
        %mul3A_534 = arith.constant 128 : i32
        %mul3A_535 = arith.muli %sub3A_533, %mul3A_534 : i32
        %add3A_536 = arith.addi %mul3A_2, %mul3A_535 : i32
        %add3A_537 = arith.constant 0 : i32
        %add3A_538 = arith.addi %add3A_536, %add3A_537 : i32
        %dma_wait3A_539 = arith.constant 1 : i32
        %dma_wait3A_540 = arith.constant 0 : i32
        %dma_wait3A_541 = arith.constant 0 : i32
        %dma_wait3A_542 = tpu.memref_slice %arg5[%dma_wait3A_539, %dma_wait3A_540, %dma_wait3A_541] : memref<2x128x255xf32, #tpu.memory_space<vmem>> -> memref<1x64x255xf32, #tpu.memory_space<vmem>>
        %dma_wait3A_543 = tpu.memref_squeeze %dma_wait3A_542 : memref<1x64x255xf32, #tpu.memory_space<vmem>> -> memref<64x255xf32, #tpu.memory_space<vmem>>
        %dma_wait3A_544 = arith.constant 0 : i32
        %dma_wait3A_545 = tpu.memref_slice %arg4[%add3A_538, %dma_wait3A_544] : memref<16384x255xf32, #tpu.memory_space<hbm>> -> memref<64x255xf32, #tpu.memory_space<hbm>>
        %dma_wait3A_546 = arith.constant 0 : i32
        %dma_wait3A_547 = tpu.memref_slice %arg4[%add3A_538, %dma_wait3A_546] : memref<16384x255xf32, #tpu.memory_space<hbm>> -> memref<64x255xf32, #tpu.memory_space<hbm>>
        %dma_wait3A_548 = arith.constant 0 : i32
        %dma_wait3A_549 = arith.constant 0 : i32
        %dma_wait3A_550 = tpu.memref_slice %arg5[%dma_wait3A_539, %dma_wait3A_548, %dma_wait3A_549] : memref<2x128x255xf32, #tpu.memory_space<vmem>> -> memref<1x64x255xf32, #tpu.memory_space<vmem>>
        %dma_wait3A_551 = tpu.memref_squeeze %dma_wait3A_550 : memref<1x64x255xf32, #tpu.memory_space<vmem>> -> memref<64x255xf32, #tpu.memory_space<vmem>>
        tpu.wait_dma2 semaphore(%arg12 : memref<!tpu.dma_semaphore, #tpu.memory_space<semaphore_mem>>) src(%dma_wait3A_551 : memref<64x255xf32, #tpu.memory_space<vmem>>) dst(%dma_wait3A_547 : memref<64x255xf32, #tpu.memory_space<hbm>>)
        %mul3A_552 = arith.constant 128 : i32
        %mul3A_553 = arith.muli %sub3A_533, %mul3A_552 : i32
        %add3A_554 = arith.addi %mul3A_2, %mul3A_553 : i32
        %add3A_555 = arith.constant 64 : i32
        %add3A_556 = arith.addi %add3A_554, %add3A_555 : i32
        %dma_wait3A_557 = arith.constant 1 : i32
        %dma_wait3A_558 = arith.constant 64 : i32
        %dma_wait3A_559 = arith.constant 0 : i32
        %dma_wait3A_560 = tpu.memref_slice %arg5[%dma_wait3A_557, %dma_wait3A_558, %dma_wait3A_559] : memref<2x128x255xf32, #tpu.memory_space<vmem>> -> memref<1x64x255xf32, #tpu.memory_space<vmem>>
        %dma_wait3A_561 = tpu.memref_squeeze %dma_wait3A_560 : memref<1x64x255xf32, #tpu.memory_space<vmem>> -> memref<64x255xf32, #tpu.memory_space<vmem>>
        %dma_wait3A_562 = arith.constant 0 : i32
        %dma_wait3A_563 = tpu.memref_slice %arg4[%add3A_556, %dma_wait3A_562] : memref<16384x255xf32, #tpu.memory_space<hbm>> -> memref<64x255xf32, #tpu.memory_space<hbm>>
        %dma_wait3A_564 = arith.constant 0 : i32
        %dma_wait3A_565 = tpu.memref_slice %arg4[%add3A_556, %dma_wait3A_564] : memref<16384x255xf32, #tpu.memory_space<hbm>> -> memref<64x255xf32, #tpu.memory_space<hbm>>
        %dma_wait3A_566 = arith.constant 64 : i32
        %dma_wait3A_567 = arith.constant 0 : i32
        %dma_wait3A_568 = tpu.memref_slice %arg5[%dma_wait3A_557, %dma_wait3A_566, %dma_wait3A_567] : memref<2x128x255xf32, #tpu.memory_space<vmem>> -> memref<1x64x255xf32, #tpu.memory_space<vmem>>
        %dma_wait3A_569 = tpu.memref_squeeze %dma_wait3A_568 : memref<1x64x255xf32, #tpu.memory_space<vmem>> -> memref<64x255xf32, #tpu.memory_space<vmem>>
        tpu.wait_dma2 semaphore(%arg12 : memref<!tpu.dma_semaphore, #tpu.memory_space<semaphore_mem>>) src(%dma_wait3A_569 : memref<64x255xf32, #tpu.memory_space<vmem>>) dst(%dma_wait3A_565 : memref<64x255xf32, #tpu.memory_space<hbm>>)
      } else {
      }
      %add3A_258 = arith.constant 1 : i32
      %add3A_259 = arith.addi %add3A_117, %add3A_258 : i32
      %mul3A_260 = arith.constant 128 : i32
      %mul3A_261 = arith.muli %add3A_259, %mul3A_260 : i32
      %add3A_262 = arith.addi %mul3A_2, %mul3A_261 : i32
      %dma_start3A_263 = arith.constant 1 : i32
      %dma_start3A_264 = arith.constant 0 : i32
      %dma_start3A_265 = arith.constant 0 : i32
      %dma_start3A_266 = tpu.memref_slice %arg5[%dma_start3A_263, %dma_start3A_264, %dma_start3A_265] : memref<2x128x255xf32, #tpu.memory_space<vmem>> -> memref<1x128x128xf32, #tpu.memory_space<vmem>>
      %dma_start3A_267 = tpu.memref_squeeze %dma_start3A_266 : memref<1x128x128xf32, #tpu.memory_space<vmem>> -> memref<128x128xf32, #tpu.memory_space<vmem>>
      %dma_start3A_268 = arith.constant 0 : i32
      %dma_start3A_269 = tpu.memref_slice %arg2[%add3A_262, %dma_start3A_268] : memref<16384x128xf32, #tpu.memory_space<hbm>> -> memref<128x128xf32, #tpu.memory_space<hbm>>
      %dma_start3A_270 = arith.constant 0 : i32
      %dma_start3A_271 = arith.constant 0 : i32
      %dma_start3A_272 = tpu.memref_slice %arg5[%dma_start3A_263, %dma_start3A_270, %dma_start3A_271] : memref<2x128x255xf32, #tpu.memory_space<vmem>> -> memref<1x128x128xf32, #tpu.memory_space<vmem>>
      %dma_start3A_273 = tpu.memref_squeeze %dma_start3A_272 : memref<1x128x128xf32, #tpu.memory_space<vmem>> -> memref<128x128xf32, #tpu.memory_space<vmem>>
      %dma_start3A_274 = arith.constant 0 : i32
      %dma_start3A_275 = tpu.memref_slice %arg2[%add3A_262, %dma_start3A_274] : memref<16384x128xf32, #tpu.memory_space<hbm>> -> memref<128x128xf32, #tpu.memory_space<hbm>>
      tpu.enqueue_dma source(%dma_start3A_275 : memref<128x128xf32, #tpu.memory_space<hbm>>) target(%dma_start3A_273 : memref<128x128xf32, #tpu.memory_space<vmem>>) target_semaphore(%arg9 : memref<!tpu.dma_semaphore, #tpu.memory_space<semaphore_mem>>)
      %dma_wait3A_276 = arith.constant 0 : i32
      %dma_wait3A_277 = arith.constant 0 : i32
      %dma_wait3A_278 = arith.constant 0 : i32
      %dma_wait3A_279 = arith.constant 0 : i32
      %dma_wait3A_280 = tpu.memref_slice %arg6[%dma_wait3A_277, %dma_wait3A_278, %dma_wait3A_279] : memref<2x128x128xf32, #tpu.memory_space<vmem>> -> memref<1x128x128xf32, #tpu.memory_space<vmem>>
      %dma_wait3A_281 = tpu.memref_squeeze %dma_wait3A_280 : memref<1x128x128xf32, #tpu.memory_space<vmem>> -> memref<128x128xf32, #tpu.memory_space<vmem>>
      %dma_wait3A_282 = arith.constant 0 : i32
      %dma_wait3A_283 = tpu.memref_slice %arg7[%dma_wait3A_276, %dma_wait3A_282] : memref<2x128xi32, #tpu.memory_space<vmem>> -> memref<1x128xi32, #tpu.memory_space<vmem>>
      %dma_wait3A_284 = tpu.memref_squeeze %dma_wait3A_283 : memref<1x128xi32, #tpu.memory_space<vmem>> -> memref<128xi32, #tpu.memory_space<vmem>>
      %dma_wait3A_285 = arith.constant 0 : i32
      %dma_wait3A_286 = arith.constant 0 : i32
      %dma_wait3A_287 = tpu.memref_slice %arg3[%dma_wait3A_285, %dma_wait3A_286] : memref<100000x128xf32, #tpu.memory_space<hbm>> -> memref<100000x128xf32, #tpu.memory_space<hbm>>
      tpu.wait_indirect_dma semaphore(%arg10 : memref<!tpu.dma_semaphore, #tpu.memory_space<semaphore_mem>>) src(%dma_wait3A_287 : memref<100000x128xf32, #tpu.memory_space<hbm>>) dst(%dma_wait3A_281 : memref<128x128xf32, #tpu.memory_space<vmem>>)
      %parallel_loop3A = arith.constant 0 : i32
      %parallel_loop3A_288 = arith.constant 64 : i32
      %parallel_loop3A_289 = arith.constant 1 : i32
      scf.for %parallel_loop3A_531 = %parallel_loop3A to %parallel_loop3A_288 step %parallel_loop3A_289  : i32 {
        %parallel_loop3A_532 = arith.constant 0 : i32
        %parallel_loop3A_533 = vector.broadcast %parallel_loop3A_532 : i32 to vector<16xi32>
        %parallel_loop3A_534 = vector.broadcast %parallel_loop3A_531 : i32 to vector<16xi32>
        %parallel_loop3A_535 = arith.addi %parallel_loop3A_533, %parallel_loop3A_534 : vector<16xi32>
        %parallel_loop3A_536 = arith.constant 0 : i32
        %parallel_loop3A_537 = arith.index_cast %parallel_loop3A_536 : i32 to index
        %parallel_loop3A_538 = arith.index_cast %parallel_loop3A_531 : i32 to index
        %parallel_loop3A_539 = arith.constant 0 : index
        %parallel_loop3A_540 = tpu.vector_load %arg6[%parallel_loop3A_537, %parallel_loop3A_538, %parallel_loop3A_539] {strides = array<i32>} : memref<2x128x128xf32, #tpu.memory_space<vmem>>, vector<16xf32>,
        %parallel_loop3A_541 = arith.constant 0 : i32
        %parallel_loop3A_542 = arith.constant 0 : i32
        %parallel_loop3A_543 = arith.constant 0 : i32
        %parallel_loop3A_544 = tpu.memref_slice %arg5[%parallel_loop3A_541, %parallel_loop3A_542, %parallel_loop3A_543] : memref<2x128x255xf32, #tpu.memory_space<vmem>> -> memref<1x128x255xf32, #tpu.memory_space<vmem>>
        %parallel_loop3A_545 = tpu.memref_squeeze %parallel_loop3A_544 : memref<1x128x255xf32, #tpu.memory_space<vmem>> -> memref<128x255xf32, #tpu.memory_space<vmem>>
        tpu.vector_store_idx %parallel_loop3A_545[%parallel_loop3A_535, %add3A_6], %parallel_loop3A_540 : memref<128x255xf32, #tpu.memory_space<vmem>>[vector<16xi32>, vector<16xi32>], vector<16xf32>,
        %parallel_loop3A_546 = arith.constant 0 : i32
        %parallel_loop3A_547 = arith.index_cast %parallel_loop3A_546 : i32 to index
        %parallel_loop3A_548 = arith.index_cast %parallel_loop3A_531 : i32 to index
        %parallel_loop3A_549 = arith.constant 16 : index
        %parallel_loop3A_550 = tpu.vector_load %arg6[%parallel_loop3A_547, %parallel_loop3A_548, %parallel_loop3A_549] {strides = array<i32>} : memref<2x128x128xf32, #tpu.memory_space<vmem>>, vector<16xf32>,
        %parallel_loop3A_551 = arith.constant 0 : i32
        %parallel_loop3A_552 = arith.constant 0 : i32
        %parallel_loop3A_553 = arith.constant 0 : i32
        %parallel_loop3A_554 = tpu.memref_slice %arg5[%parallel_loop3A_551, %parallel_loop3A_552, %parallel_loop3A_553] : memref<2x128x255xf32, #tpu.memory_space<vmem>> -> memref<1x128x255xf32, #tpu.memory_space<vmem>>
        %parallel_loop3A_555 = tpu.memref_squeeze %parallel_loop3A_554 : memref<1x128x255xf32, #tpu.memory_space<vmem>> -> memref<128x255xf32, #tpu.memory_space<vmem>>
        tpu.vector_store_idx %parallel_loop3A_555[%parallel_loop3A_535, %add3A_9], %parallel_loop3A_550 : memref<128x255xf32, #tpu.memory_space<vmem>>[vector<16xi32>, vector<16xi32>], vector<16xf32>,
        %parallel_loop3A_556 = arith.constant 0 : i32
        %parallel_loop3A_557 = arith.index_cast %parallel_loop3A_556 : i32 to index
        %parallel_loop3A_558 = arith.index_cast %parallel_loop3A_531 : i32 to index
        %parallel_loop3A_559 = arith.constant 32 : index
        %parallel_loop3A_560 = tpu.vector_load %arg6[%parallel_loop3A_557, %parallel_loop3A_558, %parallel_loop3A_559] {strides = array<i32>} : memref<2x128x128xf32, #tpu.memory_space<vmem>>, vector<16xf32>,
        %parallel_loop3A_561 = arith.constant 0 : i32
        %parallel_loop3A_562 = arith.constant 0 : i32
        %parallel_loop3A_563 = arith.constant 0 : i32
        %parallel_loop3A_564 = tpu.memref_slice %arg5[%parallel_loop3A_561, %parallel_loop3A_562, %parallel_loop3A_563] : memref<2x128x255xf32, #tpu.memory_space<vmem>> -> memref<1x128x255xf32, #tpu.memory_space<vmem>>
        %parallel_loop3A_565 = tpu.memref_squeeze %parallel_loop3A_564 : memref<1x128x255xf32, #tpu.memory_space<vmem>> -> memref<128x255xf32, #tpu.memory_space<vmem>>
        tpu.vector_store_idx %parallel_loop3A_565[%parallel_loop3A_535, %add3A_12], %parallel_loop3A_560 : memref<128x255xf32, #tpu.memory_space<vmem>>[vector<16xi32>, vector<16xi32>], vector<16xf32>,
        %parallel_loop3A_566 = arith.constant 0 : i32
        %parallel_loop3A_567 = arith.index_cast %parallel_loop3A_566 : i32 to index
        %parallel_loop3A_568 = arith.index_cast %parallel_loop3A_531 : i32 to index
        %parallel_loop3A_569 = arith.constant 48 : index
        %parallel_loop3A_570 = tpu.vector_load %arg6[%parallel_loop3A_567, %parallel_loop3A_568, %parallel_loop3A_569] {strides = array<i32>} : memref<2x128x128xf32, #tpu.memory_space<vmem>>, vector<16xf32>,
        %parallel_loop3A_571 = arith.constant 0 : i32
        %parallel_loop3A_572 = arith.constant 0 : i32
        %parallel_loop3A_573 = arith.constant 0 : i32
        %parallel_loop3A_574 = tpu.memref_slice %arg5[%parallel_loop3A_571, %parallel_loop3A_572, %parallel_loop3A_573] : memref<2x128x255xf32, #tpu.memory_space<vmem>> -> memref<1x128x255xf32, #tpu.memory_space<vmem>>
        %parallel_loop3A_575 = tpu.memref_squeeze %parallel_loop3A_574 : memref<1x128x255xf32, #tpu.memory_space<vmem>> -> memref<128x255xf32, #tpu.memory_space<vmem>>
        tpu.vector_store_idx %parallel_loop3A_575[%parallel_loop3A_535, %add3A_15], %parallel_loop3A_570 : memref<128x255xf32, #tpu.memory_space<vmem>>[vector<16xi32>, vector<16xi32>], vector<16xf32>,
        %parallel_loop3A_576 = arith.constant 0 : i32
        %parallel_loop3A_577 = arith.index_cast %parallel_loop3A_576 : i32 to index
        %parallel_loop3A_578 = arith.index_cast %parallel_loop3A_531 : i32 to index
        %parallel_loop3A_579 = arith.constant 64 : index
        %parallel_loop3A_580 = tpu.vector_load %arg6[%parallel_loop3A_577, %parallel_loop3A_578, %parallel_loop3A_579] {strides = array<i32>} : memref<2x128x128xf32, #tpu.memory_space<vmem>>, vector<16xf32>,
        %parallel_loop3A_581 = arith.constant 0 : i32
        %parallel_loop3A_582 = arith.constant 0 : i32
        %parallel_loop3A_583 = arith.constant 0 : i32
        %parallel_loop3A_584 = tpu.memref_slice %arg5[%parallel_loop3A_581, %parallel_loop3A_582, %parallel_loop3A_583] : memref<2x128x255xf32, #tpu.memory_space<vmem>> -> memref<1x128x255xf32, #tpu.memory_space<vmem>>
        %parallel_loop3A_585 = tpu.memref_squeeze %parallel_loop3A_584 : memref<1x128x255xf32, #tpu.memory_space<vmem>> -> memref<128x255xf32, #tpu.memory_space<vmem>>
        tpu.vector_store_idx %parallel_loop3A_585[%parallel_loop3A_535, %add3A_18], %parallel_loop3A_580 : memref<128x255xf32, #tpu.memory_space<vmem>>[vector<16xi32>, vector<16xi32>], vector<16xf32>,
        %parallel_loop3A_586 = arith.constant 0 : i32
        %parallel_loop3A_587 = arith.index_cast %parallel_loop3A_586 : i32 to index
        %parallel_loop3A_588 = arith.index_cast %parallel_loop3A_531 : i32 to index
        %parallel_loop3A_589 = arith.constant 80 : index
        %parallel_loop3A_590 = tpu.vector_load %arg6[%parallel_loop3A_587, %parallel_loop3A_588, %parallel_loop3A_589] {strides = array<i32>} : memref<2x128x128xf32, #tpu.memory_space<vmem>>, vector<16xf32>,
        %parallel_loop3A_591 = arith.constant 0 : i32
        %parallel_loop3A_592 = arith.constant 0 : i32
        %parallel_loop3A_593 = arith.constant 0 : i32
        %parallel_loop3A_594 = tpu.memref_slice %arg5[%parallel_loop3A_591, %parallel_loop3A_592, %parallel_loop3A_593] : memref<2x128x255xf32, #tpu.memory_space<vmem>> -> memref<1x128x255xf32, #tpu.memory_space<vmem>>
        %parallel_loop3A_595 = tpu.memref_squeeze %parallel_loop3A_594 : memref<1x128x255xf32, #tpu.memory_space<vmem>> -> memref<128x255xf32, #tpu.memory_space<vmem>>
        tpu.vector_store_idx %parallel_loop3A_595[%parallel_loop3A_535, %add3A_21], %parallel_loop3A_590 : memref<128x255xf32, #tpu.memory_space<vmem>>[vector<16xi32>, vector<16xi32>], vector<16xf32>,
        %parallel_loop3A_596 = arith.constant 0 : i32
        %parallel_loop3A_597 = arith.index_cast %parallel_loop3A_596 : i32 to index
        %parallel_loop3A_598 = arith.index_cast %parallel_loop3A_531 : i32 to index
        %parallel_loop3A_599 = arith.constant 96 : index
        %parallel_loop3A_600 = tpu.vector_load %arg6[%parallel_loop3A_597, %parallel_loop3A_598, %parallel_loop3A_599] {strides = array<i32>} : memref<2x128x128xf32, #tpu.memory_space<vmem>>, vector<16xf32>,
        %parallel_loop3A_601 = arith.constant 0 : i32
        %parallel_loop3A_602 = arith.constant 0 : i32
        %parallel_loop3A_603 = arith.constant 0 : i32
        %parallel_loop3A_604 = tpu.memref_slice %arg5[%parallel_loop3A_601, %parallel_loop3A_602, %parallel_loop3A_603] : memref<2x128x255xf32, #tpu.memory_space<vmem>> -> memref<1x128x255xf32, #tpu.memory_space<vmem>>
        %parallel_loop3A_605 = tpu.memref_squeeze %parallel_loop3A_604 : memref<1x128x255xf32, #tpu.memory_space<vmem>> -> memref<128x255xf32, #tpu.memory_space<vmem>>
        tpu.vector_store_idx %parallel_loop3A_605[%parallel_loop3A_535, %add3A_24], %parallel_loop3A_600 : memref<128x255xf32, #tpu.memory_space<vmem>>[vector<16xi32>, vector<16xi32>], vector<16xf32>,
        %parallel_loop3A_606 = arith.constant 0 : i32
        %parallel_loop3A_607 = arith.index_cast %parallel_loop3A_606 : i32 to index
        %parallel_loop3A_608 = arith.index_cast %parallel_loop3A_531 : i32 to index
        %parallel_loop3A_609 = arith.constant 112 : index
        %parallel_loop3A_610 = tpu.vector_load %arg6[%parallel_loop3A_607, %parallel_loop3A_608, %parallel_loop3A_609] {strides = array<i32>} : memref<2x128x128xf32, #tpu.memory_space<vmem>>, vector<16xf32>,
        %parallel_loop3A_611 = arith.constant 0 : i32
        %parallel_loop3A_612 = arith.constant 0 : i32
        %parallel_loop3A_613 = arith.constant 0 : i32
        %parallel_loop3A_614 = tpu.memref_slice %arg5[%parallel_loop3A_611, %parallel_loop3A_612, %parallel_loop3A_613] : memref<2x128x255xf32, #tpu.memory_space<vmem>> -> memref<1x128x255xf32, #tpu.memory_space<vmem>>
        %parallel_loop3A_615 = tpu.memref_squeeze %parallel_loop3A_614 : memref<1x128x255xf32, #tpu.memory_space<vmem>> -> memref<128x255xf32, #tpu.memory_space<vmem>>
        tpu.vector_store_idx %parallel_loop3A_615[%parallel_loop3A_535, %add3A_27], %parallel_loop3A_610 : memref<128x255xf32, #tpu.memory_space<vmem>>[vector<16xi32>, vector<16xi32>], vector<16xf32>,
      } {sc.loop_unroll_factor = 2 : i64, sc.parallel_access}
      %mul3A_290 = arith.constant 128 : i32
      %mul3A_291 = arith.muli %add3A_117, %mul3A_290 : i32
      %add3A_292 = arith.addi %mul3A_2, %mul3A_291 : i32
      %add3A_293 = arith.constant 0 : i32
      %add3A_294 = arith.addi %add3A_292, %add3A_293 : i32
      %dma_start3A_295 = arith.constant 0 : i32
      %dma_start3A_296 = arith.constant 0 : i32
      %dma_start3A_297 = arith.constant 0 : i32
      %dma_start3A_298 = tpu.memref_slice %arg5[%dma_start3A_295, %dma_start3A_296, %dma_start3A_297] : memref<2x128x255xf32, #tpu.memory_space<vmem>> -> memref<1x64x255xf32, #tpu.memory_space<vmem>>
      %dma_start3A_299 = tpu.memref_squeeze %dma_start3A_298 : memref<1x64x255xf32, #tpu.memory_space<vmem>> -> memref<64x255xf32, #tpu.memory_space<vmem>>
      %dma_start3A_300 = arith.constant 0 : i32
      %dma_start3A_301 = tpu.memref_slice %arg4[%add3A_294, %dma_start3A_300] : memref<16384x255xf32, #tpu.memory_space<hbm>> -> memref<64x255xf32, #tpu.memory_space<hbm>>
      %dma_start3A_302 = arith.constant 0 : i32
      %dma_start3A_303 = tpu.memref_slice %arg4[%add3A_294, %dma_start3A_302] : memref<16384x255xf32, #tpu.memory_space<hbm>> -> memref<64x255xf32, #tpu.memory_space<hbm>>
      %dma_start3A_304 = arith.constant 0 : i32
      %dma_start3A_305 = arith.constant 0 : i32
      %dma_start3A_306 = tpu.memref_slice %arg5[%dma_start3A_295, %dma_start3A_304, %dma_start3A_305] : memref<2x128x255xf32, #tpu.memory_space<vmem>> -> memref<1x64x255xf32, #tpu.memory_space<vmem>>
      %dma_start3A_307 = tpu.memref_squeeze %dma_start3A_306 : memref<1x64x255xf32, #tpu.memory_space<vmem>> -> memref<64x255xf32, #tpu.memory_space<vmem>>
      tpu.enqueue_dma source(%dma_start3A_307 : memref<64x255xf32, #tpu.memory_space<vmem>>) target(%dma_start3A_303 : memref<64x255xf32, #tpu.memory_space<hbm>>) target_semaphore(%arg11 : memref<!tpu.dma_semaphore, #tpu.memory_space<semaphore_mem>>)
      %parallel_loop3A_308 = arith.constant 64 : i32
      %parallel_loop3A_309 = arith.constant 128 : i32
      %parallel_loop3A_310 = arith.constant 1 : i32
      scf.for %parallel_loop3A_531 = %parallel_loop3A_308 to %parallel_loop3A_309 step %parallel_loop3A_310  : i32 {
        %parallel_loop3A_532 = arith.constant 0 : i32
        %parallel_loop3A_533 = vector.broadcast %parallel_loop3A_532 : i32 to vector<16xi32>
        %parallel_loop3A_534 = vector.broadcast %parallel_loop3A_531 : i32 to vector<16xi32>
        %parallel_loop3A_535 = arith.addi %parallel_loop3A_533, %parallel_loop3A_534 : vector<16xi32>
        %parallel_loop3A_536 = arith.constant 0 : i32
        %parallel_loop3A_537 = arith.index_cast %parallel_loop3A_536 : i32 to index
        %parallel_loop3A_538 = arith.index_cast %parallel_loop3A_531 : i32 to index
        %parallel_loop3A_539 = arith.constant 0 : index
        %parallel_loop3A_540 = tpu.vector_load %arg6[%parallel_loop3A_537, %parallel_loop3A_538, %parallel_loop3A_539] {strides = array<i32>} : memref<2x128x128xf32, #tpu.memory_space<vmem>>, vector<16xf32>,
        %parallel_loop3A_541 = arith.constant 0 : i32
        %parallel_loop3A_542 = arith.constant 0 : i32
        %parallel_loop3A_543 = arith.constant 0 : i32
        %parallel_loop3A_544 = tpu.memref_slice %arg5[%parallel_loop3A_541, %parallel_loop3A_542, %parallel_loop3A_543] : memref<2x128x255xf32, #tpu.memory_space<vmem>> -> memref<1x128x255xf32, #tpu.memory_space<vmem>>
        %parallel_loop3A_545 = tpu.memref_squeeze %parallel_loop3A_544 : memref<1x128x255xf32, #tpu.memory_space<vmem>> -> memref<128x255xf32, #tpu.memory_space<vmem>>
        tpu.vector_store_idx %parallel_loop3A_545[%parallel_loop3A_535, %add3A_6], %parallel_loop3A_540 : memref<128x255xf32, #tpu.memory_space<vmem>>[vector<16xi32>, vector<16xi32>], vector<16xf32>,
        %parallel_loop3A_546 = arith.constant 0 : i32
        %parallel_loop3A_547 = arith.index_cast %parallel_loop3A_546 : i32 to index
        %parallel_loop3A_548 = arith.index_cast %parallel_loop3A_531 : i32 to index
        %parallel_loop3A_549 = arith.constant 16 : index
        %parallel_loop3A_550 = tpu.vector_load %arg6[%parallel_loop3A_547, %parallel_loop3A_548, %parallel_loop3A_549] {strides = array<i32>} : memref<2x128x128xf32, #tpu.memory_space<vmem>>, vector<16xf32>,
        %parallel_loop3A_551 = arith.constant 0 : i32
        %parallel_loop3A_552 = arith.constant 0 : i32
        %parallel_loop3A_553 = arith.constant 0 : i32
        %parallel_loop3A_554 = tpu.memref_slice %arg5[%parallel_loop3A_551, %parallel_loop3A_552, %parallel_loop3A_553] : memref<2x128x255xf32, #tpu.memory_space<vmem>> -> memref<1x128x255xf32, #tpu.memory_space<vmem>>
        %parallel_loop3A_555 = tpu.memref_squeeze %parallel_loop3A_554 : memref<1x128x255xf32, #tpu.memory_space<vmem>> -> memref<128x255xf32, #tpu.memory_space<vmem>>
        tpu.vector_store_idx %parallel_loop3A_555[%parallel_loop3A_535, %add3A_9], %parallel_loop3A_550 : memref<128x255xf32, #tpu.memory_space<vmem>>[vector<16xi32>, vector<16xi32>], vector<16xf32>,
        %parallel_loop3A_556 = arith.constant 0 : i32
        %parallel_loop3A_557 = arith.index_cast %parallel_loop3A_556 : i32 to index
        %parallel_loop3A_558 = arith.index_cast %parallel_loop3A_531 : i32 to index
        %parallel_loop3A_559 = arith.constant 32 : index
        %parallel_loop3A_560 = tpu.vector_load %arg6[%parallel_loop3A_557, %parallel_loop3A_558, %parallel_loop3A_559] {strides = array<i32>} : memref<2x128x128xf32, #tpu.memory_space<vmem>>, vector<16xf32>,
        %parallel_loop3A_561 = arith.constant 0 : i32
        %parallel_loop3A_562 = arith.constant 0 : i32
        %parallel_loop3A_563 = arith.constant 0 : i32
        %parallel_loop3A_564 = tpu.memref_slice %arg5[%parallel_loop3A_561, %parallel_loop3A_562, %parallel_loop3A_563] : memref<2x128x255xf32, #tpu.memory_space<vmem>> -> memref<1x128x255xf32, #tpu.memory_space<vmem>>
        %parallel_loop3A_565 = tpu.memref_squeeze %parallel_loop3A_564 : memref<1x128x255xf32, #tpu.memory_space<vmem>> -> memref<128x255xf32, #tpu.memory_space<vmem>>
        tpu.vector_store_idx %parallel_loop3A_565[%parallel_loop3A_535, %add3A_12], %parallel_loop3A_560 : memref<128x255xf32, #tpu.memory_space<vmem>>[vector<16xi32>, vector<16xi32>], vector<16xf32>,
        %parallel_loop3A_566 = arith.constant 0 : i32
        %parallel_loop3A_567 = arith.index_cast %parallel_loop3A_566 : i32 to index
        %parallel_loop3A_568 = arith.index_cast %parallel_loop3A_531 : i32 to index
        %parallel_loop3A_569 = arith.constant 48 : index
        %parallel_loop3A_570 = tpu.vector_load %arg6[%parallel_loop3A_567, %parallel_loop3A_568, %parallel_loop3A_569] {strides = array<i32>} : memref<2x128x128xf32, #tpu.memory_space<vmem>>, vector<16xf32>,
        %parallel_loop3A_571 = arith.constant 0 : i32
        %parallel_loop3A_572 = arith.constant 0 : i32
        %parallel_loop3A_573 = arith.constant 0 : i32
        %parallel_loop3A_574 = tpu.memref_slice %arg5[%parallel_loop3A_571, %parallel_loop3A_572, %parallel_loop3A_573] : memref<2x128x255xf32, #tpu.memory_space<vmem>> -> memref<1x128x255xf32, #tpu.memory_space<vmem>>
        %parallel_loop3A_575 = tpu.memref_squeeze %parallel_loop3A_574 : memref<1x128x255xf32, #tpu.memory_space<vmem>> -> memref<128x255xf32, #tpu.memory_space<vmem>>
        tpu.vector_store_idx %parallel_loop3A_575[%parallel_loop3A_535, %add3A_15], %parallel_loop3A_570 : memref<128x255xf32, #tpu.memory_space<vmem>>[vector<16xi32>, vector<16xi32>], vector<16xf32>,
        %parallel_loop3A_576 = arith.constant 0 : i32
        %parallel_loop3A_577 = arith.index_cast %parallel_loop3A_576 : i32 to index
        %parallel_loop3A_578 = arith.index_cast %parallel_loop3A_531 : i32 to index
        %parallel_loop3A_579 = arith.constant 64 : index
        %parallel_loop3A_580 = tpu.vector_load %arg6[%parallel_loop3A_577, %parallel_loop3A_578, %parallel_loop3A_579] {strides = array<i32>} : memref<2x128x128xf32, #tpu.memory_space<vmem>>, vector<16xf32>,
        %parallel_loop3A_581 = arith.constant 0 : i32
        %parallel_loop3A_582 = arith.constant 0 : i32
        %parallel_loop3A_583 = arith.constant 0 : i32
        %parallel_loop3A_584 = tpu.memref_slice %arg5[%parallel_loop3A_581, %parallel_loop3A_582, %parallel_loop3A_583] : memref<2x128x255xf32, #tpu.memory_space<vmem>> -> memref<1x128x255xf32, #tpu.memory_space<vmem>>
        %parallel_loop3A_585 = tpu.memref_squeeze %parallel_loop3A_584 : memref<1x128x255xf32, #tpu.memory_space<vmem>> -> memref<128x255xf32, #tpu.memory_space<vmem>>
        tpu.vector_store_idx %parallel_loop3A_585[%parallel_loop3A_535, %add3A_18], %parallel_loop3A_580 : memref<128x255xf32, #tpu.memory_space<vmem>>[vector<16xi32>, vector<16xi32>], vector<16xf32>,
        %parallel_loop3A_586 = arith.constant 0 : i32
        %parallel_loop3A_587 = arith.index_cast %parallel_loop3A_586 : i32 to index
        %parallel_loop3A_588 = arith.index_cast %parallel_loop3A_531 : i32 to index
        %parallel_loop3A_589 = arith.constant 80 : index
        %parallel_loop3A_590 = tpu.vector_load %arg6[%parallel_loop3A_587, %parallel_loop3A_588, %parallel_loop3A_589] {strides = array<i32>} : memref<2x128x128xf32, #tpu.memory_space<vmem>>, vector<16xf32>,
        %parallel_loop3A_591 = arith.constant 0 : i32
        %parallel_loop3A_592 = arith.constant 0 : i32
        %parallel_loop3A_593 = arith.constant 0 : i32
        %parallel_loop3A_594 = tpu.memref_slice %arg5[%parallel_loop3A_591, %parallel_loop3A_592, %parallel_loop3A_593] : memref<2x128x255xf32, #tpu.memory_space<vmem>> -> memref<1x128x255xf32, #tpu.memory_space<vmem>>
        %parallel_loop3A_595 = tpu.memref_squeeze %parallel_loop3A_594 : memref<1x128x255xf32, #tpu.memory_space<vmem>> -> memref<128x255xf32, #tpu.memory_space<vmem>>
        tpu.vector_store_idx %parallel_loop3A_595[%parallel_loop3A_535, %add3A_21], %parallel_loop3A_590 : memref<128x255xf32, #tpu.memory_space<vmem>>[vector<16xi32>, vector<16xi32>], vector<16xf32>,
        %parallel_loop3A_596 = arith.constant 0 : i32
        %parallel_loop3A_597 = arith.index_cast %parallel_loop3A_596 : i32 to index
        %parallel_loop3A_598 = arith.index_cast %parallel_loop3A_531 : i32 to index
        %parallel_loop3A_599 = arith.constant 96 : index
        %parallel_loop3A_600 = tpu.vector_load %arg6[%parallel_loop3A_597, %parallel_loop3A_598, %parallel_loop3A_599] {strides = array<i32>} : memref<2x128x128xf32, #tpu.memory_space<vmem>>, vector<16xf32>,
        %parallel_loop3A_601 = arith.constant 0 : i32
        %parallel_loop3A_602 = arith.constant 0 : i32
        %parallel_loop3A_603 = arith.constant 0 : i32
        %parallel_loop3A_604 = tpu.memref_slice %arg5[%parallel_loop3A_601, %parallel_loop3A_602, %parallel_loop3A_603] : memref<2x128x255xf32, #tpu.memory_space<vmem>> -> memref<1x128x255xf32, #tpu.memory_space<vmem>>
        %parallel_loop3A_605 = tpu.memref_squeeze %parallel_loop3A_604 : memref<1x128x255xf32, #tpu.memory_space<vmem>> -> memref<128x255xf32, #tpu.memory_space<vmem>>
        tpu.vector_store_idx %parallel_loop3A_605[%parallel_loop3A_535, %add3A_24], %parallel_loop3A_600 : memref<128x255xf32, #tpu.memory_space<vmem>>[vector<16xi32>, vector<16xi32>], vector<16xf32>,
        %parallel_loop3A_606 = arith.constant 0 : i32
        %parallel_loop3A_607 = arith.index_cast %parallel_loop3A_606 : i32 to index
        %parallel_loop3A_608 = arith.index_cast %parallel_loop3A_531 : i32 to index
        %parallel_loop3A_609 = arith.constant 112 : index
        %parallel_loop3A_610 = tpu.vector_load %arg6[%parallel_loop3A_607, %parallel_loop3A_608, %parallel_loop3A_609] {strides = array<i32>} : memref<2x128x128xf32, #tpu.memory_space<vmem>>, vector<16xf32>,
        %parallel_loop3A_611 = arith.constant 0 : i32
        %parallel_loop3A_612 = arith.constant 0 : i32
        %parallel_loop3A_613 = arith.constant 0 : i32
        %parallel_loop3A_614 = tpu.memref_slice %arg5[%parallel_loop3A_611, %parallel_loop3A_612, %parallel_loop3A_613] : memref<2x128x255xf32, #tpu.memory_space<vmem>> -> memref<1x128x255xf32, #tpu.memory_space<vmem>>
        %parallel_loop3A_615 = tpu.memref_squeeze %parallel_loop3A_614 : memref<1x128x255xf32, #tpu.memory_space<vmem>> -> memref<128x255xf32, #tpu.memory_space<vmem>>
        tpu.vector_store_idx %parallel_loop3A_615[%parallel_loop3A_535, %add3A_27], %parallel_loop3A_610 : memref<128x255xf32, #tpu.memory_space<vmem>>[vector<16xi32>, vector<16xi32>], vector<16xf32>,
      } {sc.loop_unroll_factor = 2 : i64, sc.parallel_access}
      %mul3A_311 = arith.constant 128 : i32
      %mul3A_312 = arith.muli %add3A_117, %mul3A_311 : i32
      %add3A_313 = arith.addi %mul3A_2, %mul3A_312 : i32
      %add3A_314 = arith.constant 64 : i32
      %add3A_315 = arith.addi %add3A_313, %add3A_314 : i32
      %dma_start3A_316 = arith.constant 0 : i32
      %dma_start3A_317 = arith.constant 64 : i32
      %dma_start3A_318 = arith.constant 0 : i32
      %dma_start3A_319 = tpu.memref_slice %arg5[%dma_start3A_316, %dma_start3A_317, %dma_start3A_318] : memref<2x128x255xf32, #tpu.memory_space<vmem>> -> memref<1x64x255xf32, #tpu.memory_space<vmem>>
      %dma_start3A_320 = tpu.memref_squeeze %dma_start3A_319 : memref<1x64x255xf32, #tpu.memory_space<vmem>> -> memref<64x255xf32, #tpu.memory_space<vmem>>
      %dma_start3A_321 = arith.constant 0 : i32
      %dma_start3A_322 = tpu.memref_slice %arg4[%add3A_315, %dma_start3A_321] : memref<16384x255xf32, #tpu.memory_space<hbm>> -> memref<64x255xf32, #tpu.memory_space<hbm>>
      %dma_start3A_323 = arith.constant 0 : i32
      %dma_start3A_324 = tpu.memref_slice %arg4[%add3A_315, %dma_start3A_323] : memref<16384x255xf32, #tpu.memory_space<hbm>> -> memref<64x255xf32, #tpu.memory_space<hbm>>
      %dma_start3A_325 = arith.constant 64 : i32
      %dma_start3A_326 = arith.constant 0 : i32
      %dma_start3A_327 = tpu.memref_slice %arg5[%dma_start3A_316, %dma_start3A_325, %dma_start3A_326] : memref<2x128x255xf32, #tpu.memory_space<vmem>> -> memref<1x64x255xf32, #tpu.memory_space<vmem>>
      %dma_start3A_328 = tpu.memref_squeeze %dma_start3A_327 : memref<1x64x255xf32, #tpu.memory_space<vmem>> -> memref<64x255xf32, #tpu.memory_space<vmem>>
      tpu.enqueue_dma source(%dma_start3A_328 : memref<64x255xf32, #tpu.memory_space<vmem>>) target(%dma_start3A_324 : memref<64x255xf32, #tpu.memory_space<hbm>>) target_semaphore(%arg11 : memref<!tpu.dma_semaphore, #tpu.memory_space<semaphore_mem>>)
      %mul3A_329 = arith.constant 2 : i32
      %mul3A_330 = arith.muli %mul3A_329, %scan3A_113 : i32
      %add3A_331 = arith.constant 1 : i32
      %add3A_332 = arith.addi %mul3A_330, %add3A_331 : i32
      %mul3A_333 = arith.constant 128 : i32
      %mul3A_334 = arith.muli %add3A_332, %mul3A_333 : i32
      %add3A_335 = arith.addi %mul3A_2, %mul3A_334 : i32
      %dma_wait3A_336 = arith.constant 1 : i32
      %dma_wait3A_337 = arith.constant 0 : i32
      %dma_wait3A_338 = arith.constant 0 : i32
      %dma_wait3A_339 = tpu.memref_slice %arg5[%dma_wait3A_336, %dma_wait3A_337, %dma_wait3A_338] : memref<2x128x255xf32, #tpu.memory_space<vmem>> -> memref<1x128x128xf32, #tpu.memory_space<vmem>>
      %dma_wait3A_340 = tpu.memref_squeeze %dma_wait3A_339 : memref<1x128x128xf32, #tpu.memory_space<vmem>> -> memref<128x128xf32, #tpu.memory_space<vmem>>
      %dma_wait3A_341 = arith.constant 0 : i32
      %dma_wait3A_342 = tpu.memref_slice %arg2[%add3A_335, %dma_wait3A_341] : memref<16384x128xf32, #tpu.memory_space<hbm>> -> memref<128x128xf32, #tpu.memory_space<hbm>>
      %dma_wait3A_343 = arith.constant 0 : i32
      %dma_wait3A_344 = arith.constant 0 : i32
      %dma_wait3A_345 = tpu.memref_slice %arg5[%dma_wait3A_336, %dma_wait3A_343, %dma_wait3A_344] : memref<2x128x255xf32, #tpu.memory_space<vmem>> -> memref<1x128x128xf32, #tpu.memory_space<vmem>>
      %dma_wait3A_346 = tpu.memref_squeeze %dma_wait3A_345 : memref<1x128x128xf32, #tpu.memory_space<vmem>> -> memref<128x128xf32, #tpu.memory_space<vmem>>
      %dma_wait3A_347 = arith.constant 0 : i32
      %dma_wait3A_348 = tpu.memref_slice %arg2[%add3A_335, %dma_wait3A_347] : memref<16384x128xf32, #tpu.memory_space<hbm>> -> memref<128x128xf32, #tpu.memory_space<hbm>>
      tpu.wait_dma2 semaphore(%arg9 : memref<!tpu.dma_semaphore, #tpu.memory_space<semaphore_mem>>) src(%dma_wait3A_348 : memref<128x128xf32, #tpu.memory_space<hbm>>) dst(%dma_wait3A_346 : memref<128x128xf32, #tpu.memory_space<vmem>>)
      %add3A_349 = arith.constant 0 : i32
      %add3A_350 = vector.broadcast %add3A_349 : i32 to vector<16xi32>
      %add3A_351 = arith.addi %iota3A, %add3A_350 : vector<16xi32>
      %gather3A_352 = arith.constant 1 : i32
      %gather3A_353 = arith.constant 0 : i32
      %gather3A_354 = arith.constant 0 : i32
      %gather3A_355 = tpu.memref_slice %arg5[%gather3A_352, %gather3A_353, %gather3A_354] : memref<2x128x255xf32, #tpu.memory_space<vmem>> -> memref<1x128x255xf32, #tpu.memory_space<vmem>>
      %gather3A_356 = tpu.memref_squeeze %gather3A_355 : memref<1x128x255xf32, #tpu.memory_space<vmem>> -> memref<128x255xf32, #tpu.memory_space<vmem>>
      %gather3A_357 = tpu.vector_load_idx %gather3A_356[%add3A_351, %broadcast_in_dim3A_3] : memref<128x255xf32, #tpu.memory_space<vmem>>[vector<16xi32>, vector<16xi32>], vector<16xf32>,
      %convert_element_type3A_358 = arith.fptosi %gather3A_357 : vector<16xf32> to vector<16xi32>
      %swap3A_359 = arith.constant 1 : i32
      %swap3A_360 = arith.index_cast %swap3A_359 : i32 to index
      %swap3A_361 = arith.constant 0 : index
      %swap3A_362 = tpu.vector_load %arg7[%swap3A_360, %swap3A_361] {strides = array<i32>} : memref<2x128xi32, #tpu.memory_space<vmem>>, vector<16xi32>,
      tpu.vector_store %arg7[%swap3A_360, %swap3A_361], %convert_element_type3A_358 {strides = array<i32>} : memref<2x128xi32, #tpu.memory_space<vmem>>, vector<16xi32>,
      %add3A_363 = arith.constant 16 : i32
      %add3A_364 = vector.broadcast %add3A_363 : i32 to vector<16xi32>
      %add3A_365 = arith.addi %iota3A, %add3A_364 : vector<16xi32>
      %gather3A_366 = arith.constant 1 : i32
      %gather3A_367 = arith.constant 0 : i32
      %gather3A_368 = arith.constant 0 : i32
      %gather3A_369 = tpu.memref_slice %arg5[%gather3A_366, %gather3A_367, %gather3A_368] : memref<2x128x255xf32, #tpu.memory_space<vmem>> -> memref<1x128x255xf32, #tpu.memory_space<vmem>>
      %gather3A_370 = tpu.memref_squeeze %gather3A_369 : memref<1x128x255xf32, #tpu.memory_space<vmem>> -> memref<128x255xf32, #tpu.memory_space<vmem>>
      %gather3A_371 = tpu.vector_load_idx %gather3A_370[%add3A_365, %broadcast_in_dim3A_3] : memref<128x255xf32, #tpu.memory_space<vmem>>[vector<16xi32>, vector<16xi32>], vector<16xf32>,
      %convert_element_type3A_372 = arith.fptosi %gather3A_371 : vector<16xf32> to vector<16xi32>
      %swap3A_373 = arith.constant 1 : i32
      %swap3A_374 = arith.index_cast %swap3A_373 : i32 to index
      %swap3A_375 = arith.constant 16 : index
      %swap3A_376 = tpu.vector_load %arg7[%swap3A_374, %swap3A_375] {strides = array<i32>} : memref<2x128xi32, #tpu.memory_space<vmem>>, vector<16xi32>,
      tpu.vector_store %arg7[%swap3A_374, %swap3A_375], %convert_element_type3A_372 {strides = array<i32>} : memref<2x128xi32, #tpu.memory_space<vmem>>, vector<16xi32>,
      %add3A_377 = arith.constant 32 : i32
      %add3A_378 = vector.broadcast %add3A_377 : i32 to vector<16xi32>
      %add3A_379 = arith.addi %iota3A, %add3A_378 : vector<16xi32>
      %gather3A_380 = arith.constant 1 : i32
      %gather3A_381 = arith.constant 0 : i32
      %gather3A_382 = arith.constant 0 : i32
      %gather3A_383 = tpu.memref_slice %arg5[%gather3A_380, %gather3A_381, %gather3A_382] : memref<2x128x255xf32, #tpu.memory_space<vmem>> -> memref<1x128x255xf32, #tpu.memory_space<vmem>>
      %gather3A_384 = tpu.memref_squeeze %gather3A_383 : memref<1x128x255xf32, #tpu.memory_space<vmem>> -> memref<128x255xf32, #tpu.memory_space<vmem>>
      %gather3A_385 = tpu.vector_load_idx %gather3A_384[%add3A_379, %broadcast_in_dim3A_3] : memref<128x255xf32, #tpu.memory_space<vmem>>[vector<16xi32>, vector<16xi32>], vector<16xf32>,
      %convert_element_type3A_386 = arith.fptosi %gather3A_385 : vector<16xf32> to vector<16xi32>
      %swap3A_387 = arith.constant 1 : i32
      %swap3A_388 = arith.index_cast %swap3A_387 : i32 to index
      %swap3A_389 = arith.constant 32 : index
      %swap3A_390 = tpu.vector_load %arg7[%swap3A_388, %swap3A_389] {strides = array<i32>} : memref<2x128xi32, #tpu.memory_space<vmem>>, vector<16xi32>,
      tpu.vector_store %arg7[%swap3A_388, %swap3A_389], %convert_element_type3A_386 {strides = array<i32>} : memref<2x128xi32, #tpu.memory_space<vmem>>, vector<16xi32>,
      %add3A_391 = arith.constant 48 : i32
      %add3A_392 = vector.broadcast %add3A_391 : i32 to vector<16xi32>
      %add3A_393 = arith.addi %iota3A, %add3A_392 : vector<16xi32>
      %gather3A_394 = arith.constant 1 : i32
      %gather3A_395 = arith.constant 0 : i32
      %gather3A_396 = arith.constant 0 : i32
      %gather3A_397 = tpu.memref_slice %arg5[%gather3A_394, %gather3A_395, %gather3A_396] : memref<2x128x255xf32, #tpu.memory_space<vmem>> -> memref<1x128x255xf32, #tpu.memory_space<vmem>>
      %gather3A_398 = tpu.memref_squeeze %gather3A_397 : memref<1x128x255xf32, #tpu.memory_space<vmem>> -> memref<128x255xf32, #tpu.memory_space<vmem>>
      %gather3A_399 = tpu.vector_load_idx %gather3A_398[%add3A_393, %broadcast_in_dim3A_3] : memref<128x255xf32, #tpu.memory_space<vmem>>[vector<16xi32>, vector<16xi32>], vector<16xf32>,
      %convert_element_type3A_400 = arith.fptosi %gather3A_399 : vector<16xf32> to vector<16xi32>
      %swap3A_401 = arith.constant 1 : i32
      %swap3A_402 = arith.index_cast %swap3A_401 : i32 to index
      %swap3A_403 = arith.constant 48 : index
      %swap3A_404 = tpu.vector_load %arg7[%swap3A_402, %swap3A_403] {strides = array<i32>} : memref<2x128xi32, #tpu.memory_space<vmem>>, vector<16xi32>,
      tpu.vector_store %arg7[%swap3A_402, %swap3A_403], %convert_element_type3A_400 {strides = array<i32>} : memref<2x128xi32, #tpu.memory_space<vmem>>, vector<16xi32>,
      %add3A_405 = arith.constant 64 : i32
      %add3A_406 = vector.broadcast %add3A_405 : i32 to vector<16xi32>
      %add3A_407 = arith.addi %iota3A, %add3A_406 : vector<16xi32>
      %gather3A_408 = arith.constant 1 : i32
      %gather3A_409 = arith.constant 0 : i32
      %gather3A_410 = arith.constant 0 : i32
      %gather3A_411 = tpu.memref_slice %arg5[%gather3A_408, %gather3A_409, %gather3A_410] : memref<2x128x255xf32, #tpu.memory_space<vmem>> -> memref<1x128x255xf32, #tpu.memory_space<vmem>>
      %gather3A_412 = tpu.memref_squeeze %gather3A_411 : memref<1x128x255xf32, #tpu.memory_space<vmem>> -> memref<128x255xf32, #tpu.memory_space<vmem>>
      %gather3A_413 = tpu.vector_load_idx %gather3A_412[%add3A_407, %broadcast_in_dim3A_3] : memref<128x255xf32, #tpu.memory_space<vmem>>[vector<16xi32>, vector<16xi32>], vector<16xf32>,
      %convert_element_type3A_414 = arith.fptosi %gather3A_413 : vector<16xf32> to vector<16xi32>
      %swap3A_415 = arith.constant 1 : i32
      %swap3A_416 = arith.index_cast %swap3A_415 : i32 to index
      %swap3A_417 = arith.constant 64 : index
      %swap3A_418 = tpu.vector_load %arg7[%swap3A_416, %swap3A_417] {strides = array<i32>} : memref<2x128xi32, #tpu.memory_space<vmem>>, vector<16xi32>,
      tpu.vector_store %arg7[%swap3A_416, %swap3A_417], %convert_element_type3A_414 {strides = array<i32>} : memref<2x128xi32, #tpu.memory_space<vmem>>, vector<16xi32>,
      %add3A_419 = arith.constant 80 : i32
      %add3A_420 = vector.broadcast %add3A_419 : i32 to vector<16xi32>
      %add3A_421 = arith.addi %iota3A, %add3A_420 : vector<16xi32>
      %gather3A_422 = arith.constant 1 : i32
      %gather3A_423 = arith.constant 0 : i32
      %gather3A_424 = arith.constant 0 : i32
      %gather3A_425 = tpu.memref_slice %arg5[%gather3A_422, %gather3A_423, %gather3A_424] : memref<2x128x255xf32, #tpu.memory_space<vmem>> -> memref<1x128x255xf32, #tpu.memory_space<vmem>>
      %gather3A_426 = tpu.memref_squeeze %gather3A_425 : memref<1x128x255xf32, #tpu.memory_space<vmem>> -> memref<128x255xf32, #tpu.memory_space<vmem>>
      %gather3A_427 = tpu.vector_load_idx %gather3A_426[%add3A_421, %broadcast_in_dim3A_3] : memref<128x255xf32, #tpu.memory_space<vmem>>[vector<16xi32>, vector<16xi32>], vector<16xf32>,
      %convert_element_type3A_428 = arith.fptosi %gather3A_427 : vector<16xf32> to vector<16xi32>
      %swap3A_429 = arith.constant 1 : i32
      %swap3A_430 = arith.index_cast %swap3A_429 : i32 to index
      %swap3A_431 = arith.constant 80 : index
      %swap3A_432 = tpu.vector_load %arg7[%swap3A_430, %swap3A_431] {strides = array<i32>} : memref<2x128xi32, #tpu.memory_space<vmem>>, vector<16xi32>,
      tpu.vector_store %arg7[%swap3A_430, %swap3A_431], %convert_element_type3A_428 {strides = array<i32>} : memref<2x128xi32, #tpu.memory_space<vmem>>, vector<16xi32>,
      %add3A_433 = arith.constant 96 : i32
      %add3A_434 = vector.broadcast %add3A_433 : i32 to vector<16xi32>
      %add3A_435 = arith.addi %iota3A, %add3A_434 : vector<16xi32>
      %gather3A_436 = arith.constant 1 : i32
      %gather3A_437 = arith.constant 0 : i32
      %gather3A_438 = arith.constant 0 : i32
      %gather3A_439 = tpu.memref_slice %arg5[%gather3A_436, %gather3A_437, %gather3A_438] : memref<2x128x255xf32, #tpu.memory_space<vmem>> -> memref<1x128x255xf32, #tpu.memory_space<vmem>>
      %gather3A_440 = tpu.memref_squeeze %gather3A_439 : memref<1x128x255xf32, #tpu.memory_space<vmem>> -> memref<128x255xf32, #tpu.memory_space<vmem>>
      %gather3A_441 = tpu.vector_load_idx %gather3A_440[%add3A_435, %broadcast_in_dim3A_3] : memref<128x255xf32, #tpu.memory_space<vmem>>[vector<16xi32>, vector<16xi32>], vector<16xf32>,
      %convert_element_type3A_442 = arith.fptosi %gather3A_441 : vector<16xf32> to vector<16xi32>
      %swap3A_443 = arith.constant 1 : i32
      %swap3A_444 = arith.index_cast %swap3A_443 : i32 to index
      %swap3A_445 = arith.constant 96 : index
      %swap3A_446 = tpu.vector_load %arg7[%swap3A_444, %swap3A_445] {strides = array<i32>} : memref<2x128xi32, #tpu.memory_space<vmem>>, vector<16xi32>,
      tpu.vector_store %arg7[%swap3A_444, %swap3A_445], %convert_element_type3A_442 {strides = array<i32>} : memref<2x128xi32, #tpu.memory_space<vmem>>, vector<16xi32>,
      %add3A_447 = arith.constant 112 : i32
      %add3A_448 = vector.broadcast %add3A_447 : i32 to vector<16xi32>
      %add3A_449 = arith.addi %iota3A, %add3A_448 : vector<16xi32>
      %gather3A_450 = arith.constant 1 : i32
      %gather3A_451 = arith.constant 0 : i32
      %gather3A_452 = arith.constant 0 : i32
      %gather3A_453 = tpu.memref_slice %arg5[%gather3A_450, %gather3A_451, %gather3A_452] : memref<2x128x255xf32, #tpu.memory_space<vmem>> -> memref<1x128x255xf32, #tpu.memory_space<vmem>>
      %gather3A_454 = tpu.memref_squeeze %gather3A_453 : memref<1x128x255xf32, #tpu.memory_space<vmem>> -> memref<128x255xf32, #tpu.memory_space<vmem>>
      %gather3A_455 = tpu.vector_load_idx %gather3A_454[%add3A_449, %broadcast_in_dim3A_3] : memref<128x255xf32, #tpu.memory_space<vmem>>[vector<16xi32>, vector<16xi32>], vector<16xf32>,
      %convert_element_type3A_456 = arith.fptosi %gather3A_455 : vector<16xf32> to vector<16xi32>
      %swap3A_457 = arith.constant 1 : i32
      %swap3A_458 = arith.index_cast %swap3A_457 : i32 to index
      %swap3A_459 = arith.constant 112 : index
      %swap3A_460 = tpu.vector_load %arg7[%swap3A_458, %swap3A_459] {strides = array<i32>} : memref<2x128xi32, #tpu.memory_space<vmem>>, vector<16xi32>,
      tpu.vector_store %arg7[%swap3A_458, %swap3A_459], %convert_element_type3A_456 {strides = array<i32>} : memref<2x128xi32, #tpu.memory_space<vmem>>, vector<16xi32>,
      %dma_start3A_461 = arith.constant 1 : i32
      %dma_start3A_462 = arith.constant 1 : i32
      %dma_start3A_463 = arith.constant 0 : i32
      %dma_start3A_464 = arith.constant 0 : i32
      %dma_start3A_465 = tpu.memref_slice %arg6[%dma_start3A_462, %dma_start3A_463, %dma_start3A_464] : memref<2x128x128xf32, #tpu.memory_space<vmem>> -> memref<1x128x128xf32, #tpu.memory_space<vmem>>
      %dma_start3A_466 = tpu.memref_squeeze %dma_start3A_465 : memref<1x128x128xf32, #tpu.memory_space<vmem>> -> memref<128x128xf32, #tpu.memory_space<vmem>>
      %dma_start3A_467 = arith.constant 0 : i32
      %dma_start3A_468 = tpu.memref_slice %arg7[%dma_start3A_461, %dma_start3A_467] : memref<2x128xi32, #tpu.memory_space<vmem>> -> memref<1x128xi32, #tpu.memory_space<vmem>>
      %dma_start3A_469 = tpu.memref_squeeze %dma_start3A_468 : memref<1x128xi32, #tpu.memory_space<vmem>> -> memref<128xi32, #tpu.memory_space<vmem>>
      %dma_start3A_470 = arith.constant 0 : i32
      %dma_start3A_471 = arith.constant 0 : i32
      %dma_start3A_472 = tpu.memref_slice %arg3[%dma_start3A_470, %dma_start3A_471] : memref<100000x128xf32, #tpu.memory_space<hbm>> -> memref<100000x128xf32, #tpu.memory_space<hbm>>
      tpu.enqueue_indirect_dma source(%dma_start3A_472 : memref<100000x128xf32, #tpu.memory_space<hbm>>) target(%dma_start3A_466 : memref<128x128xf32, #tpu.memory_space<vmem>>) offsets(%dma_start3A_469 : memref<128xi32, #tpu.memory_space<vmem>>) semaphore(%arg10 : memref<!tpu.dma_semaphore, #tpu.memory_space<semaphore_mem>>)
      %lt3A = arith.constant 1 : i32
      %lt3A_473 = arith.cmpi slt, %scan3A_113, %lt3A : i32
      %convert_element_type3A_474 = arith.extui %lt3A_473 : i1 to i32
      %cond3A_475 = arith.constant 0 : i32
      %cond3A_476 = arith.cmpi ne, %convert_element_type3A_474, %cond3A_475 : i32
      scf.if %cond3A_476 {
        %sub3A = arith.constant 1 : i32
        %sub3A_531 = arith.subi %add3A_332, %sub3A : i32
        %mul3A_532 = arith.constant 128 : i32
        %mul3A_533 = arith.muli %sub3A_531, %mul3A_532 : i32
        %add3A_534 = arith.addi %mul3A_2, %mul3A_533 : i32
        %add3A_535 = arith.constant 0 : i32
        %add3A_536 = arith.addi %add3A_534, %add3A_535 : i32
        %dma_wait3A_537 = arith.constant 0 : i32
        %dma_wait3A_538 = arith.constant 0 : i32
        %dma_wait3A_539 = arith.constant 0 : i32
        %dma_wait3A_540 = tpu.memref_slice %arg5[%dma_wait3A_537, %dma_wait3A_538, %dma_wait3A_539] : memref<2x128x255xf32, #tpu.memory_space<vmem>> -> memref<1x64x255xf32, #tpu.memory_space<vmem>>
        %dma_wait3A_541 = tpu.memref_squeeze %dma_wait3A_540 : memref<1x64x255xf32, #tpu.memory_space<vmem>> -> memref<64x255xf32, #tpu.memory_space<vmem>>
        %dma_wait3A_542 = arith.constant 0 : i32
        %dma_wait3A_543 = tpu.memref_slice %arg4[%add3A_536, %dma_wait3A_542] : memref<16384x255xf32, #tpu.memory_space<hbm>> -> memref<64x255xf32, #tpu.memory_space<hbm>>
        %dma_wait3A_544 = arith.constant 0 : i32
        %dma_wait3A_545 = tpu.memref_slice %arg4[%add3A_536, %dma_wait3A_544] : memref<16384x255xf32, #tpu.memory_space<hbm>> -> memref<64x255xf32, #tpu.memory_space<hbm>>
        %dma_wait3A_546 = arith.constant 0 : i32
        %dma_wait3A_547 = arith.constant 0 : i32
        %dma_wait3A_548 = tpu.memref_slice %arg5[%dma_wait3A_537, %dma_wait3A_546, %dma_wait3A_547] : memref<2x128x255xf32, #tpu.memory_space<vmem>> -> memref<1x64x255xf32, #tpu.memory_space<vmem>>
        %dma_wait3A_549 = tpu.memref_squeeze %dma_wait3A_548 : memref<1x64x255xf32, #tpu.memory_space<vmem>> -> memref<64x255xf32, #tpu.memory_space<vmem>>
        tpu.wait_dma2 semaphore(%arg11 : memref<!tpu.dma_semaphore, #tpu.memory_space<semaphore_mem>>) src(%dma_wait3A_549 : memref<64x255xf32, #tpu.memory_space<vmem>>) dst(%dma_wait3A_545 : memref<64x255xf32, #tpu.memory_space<hbm>>)
        %mul3A_550 = arith.constant 128 : i32
        %mul3A_551 = arith.muli %sub3A_531, %mul3A_550 : i32
        %add3A_552 = arith.addi %mul3A_2, %mul3A_551 : i32
        %add3A_553 = arith.constant 64 : i32
        %add3A_554 = arith.addi %add3A_552, %add3A_553 : i32
        %dma_wait3A_555 = arith.constant 0 : i32
        %dma_wait3A_556 = arith.constant 64 : i32
        %dma_wait3A_557 = arith.constant 0 : i32
        %dma_wait3A_558 = tpu.memref_slice %arg5[%dma_wait3A_555, %dma_wait3A_556, %dma_wait3A_557] : memref<2x128x255xf32, #tpu.memory_space<vmem>> -> memref<1x64x255xf32, #tpu.memory_space<vmem>>
        %dma_wait3A_559 = tpu.memref_squeeze %dma_wait3A_558 : memref<1x64x255xf32, #tpu.memory_space<vmem>> -> memref<64x255xf32, #tpu.memory_space<vmem>>
        %dma_wait3A_560 = arith.constant 0 : i32
        %dma_wait3A_561 = tpu.memref_slice %arg4[%add3A_554, %dma_wait3A_560] : memref<16384x255xf32, #tpu.memory_space<hbm>> -> memref<64x255xf32, #tpu.memory_space<hbm>>
        %dma_wait3A_562 = arith.constant 0 : i32
        %dma_wait3A_563 = tpu.memref_slice %arg4[%add3A_554, %dma_wait3A_562] : memref<16384x255xf32, #tpu.memory_space<hbm>> -> memref<64x255xf32, #tpu.memory_space<hbm>>
        %dma_wait3A_564 = arith.constant 64 : i32
        %dma_wait3A_565 = arith.constant 0 : i32
        %dma_wait3A_566 = tpu.memref_slice %arg5[%dma_wait3A_555, %dma_wait3A_564, %dma_wait3A_565] : memref<2x128x255xf32, #tpu.memory_space<vmem>> -> memref<1x64x255xf32, #tpu.memory_space<vmem>>
        %dma_wait3A_567 = tpu.memref_squeeze %dma_wait3A_566 : memref<1x64x255xf32, #tpu.memory_space<vmem>> -> memref<64x255xf32, #tpu.memory_space<vmem>>
        tpu.wait_dma2 semaphore(%arg11 : memref<!tpu.dma_semaphore, #tpu.memory_space<semaphore_mem>>) src(%dma_wait3A_567 : memref<64x255xf32, #tpu.memory_space<vmem>>) dst(%dma_wait3A_563 : memref<64x255xf32, #tpu.memory_space<hbm>>)
        %add3A_568 = arith.constant 1 : i32
        %add3A_569 = arith.addi %add3A_332, %add3A_568 : i32
        %mul3A_570 = arith.constant 128 : i32
        %mul3A_571 = arith.muli %add3A_569, %mul3A_570 : i32
        %add3A_572 = arith.addi %mul3A_2, %mul3A_571 : i32
        %dma_start3A_573 = arith.constant 0 : i32
        %dma_start3A_574 = arith.constant 0 : i32
        %dma_start3A_575 = arith.constant 0 : i32
        %dma_start3A_576 = tpu.memref_slice %arg5[%dma_start3A_573, %dma_start3A_574, %dma_start3A_575] : memref<2x128x255xf32, #tpu.memory_space<vmem>> -> memref<1x128x128xf32, #tpu.memory_space<vmem>>
        %dma_start3A_577 = tpu.memref_squeeze %dma_start3A_576 : memref<1x128x128xf32, #tpu.memory_space<vmem>> -> memref<128x128xf32, #tpu.memory_space<vmem>>
        %dma_start3A_578 = arith.constant 0 : i32
        %dma_start3A_579 = tpu.memref_slice %arg2[%add3A_572, %dma_start3A_578] : memref<16384x128xf32, #tpu.memory_space<hbm>> -> memref<128x128xf32, #tpu.memory_space<hbm>>
        %dma_start3A_580 = arith.constant 0 : i32
        %dma_start3A_581 = arith.constant 0 : i32
        %dma_start3A_582 = tpu.memref_slice %arg5[%dma_start3A_573, %dma_start3A_580, %dma_start3A_581] : memref<2x128x255xf32, #tpu.memory_space<vmem>> -> memref<1x128x128xf32, #tpu.memory_space<vmem>>
        %dma_start3A_583 = tpu.memref_squeeze %dma_start3A_582 : memref<1x128x128xf32, #tpu.memory_space<vmem>> -> memref<128x128xf32, #tpu.memory_space<vmem>>
        %dma_start3A_584 = arith.constant 0 : i32
        %dma_start3A_585 = tpu.memref_slice %arg2[%add3A_572, %dma_start3A_584] : memref<16384x128xf32, #tpu.memory_space<hbm>> -> memref<128x128xf32, #tpu.memory_space<hbm>>
        tpu.enqueue_dma source(%dma_start3A_585 : memref<128x128xf32, #tpu.memory_space<hbm>>) target(%dma_start3A_583 : memref<128x128xf32, #tpu.memory_space<vmem>>) target_semaphore(%arg8 : memref<!tpu.dma_semaphore, #tpu.memory_space<semaphore_mem>>)
      } else {
      }
      %dma_wait3A_477 = arith.constant 1 : i32
      %dma_wait3A_478 = arith.constant 1 : i32
      %dma_wait3A_479 = arith.constant 0 : i32
      %dma_wait3A_480 = arith.constant 0 : i32
      %dma_wait3A_481 = tpu.memref_slice %arg6[%dma_wait3A_478, %dma_wait3A_479, %dma_wait3A_480] : memref<2x128x128xf32, #tpu.memory_space<vmem>> -> memref<1x128x128xf32, #tpu.memory_space<vmem>>
      %dma_wait3A_482 = tpu.memref_squeeze %dma_wait3A_481 : memref<1x128x128xf32, #tpu.memory_space<vmem>> -> memref<128x128xf32, #tpu.memory_space<vmem>>
      %dma_wait3A_483 = arith.constant 0 : i32
      %dma_wait3A_484 = tpu.memref_slice %arg7[%dma_wait3A_477, %dma_wait3A_483] : memref<2x128xi32, #tpu.memory_space<vmem>> -> memref<1x128xi32, #tpu.memory_space<vmem>>
      %dma_wait3A_485 = tpu.memref_squeeze %dma_wait3A_484 : memref<1x128xi32, #tpu.memory_space<vmem>> -> memref<128xi32, #tpu.memory_space<vmem>>
      %dma_wait3A_486 = arith.constant 0 : i32
      %dma_wait3A_487 = arith.constant 0 : i32
      %dma_wait3A_488 = tpu.memref_slice %arg3[%dma_wait3A_486, %dma_wait3A_487] : memref<100000x128xf32, #tpu.memory_space<hbm>> -> memref<100000x128xf32, #tpu.memory_space<hbm>>
      tpu.wait_indirect_dma semaphore(%arg10 : memref<!tpu.dma_semaphore, #tpu.memory_space<semaphore_mem>>) src(%dma_wait3A_488 : memref<100000x128xf32, #tpu.memory_space<hbm>>) dst(%dma_wait3A_482 : memref<128x128xf32, #tpu.memory_space<vmem>>)
      %parallel_loop3A_489 = arith.constant 0 : i32
      %parallel_loop3A_490 = arith.constant 64 : i32
      %parallel_loop3A_491 = arith.constant 1 : i32
      scf.for %parallel_loop3A_531 = %parallel_loop3A_489 to %parallel_loop3A_490 step %parallel_loop3A_491  : i32 {
        %parallel_loop3A_532 = arith.constant 0 : i32
        %parallel_loop3A_533 = vector.broadcast %parallel_loop3A_532 : i32 to vector<16xi32>
        %parallel_loop3A_534 = vector.broadcast %parallel_loop3A_531 : i32 to vector<16xi32>
        %parallel_loop3A_535 = arith.addi %parallel_loop3A_533, %parallel_loop3A_534 : vector<16xi32>
        %parallel_loop3A_536 = arith.constant 1 : i32
        %parallel_loop3A_537 = arith.index_cast %parallel_loop3A_536 : i32 to index
        %parallel_loop3A_538 = arith.index_cast %parallel_loop3A_531 : i32 to index
        %parallel_loop3A_539 = arith.constant 0 : index
        %parallel_loop3A_540 = tpu.vector_load %arg6[%parallel_loop3A_537, %parallel_loop3A_538, %parallel_loop3A_539] {strides = array<i32>} : memref<2x128x128xf32, #tpu.memory_space<vmem>>, vector<16xf32>,
        %parallel_loop3A_541 = arith.constant 1 : i32
        %parallel_loop3A_542 = arith.constant 0 : i32
        %parallel_loop3A_543 = arith.constant 0 : i32
        %parallel_loop3A_544 = tpu.memref_slice %arg5[%parallel_loop3A_541, %parallel_loop3A_542, %parallel_loop3A_543] : memref<2x128x255xf32, #tpu.memory_space<vmem>> -> memref<1x128x255xf32, #tpu.memory_space<vmem>>
        %parallel_loop3A_545 = tpu.memref_squeeze %parallel_loop3A_544 : memref<1x128x255xf32, #tpu.memory_space<vmem>> -> memref<128x255xf32, #tpu.memory_space<vmem>>
        tpu.vector_store_idx %parallel_loop3A_545[%parallel_loop3A_535, %add3A_6], %parallel_loop3A_540 : memref<128x255xf32, #tpu.memory_space<vmem>>[vector<16xi32>, vector<16xi32>], vector<16xf32>,
        %parallel_loop3A_546 = arith.constant 1 : i32
        %parallel_loop3A_547 = arith.index_cast %parallel_loop3A_546 : i32 to index
        %parallel_loop3A_548 = arith.index_cast %parallel_loop3A_531 : i32 to index
        %parallel_loop3A_549 = arith.constant 16 : index
        %parallel_loop3A_550 = tpu.vector_load %arg6[%parallel_loop3A_547, %parallel_loop3A_548, %parallel_loop3A_549] {strides = array<i32>} : memref<2x128x128xf32, #tpu.memory_space<vmem>>, vector<16xf32>,
        %parallel_loop3A_551 = arith.constant 1 : i32
        %parallel_loop3A_552 = arith.constant 0 : i32
        %parallel_loop3A_553 = arith.constant 0 : i32
        %parallel_loop3A_554 = tpu.memref_slice %arg5[%parallel_loop3A_551, %parallel_loop3A_552, %parallel_loop3A_553] : memref<2x128x255xf32, #tpu.memory_space<vmem>> -> memref<1x128x255xf32, #tpu.memory_space<vmem>>
        %parallel_loop3A_555 = tpu.memref_squeeze %parallel_loop3A_554 : memref<1x128x255xf32, #tpu.memory_space<vmem>> -> memref<128x255xf32, #tpu.memory_space<vmem>>
        tpu.vector_store_idx %parallel_loop3A_555[%parallel_loop3A_535, %add3A_9], %parallel_loop3A_550 : memref<128x255xf32, #tpu.memory_space<vmem>>[vector<16xi32>, vector<16xi32>], vector<16xf32>,
        %parallel_loop3A_556 = arith.constant 1 : i32
        %parallel_loop3A_557 = arith.index_cast %parallel_loop3A_556 : i32 to index
        %parallel_loop3A_558 = arith.index_cast %parallel_loop3A_531 : i32 to index
        %parallel_loop3A_559 = arith.constant 32 : index
        %parallel_loop3A_560 = tpu.vector_load %arg6[%parallel_loop3A_557, %parallel_loop3A_558, %parallel_loop3A_559] {strides = array<i32>} : memref<2x128x128xf32, #tpu.memory_space<vmem>>, vector<16xf32>,
        %parallel_loop3A_561 = arith.constant 1 : i32
        %parallel_loop3A_562 = arith.constant 0 : i32
        %parallel_loop3A_563 = arith.constant 0 : i32
        %parallel_loop3A_564 = tpu.memref_slice %arg5[%parallel_loop3A_561, %parallel_loop3A_562, %parallel_loop3A_563] : memref<2x128x255xf32, #tpu.memory_space<vmem>> -> memref<1x128x255xf32, #tpu.memory_space<vmem>>
        %parallel_loop3A_565 = tpu.memref_squeeze %parallel_loop3A_564 : memref<1x128x255xf32, #tpu.memory_space<vmem>> -> memref<128x255xf32, #tpu.memory_space<vmem>>
        tpu.vector_store_idx %parallel_loop3A_565[%parallel_loop3A_535, %add3A_12], %parallel_loop3A_560 : memref<128x255xf32, #tpu.memory_space<vmem>>[vector<16xi32>, vector<16xi32>], vector<16xf32>,
        %parallel_loop3A_566 = arith.constant 1 : i32
        %parallel_loop3A_567 = arith.index_cast %parallel_loop3A_566 : i32 to index
        %parallel_loop3A_568 = arith.index_cast %parallel_loop3A_531 : i32 to index
        %parallel_loop3A_569 = arith.constant 48 : index
        %parallel_loop3A_570 = tpu.vector_load %arg6[%parallel_loop3A_567, %parallel_loop3A_568, %parallel_loop3A_569] {strides = array<i32>} : memref<2x128x128xf32, #tpu.memory_space<vmem>>, vector<16xf32>,
        %parallel_loop3A_571 = arith.constant 1 : i32
        %parallel_loop3A_572 = arith.constant 0 : i32
        %parallel_loop3A_573 = arith.constant 0 : i32
        %parallel_loop3A_574 = tpu.memref_slice %arg5[%parallel_loop3A_571, %parallel_loop3A_572, %parallel_loop3A_573] : memref<2x128x255xf32, #tpu.memory_space<vmem>> -> memref<1x128x255xf32, #tpu.memory_space<vmem>>
        %parallel_loop3A_575 = tpu.memref_squeeze %parallel_loop3A_574 : memref<1x128x255xf32, #tpu.memory_space<vmem>> -> memref<128x255xf32, #tpu.memory_space<vmem>>
        tpu.vector_store_idx %parallel_loop3A_575[%parallel_loop3A_535, %add3A_15], %parallel_loop3A_570 : memref<128x255xf32, #tpu.memory_space<vmem>>[vector<16xi32>, vector<16xi32>], vector<16xf32>,
        %parallel_loop3A_576 = arith.constant 1 : i32
        %parallel_loop3A_577 = arith.index_cast %parallel_loop3A_576 : i32 to index
        %parallel_loop3A_578 = arith.index_cast %parallel_loop3A_531 : i32 to index
        %parallel_loop3A_579 = arith.constant 64 : index
        %parallel_loop3A_580 = tpu.vector_load %arg6[%parallel_loop3A_577, %parallel_loop3A_578, %parallel_loop3A_579] {strides = array<i32>} : memref<2x128x128xf32, #tpu.memory_space<vmem>>, vector<16xf32>,
        %parallel_loop3A_581 = arith.constant 1 : i32
        %parallel_loop3A_582 = arith.constant 0 : i32
        %parallel_loop3A_583 = arith.constant 0 : i32
        %parallel_loop3A_584 = tpu.memref_slice %arg5[%parallel_loop3A_581, %parallel_loop3A_582, %parallel_loop3A_583] : memref<2x128x255xf32, #tpu.memory_space<vmem>> -> memref<1x128x255xf32, #tpu.memory_space<vmem>>
        %parallel_loop3A_585 = tpu.memref_squeeze %parallel_loop3A_584 : memref<1x128x255xf32, #tpu.memory_space<vmem>> -> memref<128x255xf32, #tpu.memory_space<vmem>>
        tpu.vector_store_idx %parallel_loop3A_585[%parallel_loop3A_535, %add3A_18], %parallel_loop3A_580 : memref<128x255xf32, #tpu.memory_space<vmem>>[vector<16xi32>, vector<16xi32>], vector<16xf32>,
        %parallel_loop3A_586 = arith.constant 1 : i32
        %parallel_loop3A_587 = arith.index_cast %parallel_loop3A_586 : i32 to index
        %parallel_loop3A_588 = arith.index_cast %parallel_loop3A_531 : i32 to index
        %parallel_loop3A_589 = arith.constant 80 : index
        %parallel_loop3A_590 = tpu.vector_load %arg6[%parallel_loop3A_587, %parallel_loop3A_588, %parallel_loop3A_589] {strides = array<i32>} : memref<2x128x128xf32, #tpu.memory_space<vmem>>, vector<16xf32>,
        %parallel_loop3A_591 = arith.constant 1 : i32
        %parallel_loop3A_592 = arith.constant 0 : i32
        %parallel_loop3A_593 = arith.constant 0 : i32
        %parallel_loop3A_594 = tpu.memref_slice %arg5[%parallel_loop3A_591, %parallel_loop3A_592, %parallel_loop3A_593] : memref<2x128x255xf32, #tpu.memory_space<vmem>> -> memref<1x128x255xf32, #tpu.memory_space<vmem>>
        %parallel_loop3A_595 = tpu.memref_squeeze %parallel_loop3A_594 : memref<1x128x255xf32, #tpu.memory_space<vmem>> -> memref<128x255xf32, #tpu.memory_space<vmem>>
        tpu.vector_store_idx %parallel_loop3A_595[%parallel_loop3A_535, %add3A_21], %parallel_loop3A_590 : memref<128x255xf32, #tpu.memory_space<vmem>>[vector<16xi32>, vector<16xi32>], vector<16xf32>,
        %parallel_loop3A_596 = arith.constant 1 : i32
        %parallel_loop3A_597 = arith.index_cast %parallel_loop3A_596 : i32 to index
        %parallel_loop3A_598 = arith.index_cast %parallel_loop3A_531 : i32 to index
        %parallel_loop3A_599 = arith.constant 96 : index
        %parallel_loop3A_600 = tpu.vector_load %arg6[%parallel_loop3A_597, %parallel_loop3A_598, %parallel_loop3A_599] {strides = array<i32>} : memref<2x128x128xf32, #tpu.memory_space<vmem>>, vector<16xf32>,
        %parallel_loop3A_601 = arith.constant 1 : i32
        %parallel_loop3A_602 = arith.constant 0 : i32
        %parallel_loop3A_603 = arith.constant 0 : i32
        %parallel_loop3A_604 = tpu.memref_slice %arg5[%parallel_loop3A_601, %parallel_loop3A_602, %parallel_loop3A_603] : memref<2x128x255xf32, #tpu.memory_space<vmem>> -> memref<1x128x255xf32, #tpu.memory_space<vmem>>
        %parallel_loop3A_605 = tpu.memref_squeeze %parallel_loop3A_604 : memref<1x128x255xf32, #tpu.memory_space<vmem>> -> memref<128x255xf32, #tpu.memory_space<vmem>>
        tpu.vector_store_idx %parallel_loop3A_605[%parallel_loop3A_535, %add3A_24], %parallel_loop3A_600 : memref<128x255xf32, #tpu.memory_space<vmem>>[vector<16xi32>, vector<16xi32>], vector<16xf32>,
        %parallel_loop3A_606 = arith.constant 1 : i32
        %parallel_loop3A_607 = arith.index_cast %parallel_loop3A_606 : i32 to index
        %parallel_loop3A_608 = arith.index_cast %parallel_loop3A_531 : i32 to index
        %parallel_loop3A_609 = arith.constant 112 : index
        %parallel_loop3A_610 = tpu.vector_load %arg6[%parallel_loop3A_607, %parallel_loop3A_608, %parallel_loop3A_609] {strides = array<i32>} : memref<2x128x128xf32, #tpu.memory_space<vmem>>, vector<16xf32>,
        %parallel_loop3A_611 = arith.constant 1 : i32
        %parallel_loop3A_612 = arith.constant 0 : i32
        %parallel_loop3A_613 = arith.constant 0 : i32
        %parallel_loop3A_614 = tpu.memref_slice %arg5[%parallel_loop3A_611, %parallel_loop3A_612, %parallel_loop3A_613] : memref<2x128x255xf32, #tpu.memory_space<vmem>> -> memref<1x128x255xf32, #tpu.memory_space<vmem>>
        %parallel_loop3A_615 = tpu.memref_squeeze %parallel_loop3A_614 : memref<1x128x255xf32, #tpu.memory_space<vmem>> -> memref<128x255xf32, #tpu.memory_space<vmem>>
        tpu.vector_store_idx %parallel_loop3A_615[%parallel_loop3A_535, %add3A_27], %parallel_loop3A_610 : memref<128x255xf32, #tpu.memory_space<vmem>>[vector<16xi32>, vector<16xi32>], vector<16xf32>,
      } {sc.loop_unroll_factor = 2 : i64, sc.parallel_access}
      %mul3A_492 = arith.constant 128 : i32
      %mul3A_493 = arith.muli %add3A_332, %mul3A_492 : i32
      %add3A_494 = arith.addi %mul3A_2, %mul3A_493 : i32
      %add3A_495 = arith.constant 0 : i32
      %add3A_496 = arith.addi %add3A_494, %add3A_495 : i32
      %dma_start3A_497 = arith.constant 1 : i32
      %dma_start3A_498 = arith.constant 0 : i32
      %dma_start3A_499 = arith.constant 0 : i32
      %dma_start3A_500 = tpu.memref_slice %arg5[%dma_start3A_497, %dma_start3A_498, %dma_start3A_499] : memref<2x128x255xf32, #tpu.memory_space<vmem>> -> memref<1x64x255xf32, #tpu.memory_space<vmem>>
      %dma_start3A_501 = tpu.memref_squeeze %dma_start3A_500 : memref<1x64x255xf32, #tpu.memory_space<vmem>> -> memref<64x255xf32, #tpu.memory_space<vmem>>
      %dma_start3A_502 = arith.constant 0 : i32
      %dma_start3A_503 = tpu.memref_slice %arg4[%add3A_496, %dma_start3A_502] : memref<16384x255xf32, #tpu.memory_space<hbm>> -> memref<64x255xf32, #tpu.memory_space<hbm>>
      %dma_start3A_504 = arith.constant 0 : i32
      %dma_start3A_505 = tpu.memref_slice %arg4[%add3A_496, %dma_start3A_504] : memref<16384x255xf32, #tpu.memory_space<hbm>> -> memref<64x255xf32, #tpu.memory_space<hbm>>
      %dma_start3A_506 = arith.constant 0 : i32
      %dma_start3A_507 = arith.constant 0 : i32
      %dma_start3A_508 = tpu.memref_slice %arg5[%dma_start3A_497, %dma_start3A_506, %dma_start3A_507] : memref<2x128x255xf32, #tpu.memory_space<vmem>> -> memref<1x64x255xf32, #tpu.memory_space<vmem>>
      %dma_start3A_509 = tpu.memref_squeeze %dma_start3A_508 : memref<1x64x255xf32, #tpu.memory_space<vmem>> -> memref<64x255xf32, #tpu.memory_space<vmem>>
      tpu.enqueue_dma source(%dma_start3A_509 : memref<64x255xf32, #tpu.memory_space<vmem>>) target(%dma_start3A_505 : memref<64x255xf32, #tpu.memory_space<hbm>>) target_semaphore(%arg12 : memref<!tpu.dma_semaphore, #tpu.memory_space<semaphore_mem>>)
      %parallel_loop3A_510 = arith.constant 64 : i32
      %parallel_loop3A_511 = arith.constant 128 : i32
      %parallel_loop3A_512 = arith.constant 1 : i32
      scf.for %parallel_loop3A_531 = %parallel_loop3A_510 to %parallel_loop3A_511 step %parallel_loop3A_512  : i32 {
        %parallel_loop3A_532 = arith.constant 0 : i32
        %parallel_loop3A_533 = vector.broadcast %parallel_loop3A_532 : i32 to vector<16xi32>
        %parallel_loop3A_534 = vector.broadcast %parallel_loop3A_531 : i32 to vector<16xi32>
        %parallel_loop3A_535 = arith.addi %parallel_loop3A_533, %parallel_loop3A_534 : vector<16xi32>
        %parallel_loop3A_536 = arith.constant 1 : i32
        %parallel_loop3A_537 = arith.index_cast %parallel_loop3A_536 : i32 to index
        %parallel_loop3A_538 = arith.index_cast %parallel_loop3A_531 : i32 to index
        %parallel_loop3A_539 = arith.constant 0 : index
        %parallel_loop3A_540 = tpu.vector_load %arg6[%parallel_loop3A_537, %parallel_loop3A_538, %parallel_loop3A_539] {strides = array<i32>} : memref<2x128x128xf32, #tpu.memory_space<vmem>>, vector<16xf32>,
        %parallel_loop3A_541 = arith.constant 1 : i32
        %parallel_loop3A_542 = arith.constant 0 : i32
        %parallel_loop3A_543 = arith.constant 0 : i32
        %parallel_loop3A_544 = tpu.memref_slice %arg5[%parallel_loop3A_541, %parallel_loop3A_542, %parallel_loop3A_543] : memref<2x128x255xf32, #tpu.memory_space<vmem>> -> memref<1x128x255xf32, #tpu.memory_space<vmem>>
        %parallel_loop3A_545 = tpu.memref_squeeze %parallel_loop3A_544 : memref<1x128x255xf32, #tpu.memory_space<vmem>> -> memref<128x255xf32, #tpu.memory_space<vmem>>
        tpu.vector_store_idx %parallel_loop3A_545[%parallel_loop3A_535, %add3A_6], %parallel_loop3A_540 : memref<128x255xf32, #tpu.memory_space<vmem>>[vector<16xi32>, vector<16xi32>], vector<16xf32>,
        %parallel_loop3A_546 = arith.constant 1 : i32
        %parallel_loop3A_547 = arith.index_cast %parallel_loop3A_546 : i32 to index
        %parallel_loop3A_548 = arith.index_cast %parallel_loop3A_531 : i32 to index
        %parallel_loop3A_549 = arith.constant 16 : index
        %parallel_loop3A_550 = tpu.vector_load %arg6[%parallel_loop3A_547, %parallel_loop3A_548, %parallel_loop3A_549] {strides = array<i32>} : memref<2x128x128xf32, #tpu.memory_space<vmem>>, vector<16xf32>,
        %parallel_loop3A_551 = arith.constant 1 : i32
        %parallel_loop3A_552 = arith.constant 0 : i32
        %parallel_loop3A_553 = arith.constant 0 : i32
        %parallel_loop3A_554 = tpu.memref_slice %arg5[%parallel_loop3A_551, %parallel_loop3A_552, %parallel_loop3A_553] : memref<2x128x255xf32, #tpu.memory_space<vmem>> -> memref<1x128x255xf32, #tpu.memory_space<vmem>>
        %parallel_loop3A_555 = tpu.memref_squeeze %parallel_loop3A_554 : memref<1x128x255xf32, #tpu.memory_space<vmem>> -> memref<128x255xf32, #tpu.memory_space<vmem>>
        tpu.vector_store_idx %parallel_loop3A_555[%parallel_loop3A_535, %add3A_9], %parallel_loop3A_550 : memref<128x255xf32, #tpu.memory_space<vmem>>[vector<16xi32>, vector<16xi32>], vector<16xf32>,
        %parallel_loop3A_556 = arith.constant 1 : i32
        %parallel_loop3A_557 = arith.index_cast %parallel_loop3A_556 : i32 to index
        %parallel_loop3A_558 = arith.index_cast %parallel_loop3A_531 : i32 to index
        %parallel_loop3A_559 = arith.constant 32 : index
        %parallel_loop3A_560 = tpu.vector_load %arg6[%parallel_loop3A_557, %parallel_loop3A_558, %parallel_loop3A_559] {strides = array<i32>} : memref<2x128x128xf32, #tpu.memory_space<vmem>>, vector<16xf32>,
        %parallel_loop3A_561 = arith.constant 1 : i32
        %parallel_loop3A_562 = arith.constant 0 : i32
        %parallel_loop3A_563 = arith.constant 0 : i32
        %parallel_loop3A_564 = tpu.memref_slice %arg5[%parallel_loop3A_561, %parallel_loop3A_562, %parallel_loop3A_563] : memref<2x128x255xf32, #tpu.memory_space<vmem>> -> memref<1x128x255xf32, #tpu.memory_space<vmem>>
        %parallel_loop3A_565 = tpu.memref_squeeze %parallel_loop3A_564 : memref<1x128x255xf32, #tpu.memory_space<vmem>> -> memref<128x255xf32, #tpu.memory_space<vmem>>
        tpu.vector_store_idx %parallel_loop3A_565[%parallel_loop3A_535, %add3A_12], %parallel_loop3A_560 : memref<128x255xf32, #tpu.memory_space<vmem>>[vector<16xi32>, vector<16xi32>], vector<16xf32>,
        %parallel_loop3A_566 = arith.constant 1 : i32
        %parallel_loop3A_567 = arith.index_cast %parallel_loop3A_566 : i32 to index
        %parallel_loop3A_568 = arith.index_cast %parallel_loop3A_531 : i32 to index
        %parallel_loop3A_569 = arith.constant 48 : index
        %parallel_loop3A_570 = tpu.vector_load %arg6[%parallel_loop3A_567, %parallel_loop3A_568, %parallel_loop3A_569] {strides = array<i32>} : memref<2x128x128xf32, #tpu.memory_space<vmem>>, vector<16xf32>,
        %parallel_loop3A_571 = arith.constant 1 : i32
        %parallel_loop3A_572 = arith.constant 0 : i32
        %parallel_loop3A_573 = arith.constant 0 : i32
        %parallel_loop3A_574 = tpu.memref_slice %arg5[%parallel_loop3A_571, %parallel_loop3A_572, %parallel_loop3A_573] : memref<2x128x255xf32, #tpu.memory_space<vmem>> -> memref<1x128x255xf32, #tpu.memory_space<vmem>>
        %parallel_loop3A_575 = tpu.memref_squeeze %parallel_loop3A_574 : memref<1x128x255xf32, #tpu.memory_space<vmem>> -> memref<128x255xf32, #tpu.memory_space<vmem>>
        tpu.vector_store_idx %parallel_loop3A_575[%parallel_loop3A_535, %add3A_15], %parallel_loop3A_570 : memref<128x255xf32, #tpu.memory_space<vmem>>[vector<16xi32>, vector<16xi32>], vector<16xf32>,
        %parallel_loop3A_576 = arith.constant 1 : i32
        %parallel_loop3A_577 = arith.index_cast %parallel_loop3A_576 : i32 to index
        %parallel_loop3A_578 = arith.index_cast %parallel_loop3A_531 : i32 to index
        %parallel_loop3A_579 = arith.constant 64 : index
        %parallel_loop3A_580 = tpu.vector_load %arg6[%parallel_loop3A_577, %parallel_loop3A_578, %parallel_loop3A_579] {strides = array<i32>} : memref<2x128x128xf32, #tpu.memory_space<vmem>>, vector<16xf32>,
        %parallel_loop3A_581 = arith.constant 1 : i32
        %parallel_loop3A_582 = arith.constant 0 : i32
        %parallel_loop3A_583 = arith.constant 0 : i32
        %parallel_loop3A_584 = tpu.memref_slice %arg5[%parallel_loop3A_581, %parallel_loop3A_582, %parallel_loop3A_583] : memref<2x128x255xf32, #tpu.memory_space<vmem>> -> memref<1x128x255xf32, #tpu.memory_space<vmem>>
        %parallel_loop3A_585 = tpu.memref_squeeze %parallel_loop3A_584 : memref<1x128x255xf32, #tpu.memory_space<vmem>> -> memref<128x255xf32, #tpu.memory_space<vmem>>
        tpu.vector_store_idx %parallel_loop3A_585[%parallel_loop3A_535, %add3A_18], %parallel_loop3A_580 : memref<128x255xf32, #tpu.memory_space<vmem>>[vector<16xi32>, vector<16xi32>], vector<16xf32>,
        %parallel_loop3A_586 = arith.constant 1 : i32
        %parallel_loop3A_587 = arith.index_cast %parallel_loop3A_586 : i32 to index
        %parallel_loop3A_588 = arith.index_cast %parallel_loop3A_531 : i32 to index
        %parallel_loop3A_589 = arith.constant 80 : index
        %parallel_loop3A_590 = tpu.vector_load %arg6[%parallel_loop3A_587, %parallel_loop3A_588, %parallel_loop3A_589] {strides = array<i32>} : memref<2x128x128xf32, #tpu.memory_space<vmem>>, vector<16xf32>,
        %parallel_loop3A_591 = arith.constant 1 : i32
        %parallel_loop3A_592 = arith.constant 0 : i32
        %parallel_loop3A_593 = arith.constant 0 : i32
        %parallel_loop3A_594 = tpu.memref_slice %arg5[%parallel_loop3A_591, %parallel_loop3A_592, %parallel_loop3A_593] : memref<2x128x255xf32, #tpu.memory_space<vmem>> -> memref<1x128x255xf32, #tpu.memory_space<vmem>>
        %parallel_loop3A_595 = tpu.memref_squeeze %parallel_loop3A_594 : memref<1x128x255xf32, #tpu.memory_space<vmem>> -> memref<128x255xf32, #tpu.memory_space<vmem>>
        tpu.vector_store_idx %parallel_loop3A_595[%parallel_loop3A_535, %add3A_21], %parallel_loop3A_590 : memref<128x255xf32, #tpu.memory_space<vmem>>[vector<16xi32>, vector<16xi32>], vector<16xf32>,
        %parallel_loop3A_596 = arith.constant 1 : i32
        %parallel_loop3A_597 = arith.index_cast %parallel_loop3A_596 : i32 to index
        %parallel_loop3A_598 = arith.index_cast %parallel_loop3A_531 : i32 to index
        %parallel_loop3A_599 = arith.constant 96 : index
        %parallel_loop3A_600 = tpu.vector_load %arg6[%parallel_loop3A_597, %parallel_loop3A_598, %parallel_loop3A_599] {strides = array<i32>} : memref<2x128x128xf32, #tpu.memory_space<vmem>>, vector<16xf32>,
        %parallel_loop3A_601 = arith.constant 1 : i32
        %parallel_loop3A_602 = arith.constant 0 : i32
        %parallel_loop3A_603 = arith.constant 0 : i32
        %parallel_loop3A_604 = tpu.memref_slice %arg5[%parallel_loop3A_601, %parallel_loop3A_602, %parallel_loop3A_603] : memref<2x128x255xf32, #tpu.memory_space<vmem>> -> memref<1x128x255xf32, #tpu.memory_space<vmem>>
        %parallel_loop3A_605 = tpu.memref_squeeze %parallel_loop3A_604 : memref<1x128x255xf32, #tpu.memory_space<vmem>> -> memref<128x255xf32, #tpu.memory_space<vmem>>
        tpu.vector_store_idx %parallel_loop3A_605[%parallel_loop3A_535, %add3A_24], %parallel_loop3A_600 : memref<128x255xf32, #tpu.memory_space<vmem>>[vector<16xi32>, vector<16xi32>], vector<16xf32>,
        %parallel_loop3A_606 = arith.constant 1 : i32
        %parallel_loop3A_607 = arith.index_cast %parallel_loop3A_606 : i32 to index
        %parallel_loop3A_608 = arith.index_cast %parallel_loop3A_531 : i32 to index
        %parallel_loop3A_609 = arith.constant 112 : index
        %parallel_loop3A_610 = tpu.vector_load %arg6[%parallel_loop3A_607, %parallel_loop3A_608, %parallel_loop3A_609] {strides = array<i32>} : memref<2x128x128xf32, #tpu.memory_space<vmem>>, vector<16xf32>,
        %parallel_loop3A_611 = arith.constant 1 : i32
        %parallel_loop3A_612 = arith.constant 0 : i32
        %parallel_loop3A_613 = arith.constant 0 : i32
        %parallel_loop3A_614 = tpu.memref_slice %arg5[%parallel_loop3A_611, %parallel_loop3A_612, %parallel_loop3A_613] : memref<2x128x255xf32, #tpu.memory_space<vmem>> -> memref<1x128x255xf32, #tpu.memory_space<vmem>>
        %parallel_loop3A_615 = tpu.memref_squeeze %parallel_loop3A_614 : memref<1x128x255xf32, #tpu.memory_space<vmem>> -> memref<128x255xf32, #tpu.memory_space<vmem>>
        tpu.vector_store_idx %parallel_loop3A_615[%parallel_loop3A_535, %add3A_27], %parallel_loop3A_610 : memref<128x255xf32, #tpu.memory_space<vmem>>[vector<16xi32>, vector<16xi32>], vector<16xf32>,
      } {sc.loop_unroll_factor = 2 : i64, sc.parallel_access}
      %mul3A_513 = arith.constant 128 : i32
      %mul3A_514 = arith.muli %add3A_332, %mul3A_513 : i32
      %add3A_515 = arith.addi %mul3A_2, %mul3A_514 : i32
      %add3A_516 = arith.constant 64 : i32
      %add3A_517 = arith.addi %add3A_515, %add3A_516 : i32
      %dma_start3A_518 = arith.constant 1 : i32
      %dma_start3A_519 = arith.constant 64 : i32
      %dma_start3A_520 = arith.constant 0 : i32
      %dma_start3A_521 = tpu.memref_slice %arg5[%dma_start3A_518, %dma_start3A_519, %dma_start3A_520] : memref<2x128x255xf32, #tpu.memory_space<vmem>> -> memref<1x64x255xf32, #tpu.memory_space<vmem>>
      %dma_start3A_522 = tpu.memref_squeeze %dma_start3A_521 : memref<1x64x255xf32, #tpu.memory_space<vmem>> -> memref<64x255xf32, #tpu.memory_space<vmem>>
      %dma_start3A_523 = arith.constant 0 : i32
      %dma_start3A_524 = tpu.memref_slice %arg4[%add3A_517, %dma_start3A_523] : memref<16384x255xf32, #tpu.memory_space<hbm>> -> memref<64x255xf32, #tpu.memory_space<hbm>>
      %dma_start3A_525 = arith.constant 0 : i32
      %dma_start3A_526 = tpu.memref_slice %arg4[%add3A_517, %dma_start3A_525] : memref<16384x255xf32, #tpu.memory_space<hbm>> -> memref<64x255xf32, #tpu.memory_space<hbm>>
      %dma_start3A_527 = arith.constant 64 : i32
      %dma_start3A_528 = arith.constant 0 : i32
      %dma_start3A_529 = tpu.memref_slice %arg5[%dma_start3A_518, %dma_start3A_527, %dma_start3A_528] : memref<2x128x255xf32, #tpu.memory_space<vmem>> -> memref<1x64x255xf32, #tpu.memory_space<vmem>>
      %dma_start3A_530 = tpu.memref_squeeze %dma_start3A_529 : memref<1x64x255xf32, #tpu.memory_space<vmem>> -> memref<64x255xf32, #tpu.memory_space<vmem>>
      tpu.enqueue_dma source(%dma_start3A_530 : memref<64x255xf32, #tpu.memory_space<vmem>>) target(%dma_start3A_526 : memref<64x255xf32, #tpu.memory_space<hbm>>) target_semaphore(%arg12 : memref<!tpu.dma_semaphore, #tpu.memory_space<semaphore_mem>>)
    }
    %scan3A_45 = arith.constant 2 : i32
    %add3A_46 = arith.constant 256 : i32
    %add3A_47 = arith.addi %mul3A_2, %add3A_46 : i32
    %add3A_48 = arith.constant 0 : i32
    %add3A_49 = arith.addi %add3A_47, %add3A_48 : i32
    %dma_wait3A = arith.constant 0 : i32
    %dma_wait3A_50 = arith.constant 0 : i32
    %dma_wait3A_51 = arith.constant 0 : i32
    %dma_wait3A_52 = tpu.memref_slice %arg5[%dma_wait3A, %dma_wait3A_50, %dma_wait3A_51] : memref<2x128x255xf32, #tpu.memory_space<vmem>> -> memref<1x64x255xf32, #tpu.memory_space<vmem>>
    %dma_wait3A_53 = tpu.memref_squeeze %dma_wait3A_52 : memref<1x64x255xf32, #tpu.memory_space<vmem>> -> memref<64x255xf32, #tpu.memory_space<vmem>>
    %dma_wait3A_54 = arith.constant 0 : i32
    %dma_wait3A_55 = tpu.memref_slice %arg4[%add3A_49, %dma_wait3A_54] : memref<16384x255xf32, #tpu.memory_space<hbm>> -> memref<64x255xf32, #tpu.memory_space<hbm>>
    %dma_wait3A_56 = arith.constant 0 : i32
    %dma_wait3A_57 = tpu.memref_slice %arg4[%add3A_49, %dma_wait3A_56] : memref<16384x255xf32, #tpu.memory_space<hbm>> -> memref<64x255xf32, #tpu.memory_space<hbm>>
    %dma_wait3A_58 = arith.constant 0 : i32
    %dma_wait3A_59 = arith.constant 0 : i32
    %dma_wait3A_60 = tpu.memref_slice %arg5[%dma_wait3A, %dma_wait3A_58, %dma_wait3A_59] : memref<2x128x255xf32, #tpu.memory_space<vmem>> -> memref<1x64x255xf32, #tpu.memory_space<vmem>>
    %dma_wait3A_61 = tpu.memref_squeeze %dma_wait3A_60 : memref<1x64x255xf32, #tpu.memory_space<vmem>> -> memref<64x255xf32, #tpu.memory_space<vmem>>
    tpu.wait_dma2 semaphore(%arg11 : memref<!tpu.dma_semaphore, #tpu.memory_space<semaphore_mem>>) src(%dma_wait3A_61 : memref<64x255xf32, #tpu.memory_space<vmem>>) dst(%dma_wait3A_57 : memref<64x255xf32, #tpu.memory_space<hbm>>)
    %add3A_62 = arith.constant 256 : i32
    %add3A_63 = arith.addi %mul3A_2, %add3A_62 : i32
    %add3A_64 = arith.constant 64 : i32
    %add3A_65 = arith.addi %add3A_63, %add3A_64 : i32
    %dma_wait3A_66 = arith.constant 0 : i32
    %dma_wait3A_67 = arith.constant 64 : i32
    %dma_wait3A_68 = arith.constant 0 : i32
    %dma_wait3A_69 = tpu.memref_slice %arg5[%dma_wait3A_66, %dma_wait3A_67, %dma_wait3A_68] : memref<2x128x255xf32, #tpu.memory_space<vmem>> -> memref<1x64x255xf32, #tpu.memory_space<vmem>>
    %dma_wait3A_70 = tpu.memref_squeeze %dma_wait3A_69 : memref<1x64x255xf32, #tpu.memory_space<vmem>> -> memref<64x255xf32, #tpu.memory_space<vmem>>
    %dma_wait3A_71 = arith.constant 0 : i32
    %dma_wait3A_72 = tpu.memref_slice %arg4[%add3A_65, %dma_wait3A_71] : memref<16384x255xf32, #tpu.memory_space<hbm>> -> memref<64x255xf32, #tpu.memory_space<hbm>>
    %dma_wait3A_73 = arith.constant 0 : i32
    %dma_wait3A_74 = tpu.memref_slice %arg4[%add3A_65, %dma_wait3A_73] : memref<16384x255xf32, #tpu.memory_space<hbm>> -> memref<64x255xf32, #tpu.memory_space<hbm>>
    %dma_wait3A_75 = arith.constant 64 : i32
    %dma_wait3A_76 = arith.constant 0 : i32
    %dma_wait3A_77 = tpu.memref_slice %arg5[%dma_wait3A_66, %dma_wait3A_75, %dma_wait3A_76] : memref<2x128x255xf32, #tpu.memory_space<vmem>> -> memref<1x64x255xf32, #tpu.memory_space<vmem>>
    %dma_wait3A_78 = tpu.memref_squeeze %dma_wait3A_77 : memref<1x64x255xf32, #tpu.memory_space<vmem>> -> memref<64x255xf32, #tpu.memory_space<vmem>>
    tpu.wait_dma2 semaphore(%arg11 : memref<!tpu.dma_semaphore, #tpu.memory_space<semaphore_mem>>) src(%dma_wait3A_78 : memref<64x255xf32, #tpu.memory_space<vmem>>) dst(%dma_wait3A_74 : memref<64x255xf32, #tpu.memory_space<hbm>>)
    %add3A_79 = arith.constant 384 : i32
    %add3A_80 = arith.addi %mul3A_2, %add3A_79 : i32
    %add3A_81 = arith.constant 0 : i32
    %add3A_82 = arith.addi %add3A_80, %add3A_81 : i32
    %dma_wait3A_83 = arith.constant 1 : i32
    %dma_wait3A_84 = arith.constant 0 : i32
    %dma_wait3A_85 = arith.constant 0 : i32
    %dma_wait3A_86 = tpu.memref_slice %arg5[%dma_wait3A_83, %dma_wait3A_84, %dma_wait3A_85] : memref<2x128x255xf32, #tpu.memory_space<vmem>> -> memref<1x64x255xf32, #tpu.memory_space<vmem>>
    %dma_wait3A_87 = tpu.memref_squeeze %dma_wait3A_86 : memref<1x64x255xf32, #tpu.memory_space<vmem>> -> memref<64x255xf32, #tpu.memory_space<vmem>>
    %dma_wait3A_88 = arith.constant 0 : i32
    %dma_wait3A_89 = tpu.memref_slice %arg4[%add3A_82, %dma_wait3A_88] : memref<16384x255xf32, #tpu.memory_space<hbm>> -> memref<64x255xf32, #tpu.memory_space<hbm>>
    %dma_wait3A_90 = arith.constant 0 : i32
    %dma_wait3A_91 = tpu.memref_slice %arg4[%add3A_82, %dma_wait3A_90] : memref<16384x255xf32, #tpu.memory_space<hbm>> -> memref<64x255xf32, #tpu.memory_space<hbm>>
    %dma_wait3A_92 = arith.constant 0 : i32
    %dma_wait3A_93 = arith.constant 0 : i32
    %dma_wait3A_94 = tpu.memref_slice %arg5[%dma_wait3A_83, %dma_wait3A_92, %dma_wait3A_93] : memref<2x128x255xf32, #tpu.memory_space<vmem>> -> memref<1x64x255xf32, #tpu.memory_space<vmem>>
    %dma_wait3A_95 = tpu.memref_squeeze %dma_wait3A_94 : memref<1x64x255xf32, #tpu.memory_space<vmem>> -> memref<64x255xf32, #tpu.memory_space<vmem>>
    tpu.wait_dma2 semaphore(%arg12 : memref<!tpu.dma_semaphore, #tpu.memory_space<semaphore_mem>>) src(%dma_wait3A_95 : memref<64x255xf32, #tpu.memory_space<vmem>>) dst(%dma_wait3A_91 : memref<64x255xf32, #tpu.memory_space<hbm>>)
    %add3A_96 = arith.constant 384 : i32
    %add3A_97 = arith.addi %mul3A_2, %add3A_96 : i32
    %add3A_98 = arith.constant 64 : i32
    %add3A_99 = arith.addi %add3A_97, %add3A_98 : i32
    %dma_wait3A_100 = arith.constant 1 : i32
    %dma_wait3A_101 = arith.constant 64 : i32
    %dma_wait3A_102 = arith.constant 0 : i32
    %dma_wait3A_103 = tpu.memref_slice %arg5[%dma_wait3A_100, %dma_wait3A_101, %dma_wait3A_102] : memref<2x128x255xf32, #tpu.memory_space<vmem>> -> memref<1x64x255xf32, #tpu.memory_space<vmem>>
    %dma_wait3A_104 = tpu.memref_squeeze %dma_wait3A_103 : memref<1x64x255xf32, #tpu.memory_space<vmem>> -> memref<64x255xf32, #tpu.memory_space<vmem>>
    %dma_wait3A_105 = arith.constant 0 : i32
    %dma_wait3A_106 = tpu.memref_slice %arg4[%add3A_99, %dma_wait3A_105] : memref<16384x255xf32, #tpu.memory_space<hbm>> -> memref<64x255xf32, #tpu.memory_space<hbm>>
    %dma_wait3A_107 = arith.constant 0 : i32
    %dma_wait3A_108 = tpu.memref_slice %arg4[%add3A_99, %dma_wait3A_107] : memref<16384x255xf32, #tpu.memory_space<hbm>> -> memref<64x255xf32, #tpu.memory_space<hbm>>
    %dma_wait3A_109 = arith.constant 64 : i32
    %dma_wait3A_110 = arith.constant 0 : i32
    %dma_wait3A_111 = tpu.memref_slice %arg5[%dma_wait3A_100, %dma_wait3A_109, %dma_wait3A_110] : memref<2x128x255xf32, #tpu.memory_space<vmem>> -> memref<1x64x255xf32, #tpu.memory_space<vmem>>
    %dma_wait3A_112 = tpu.memref_squeeze %dma_wait3A_111 : memref<1x64x255xf32, #tpu.memory_space<vmem>> -> memref<64x255xf32, #tpu.memory_space<vmem>>
    tpu.wait_dma2 semaphore(%arg12 : memref<!tpu.dma_semaphore, #tpu.memory_space<semaphore_mem>>) src(%dma_wait3A_112 : memref<64x255xf32, #tpu.memory_space<vmem>>) dst(%dma_wait3A_108 : memref<64x255xf32, #tpu.memory_space<hbm>>)
    return
  }
}

</mosaic_0001>

<sc_bundles>
// kernel: _run.3.cloned.1.call-start
scs
__scs_entry_jumppad:
0x0: {  	(pc) =	sbr.rel $0x88, $3  }
0x1: {  	(tag) =	ssettag $0x0;
	lr =	simm.s32 $0x1  }
0x2: {  	[smem:$0x3F9F] =	sst lr;
	_ =	strace $0xD0000000  }
0x3: {  	_ = 	snop  }
0x4: {  	_ = 	snop  }
0x5: {  	_ = 	snop  }
0x6: {  	_ = 	snop  }
0x7: {  	_ = 	snop  }
__scs_overlays_trampoline_lowered:
0x8: {  	[smem:$0x3FAE] =	sst s0  }
0x9: {  	[smem:$0x3FAF] =	sst s1  }
0xa: {  	[smem:$0x3FB0] =	sst s2  }
0xb: {  	[smem:$0x3FB1] =	sst s3  }
0xc: {  	[smem:$0x3FB2] =	sst s4  }
0xd: {  	[smem:$0x3FB3] =	sst s5  }
0xe: {  	[smem:$0x3FB4] =	sst s6  }
0xf: {  	[smem:$0x3FB5] =	sst s7  }
0x10: {  	[smem:$0x3FB6] =	sst s8  }
0x11: {  	[smem:$0x3FB7] =	sst s9;
	s0 =	simm.s32 @!p0 $0x0  }
0x12: {  	s1 =	sld [smem:$0x3F9D];
	s0 =	simm.s32 @p0 $0x1  }
0x13: {  	[smem:$0x3FB8] =	sst s0;
	s0 =	simm.s32 @!p1 $0x0  }
0x14: {  	s2 =	sld [smem:$0x3F9C];
	s0 =	simm.s32 @p1 $0x1  }
0x15: {  	[smem:$0x3FB9] =	sst s0;
	s0 =	simm.s32 @!p2 $0x0  }
0x16: {  	s3 =	sld [smem:$0x3FDB];
	s0 =	simm.s32 @p2 $0x1  }
0x17: {  	s4 =	simm.s32 $0x1BF5;
	[smem:$0x3FBB] =	sst s0  }
0x18: {  	s0 =	sld [smem:$0x3F9E];
	_ =	swait.ge [sflag:s4], $0x0  }
0x19: {  	s7 =	sld [smem:$0x3F9F]  }
0x1a: {  	s8 =	sadd.s32 $0xFFFFE003, lr  }
0x1b: {  	s9 =	sadd.s32 $0xFFFFFEF7, lr;
	s5 =	simm.s32 $0xFFFFFFFF;
	p2 =	slt.u32 s8, $0xFFFFF086  }
0x1c: {  	p1 =	slt.u32 s9, $0xF7A;
	s5 =	simm.s32 @!p2 $0x0  }
0x1d: {  	s5 =	simm.s32 @p1 $0x1;
	p0 =	seq.s32 s7, s2  }
0x1e: {  	s7 =	smul.u32 @!p0 $0xF7A, s2;
	p2 =	seq.s32 @!p0 s5, $0x0  }
0x1f: {  	s9 =	smul.u32 $0xF7A, s1;
	s8 =	simm.s32 @!p0 $0x1BF5;
	p2 =	por !p2, p0  }
0x20: {  	[sflag:s8] =	ssyncset.s32 @!p0 $0xFFFFF086;
	s6 =	sadd.s32 @!p0 s3, s7;
	s7 =	simm.s32 @!p0 $0x108  }
0x21: {  	s3 =	sadd.s32 s3, s9;
	s6 =	sadd.s32 @!p0 $0x88, s6;
	s7 =	simm.s32 @p2 $0x1082  }
0x22: {  	[simem:s7], [sflag:s8] =	dma.local @!p0 [hbm:s6], $0xF7A  }
0x23: {  	s9 =	sor.u32 $0xD0000000, s2;
	s6 =	simm.s32 $0x108;
	_ =	swait.ge @!p0 [sflag:s8], $0x0  }
0x24: {  	s3 =	sadd.s32 $0x88, s3;
	s6 =	simm.s32 @!p1 $0x1082;
	[sflag:s4] =	ssyncset.s32 $0xFFFFF086  }
0x25: {  	[simem:s6], [sflag:s4] =	dma.local [hbm:s3], $0xF7A  }
0x26: {  	[smem:$0x3F9F] =	sst s1;
	(tag) =	ssettag s2;
	_ =	strace s9  }
0x27: {  	s1 =	sld [smem:$0x3FAF]  }
0x28: {  	s2 =	sld [smem:$0x3FB0]  }
0x29: {  	s4 =	sld [smem:$0x3FB2]  }
0x2a: {  	p0 =	seq.s32 s5, $0x0;
	s5 =	sld [smem:$0x3FB3]  }
0x2b: {  	s6 =	sld [smem:$0x3FB4]  }
0x2c: {  	s7 =	sld [smem:$0x3FB5]  }
0x2d: {  	s3 =	simm.s32 $0x108;
	s8 =	sld [smem:$0x3FB6]  }
0x2e: {  	s3 =	simm.s32 @!p0 $0x1082;
	s9 =	sld [smem:$0x3FB7]  }
0x2f: {  	lr =	sadd.s32 s0, s3;
	s0 =	sld [smem:$0x3FAE]  }
0x30: {  	s3 =	sld [smem:$0x3FB1]  }
0x31: {  	[smem:$0x3FBA] =	sst s10  }
0x32: {  	s10 =	sld [smem:$0x3FB8];
	_ =	sdelay $0x3  }
0x33: {  	p0 =	seq.s32 s10, $0x1;
	s10 =	sld [smem:$0x3FBA];
	_ =	sdelay $0x3  }
0x34: {  	[smem:$0x3FBA] =	sst s10  }
0x35: {  	s10 =	sld [smem:$0x3FB9];
	_ =	sdelay $0x3  }
0x36: {  	p1 =	seq.s32 s10, $0x1;
	s10 =	sld [smem:$0x3FBA];
	_ =	sdelay $0x3  }
0x37: {  	[smem:$0x3FBA] =	sst s10  }
0x38: {  	s10 =	sld [smem:$0x3FBB]  }
0x39: {  	_ = 	snop;
	(pc) =	sbr.ind lr, $3  }
0x3a: {  	_ = 	snop  }
0x3b: {  	_ = 	snop  }
0x3c: {  	p2 =	seq.s32 s10, $0x1;
	s10 =	sld [smem:$0x3FBA]  }
0x3d: {  	_ =	shalt  }
0x3e: {  	_ =	shalt  }
0x3f: {  	_ =	shalt  }
0x40: {  	_ =	shalt  }
0x41: {  	_ =	shalt  }
0x42: {  	_ =	shalt  }
0x43: {  	_ =	shalt  }
0x44: {  	_ =	shalt  }
0x45: {  	_ =	shalt  }
0x46: {  	_ =	shalt  }
0x47: {  	_ =	shalt  }
0x48: {  	_ =	shalt  }
0x49: {  	_ =	shalt  }
0x4a: {  	_ =	shalt  }
0x4b: {  	_ =	shalt  }
0x4c: {  	_ =	shalt  }
0x4d: {  	_ =	shalt  }
0x4e: {  	_ =	shalt  }
0x4f: {  	_ =	shalt  }
0x50: {  	_ =	shalt  }
0x51: {  	_ =	shalt  }
0x52: {  	_ =	shalt  }
0x53: {  	_ =	shalt  }
0x54: {  	_ =	shalt  }
0x55: {  	_ =	shalt  }
0x56: {  	_ =	shalt  }
0x57: {  	_ =	shalt  }
0x58: {  	_ =	shalt  }
0x59: {  	_ =	shalt  }
0x5a: {  	_ =	shalt  }
0x5b: {  	_ =	shalt  }
0x5c: {  	_ =	shalt  }
0x5d: {  	_ =	shalt  }
0x5e: {  	_ =	shalt  }
0x5f: {  	_ =	shalt  }
0x60: {  	_ =	shalt  }
0x61: {  	_ =	shalt  }
0x62: {  	_ =	shalt  }
0x63: {  	_ =	shalt  }
0x64: {  	_ =	shalt  }
0x65: {  	_ =	shalt  }
0x66: {  	_ =	shalt  }
0x67: {  	_ =	shalt  }
0x68: {  	_ =	shalt  }
0x69: {  	_ =	shalt  }
0x6a: {  	_ =	shalt  }
0x6b: {  	_ =	shalt  }
0x6c: {  	_ =	shalt  }
0x6d: {  	_ =	shalt  }
0x6e: {  	_ =	shalt  }
0x6f: {  	_ =	shalt  }
0x70: {  	_ =	shalt  }
0x71: {  	_ =	shalt  }
0x72: {  	_ =	shalt  }
0x73: {  	_ =	shalt  }
0x74: {  	_ =	shalt  }
0x75: {  	_ =	shalt  }
0x76: {  	_ =	shalt  }
0x77: {  	_ =	shalt  }
0x78: {  	_ =	shalt  }
0x79: {  	_ =	shalt  }
0x7a: {  	_ =	shalt  }
0x7b: {  	_ =	shalt  }
0x7c: {  	_ =	shalt  }
0x7d: {  	_ =	shalt  }
0x7e: {  	_ =	shalt  }
0x7f: {  	_ =	shalt  }
0x80: {  	_ =	shalt  }
0x81: {  	_ =	shalt  }
0x82: {  	_ =	shalt  }
0x83: {  	_ =	shalt  }
0x84: {  	_ =	shalt  }
0x85: {  	_ =	shalt  }
0x86: {  	_ =	shalt  }
0x87: {  	_ =	shalt  }
.Lfunc_end0:
.L_simem_size_0:
called_computation_lowered:
.L_overlay_start_0:
0x88: {  	s2 =	sld [smem:$0x3FD9]  }
0x89: {  	s3 =	sld [smem:$0x3FFE];
	_ =	sdelay $0x1  }
0x8a: {  	s1 =	srdreg.scid  }
0x8b: {  	s0 =	sand.u32 $0x1, s1  }
0x8c: {  	s18 =	sshll.u32 s0, $0xA;
	s2 =	sadd.s32 s3, s2  }
0x8d: {  	s2 =	sadd.s32 s2, s18  }
0x8e: {  	[smem:$0x3FC6] =	sst s2  }
0x8f: {  	_ = 	snop  }
0x90: {  	s2 =	sld [smem:$0x3FC9]  }
0x91: {  	s19 =	sld [smem:$0x3FC8]  }
0x92: {  	s4 =	sld [smem:$0x3FD0];
	(tm) =	ssettm $0x1  }
0x93: {  	s5 =	sld [smem:$0x3FFB];
	_ =	sdelay $0x3  }
0x94: {  	_ =	strace s5  }
0x95: {  	s5 =	sld [smem:$0x3FFC];
	_ =	sdelay $0x3  }
0x96: {  	_ =	strace s5  }
0x97: {  	s5 =	sld [smem:$0x3FFD];
	_ =	sdelay $0x3  }
0x98: {  	_ =	strace s5  }
0x99: {  	_ =	strace $0x8FFFFFFF  }
0x9a: {  	s20 =	sld [smem:$0x3FDB];
	_ =	sdelay $0x1  }
0x9b: {  	s6 =	simm.s32 $_scs_section_size  }
0x9c: {  	s7 =	simm.s32 $_size__tile_overlayer_lowered;
	s8 =	simm.s32 $_tile_overlayer_lowered  }
0x9d: {  	s23 =	simm.s32 $0x1BFF;
	s22 =	sshll.u32 s8, $0x1;
	s5 =	sadd.s32 s6, s20  }
0x9e: {  	s9 =	simm.s32 $0x0;
	s21 =	sshll.u32 s7, $0x1;
	s7 =	sadd.s32 s22, s5  }
0x9f: {  	[timem:s9], [sflag:s23] =	dma.local [hbm:s7], s21  }
0xa0: {  	_ =	swait.ge [sflag:s23], s21  }
0xa1: {  	s6 =	ssub.s32 $0x0, s21;
	[sflag:s23] =	ssyncset.done $0x0  }
0xa2: {  	[sflag:s23] =	ssyncadd.s32 s6;
	_ =	sdelay $0x1  }
0xa3: {  	s24 =	simm.s32 $0x1B8B  }
0xa4: {  	_ =	swait.ge [sflag:s24], $0x1  }
0xa5: {  	[sflag:s24] =	ssyncset.done $0x0  }
0xa6: {  	s25 =	simm.s32 $0x1B8E;
	[sflag:s24] =	ssyncadd.s32 $0xFFFFFFFF  }
0xa7: {  	s26 =	simm.s32 $execute0_lowered;
	[smem:$0x3FD2] =	sst s25  }
0xa8: {  	s6 =	sshll.u32 s26, $0x1;
	_ =	strace $0x80000046;
	[dreg:$0x1] =	wrdreg $0xFFFFFFFF  }
0xa9: {  	s28 =	simm.s32 $_size_execute0_lowered;
	s5 =	sadd.s32 s5, s6;
	[dreg:$0x0] =	wrdreg $0x0  }
0xaa: {  	s6 =	sshll.u32 s28, $0x1;
	[dreg:$0x2] =	wrdreg s5  }
0xab: {  	[dreg:$0x3] =	wrdreg s6  }
0xac: {  	[dreg:$0x4] =	wrdreg $0xC0  }
0xad: {  	_ =	task [dreg:s9], $0x5FFFF  }
0xae: {  	[dreg:$0x1] =	wrdreg $0xFFFFFFFF  }
0xaf: {  	[dreg:$0x0] =	wrdreg $0x60  }
0xb0: {  	[dreg:$0x2] =	wrdreg s2  }
0xb1: {  	[dreg:$0x3] =	wrdreg s19  }
0xb2: {  	[dreg:$0x4] =	wrdreg s4  }
0xb3: {  	[dreg:$0x5] =	wrdreg $0x9  }
0xb4: {  	_ =	task.clear_ibuf [dreg:s9], $0x6FFFF;
	_ =	strace $0x90000046  }
0xb5: {  	s29 =	simm.s32 $0x9;
	_ =	strace $0x80000048  }
0xb6: {  	_ =	swait.ge [sflag:s29], $0x1  }
0xb7: {  	[sflag:s29] =	ssyncadd.s32 $0xFFFFFFFF  }
0xb8: {  	_ =	strace $0x90000048  }
0xb9: {  	_ =	sfence  }
0xba: {  	s30 =	sld [smem:$0x0];
	_ =	sdelay $0x2  }
0xbb: {  	s31 =	sshll.u32 s1, $0xD;
	s1 =	sshrl.u32 s1, $0x2  }
0xbc: {  	s3 =	sand.u32 $0x4000, s31;
	s1 =	sadd.s32 s1, s30  }
0xbd: {  	s0 =	sor.u32 s3, s0;
	s1 =	sshll.u32 s1, $0x11  }
0xbe: {  	s0 =	sor.u32 s1, s0  }
0xbf: {  	s0 =	sadd.s32 $0x8F2B, s0  }
0xc0: {  	[sflag:s0] =	ssyncadd.remote.s32 $0x1  }
0xc1: {  	_ =	sfence.sel $0xFFFF  }
0xc2: {  	[dreg:$0x0] =	wrdreg $0xFFFFFFFF;
	(pc) =	sbr.abs _section_cstart, $3  }
0xc3: {  	[dreg:$0x1] =	wrdreg $0xFFFFFFFF  }
0xc4: {  	_ =	task.clear_ibuf [dreg:s9], $0x2FFFF;
	_ =	strace $0x9FFFFFFF  }
0xc5: {  	(tm) =	ssettm $0x7FFFFFFF  }
tec
execute0_lowered:
.L_overlay_start_1:
0x0: {  	(tag) =	ssettag $0x1  }
0x1: {  	v0 =	vimm.s32 $0xBFF;
	vm14 =	vcmask $0x300  }
0x2: {  	vm13 =	vcmask $0x704;
	vm12 =	vcmask $0xB08;
	vm11 =	vcmask $0xF0C  }
0x3: {  	vm10 =	vcmask $0x1310;
	vm9 =	vcmask $0x1714;
	vm8 =	vcmask $0x1B18  }
0x4: {  	vm7 =	vcmask $0x1F1C;
	vm0 =	vcmask $0x2320;
	v1 =	vimm.s32 $0x1BFF  }
0x5: {  	v2 =	vimm.s32 $0x2BFF;
	vm1 =	vcmask $0x2724;
	vm2 =	vcmask $0x2B28  }
0x6: {  	vm3 =	vcmask $0x2F2C;
	vm4 =	vcmask $0x3330;
	vm5 =	vcmask $0x3734  }
0x7: {  	vm6 =	vcmask $0x3B38;
	v3 =	vimm.s32 $0x3BFF;
	v4 =	vimm.s32 $0x4BFF  }
0x8: {  	v5 =	vimm.s32 $0x5BFF;
	v6 =	vimm.s32 $0x6BFF;
	v7 =	vimm.s32 $0x7BFF  }
0x9: {  	v8 =	vimm.s32 $0x40E;
	v15 =	vlaneseq.u32;
	v0 =	vsel vm14, $0x7F, v0  }
0xa: {  	v1 =	vsel vm14, $0x107F, v1;
	v2 =	vsel vm14, $0x207F, v2;
	v3 =	vsel vm14, $0x307F, v3  }
0xb: {  	v4 =	vsel vm14, $0x407F, v4;
	v5 =	vsel vm14, $0x507F, v5;
	v6 =	vsel vm14, $0x607F, v6  }
0xc: {  	v7 =	vsel vm14, $0x707F, v7;
	v8 =	vsel vm14, $0x7F, v8;
	v9 =	vadd.s32 $0x40F, v15  }
0xd: {  	v10 =	vadd.s32 $0x41F, v15;
	v11 =	vadd.s32 $0x42F, v15;
	v12 =	vadd.s32 $0x43F, v15  }
0xe: {  	v13 =	vadd.s32 $0x44F, v15;
	v14 =	vadd.s32 $0x45F, v15;
	v15 =	vadd.s32 $0x46F, v15  }
0xf: {  	v0 =	vsel vm13, $0xFF, v0;
	v1 =	vsel vm13, $0x10FF, v1;
	v2 =	vsel vm13, $0x20FF, v2  }
0x10: {  	v3 =	vsel vm13, $0x30FF, v3;
	v4 =	vsel vm13, $0x40FF, v4;
	v5 =	vsel vm13, $0x50FF, v5  }
0x11: {  	v6 =	vsel vm13, $0x60FF, v6;
	v7 =	vsel vm13, $0x70FF, v7;
	v8 =	vsel vm13, $0x400, v8  }
0x12: {  	v0 =	vsel vm12, $0x17F, v0;
	v1 =	vsel vm12, $0x117F, v1;
	v2 =	vsel vm12, $0x217F, v2  }
0x13: {  	v3 =	vsel vm12, $0x317F, v3;
	v4 =	vsel vm12, $0x417F, v4;
	v5 =	vsel vm12, $0x517F, v5  }
0x14: {  	v6 =	vsel vm12, $0x617F, v6;
	v7 =	vsel vm12, $0x717F, v7;
	v8 =	vsel vm12, $0x401, v8  }
0x15: {  	v0 =	vsel vm11, $0x1FF, v0;
	v1 =	vsel vm11, $0x11FF, v1;
	v2 =	vsel vm11, $0x21FF, v2  }
0x16: {  	v3 =	vsel vm11, $0x31FF, v3;
	v4 =	vsel vm11, $0x41FF, v4;
	v5 =	vsel vm11, $0x51FF, v5  }
0x17: {  	v6 =	vsel vm11, $0x61FF, v6;
	v7 =	vsel vm11, $0x71FF, v7;
	v8 =	vsel vm11, $0x402, v8  }
0x18: {  	v0 =	vsel vm10, $0x27F, v0;
	v1 =	vsel vm10, $0x127F, v1;
	v2 =	vsel vm10, $0x227F, v2  }
0x19: {  	v3 =	vsel vm10, $0x327F, v3;
	v4 =	vsel vm10, $0x427F, v4;
	v5 =	vsel vm10, $0x527F, v5  }
0x1a: {  	v6 =	vsel vm10, $0x627F, v6;
	v7 =	vsel vm10, $0x727F, v7;
	v8 =	vsel vm10, $0x403, v8  }
0x1b: {  	v0 =	vsel vm9, $0x2FF, v0;
	v1 =	vsel vm9, $0x12FF, v1;
	v2 =	vsel vm9, $0x22FF, v2  }
0x1c: {  	v3 =	vsel vm9, $0x32FF, v3;
	v4 =	vsel vm9, $0x42FF, v4;
	v5 =	vsel vm9, $0x52FF, v5  }
0x1d: {  	v6 =	vsel vm9, $0x62FF, v6;
	v7 =	vsel vm9, $0x72FF, v7;
	v8 =	vsel vm9, $0x404, v8  }
0x1e: {  	v0 =	vsel vm8, $0x37F, v0;
	v1 =	vsel vm8, $0x137F, v1;
	v2 =	vsel vm8, $0x237F, v2  }
0x1f: {  	s0 =	rddreg [dreg:$0x0];
	s2 =	srdreg.scid;
	v3 =	vsel vm8, $0x337F, v3;
	v4 =	vsel vm8, $0x437F, v4;
	v5 =	vsel vm8, $0x537F, v5  }
0x20: {  	s1 =	rddreg [dreg:$0x1];
	s2 =	sand.u32 $0x1, s2;
	v6 =	vsel vm8, $0x637F, v6;
	v7 =	vsel vm8, $0x737F, v7;
	v8 =	vsel vm8, $0x405, v8  }
0x21: {  	s3 =	stileid.u32;
	s6 =	sshll.u32 s2, $0x9;
	s2 =	ssub.s32 $0x2, s2;
	v0 =	vsel vm7, $0x3FF, v0;
	v1 =	vsel vm7, $0x13FF, v1;
	v2 =	vsel vm7, $0x23FF, v2  }
0x22: {  	s4 =	rddreg [dreg:$0x2];
	s3 =	sshll.u32 s3, $0xA;
	s11 =	sshrl.u32 s2, $0x1;
	v3 =	vsel vm7, $0x33FF, v3;
	v4 =	vsel vm7, $0x43FF, v4;
	v5 =	vsel vm7, $0x53FF, v5  }
0x23: {  	s5 =	simm.s32 $0x0;
	s6 =	sor.u32 s6, s3;
	s2 =	ssub.s32 s2, s11;
	v6 =	vsel vm7, $0x63FF, v6;
	v7 =	vsel vm7, $0x73FF, v7;
	v8 =	vsel vm7, $0x406, v8  }
0x24: {  	[smem:$0x7FF] =	sst s5;
	s7 =	sshll.u32 s6, $0x4;
	s2 =	smax.u32 s2, $0x1;
	v0 =	vsel vm0, $0x87F, v0;
	v1 =	vsel vm0, $0x187F, v1;
	v2 =	vsel vm0, $0x287F, v2  }
0x25: {  	_ =	strace $0x80000047;
	s12 =	sadd.s32 s0, s7;
	[dreg:$0x5] =	wrdreg s2;
	v3 =	vsel vm0, $0x387F, v3;
	v4 =	vsel vm0, $0x487F, v4;
	v5 =	vsel vm0, $0x587F, v5  }
0x26: {  	s13 =	sadd.s32 $0x80, s12;
	[dreg:$0x4] =	wrdreg s12;
	v6 =	vsel vm0, $0x687F, v6;
	v7 =	vsel vm0, $0x787F, v7;
	v8 =	vsel vm0, $0x407, v8  }
0x27: {  	s14 =	sadd.s32 $0x100, s12;
	[dreg:$0x6] =	wrdreg s13;
	v0 =	vsel vm1, $0x8FF, v0;
	v1 =	vsel vm1, $0x18FF, v1;
	v2 =	vsel vm1, $0x28FF, v2  }
0x28: {  	s15 =	sadd.s32 $0x180, s12;
	[dreg:$0x7] =	wrdreg s14;
	v3 =	vsel vm1, $0x38FF, v3;
	v4 =	vsel vm1, $0x48FF, v4;
	v5 =	vsel vm1, $0x58FF, v5  }
0x29: {  	s16 =	sadd.s32 $0x200, s12;
	[dreg:$0x8] =	wrdreg s15;
	v6 =	vsel vm1, $0x68FF, v6;
	v7 =	vsel vm1, $0x78FF, v7;
	v8 =	vsel vm1, $0x408, v8  }
0x2a: {  	s17 =	sadd.s32 $0x280, s12;
	[dreg:$0x9] =	wrdreg s16;
	v0 =	vsel vm2, $0x97F, v0;
	v1 =	vsel vm2, $0x197F, v1;
	v2 =	vsel vm2, $0x297F, v2  }
0x2b: {  	s18 =	sadd.s32 $0x300, s12;
	[dreg:$0xa] =	wrdreg s17;
	v3 =	vsel vm2, $0x397F, v3;
	v4 =	vsel vm2, $0x497F, v4;
	v5 =	vsel vm2, $0x597F, v5  }
0x2c: {  	s19 =	sadd.s32 $0x380, s12;
	[dreg:$0xb] =	wrdreg s18;
	v6 =	vsel vm2, $0x697F, v6;
	v7 =	vsel vm2, $0x797F, v7;
	v8 =	vsel vm2, $0x409, v8  }
0x2d: {  	s29 =	simm.s32 $0x1;
	s20 =	sadd.s32 $0x400, s12;
	[dreg:$0xc] =	wrdreg s19;
	v0 =	vsel vm3, $0x9FF, v0;
	v1 =	vsel vm3, $0x19FF, v1;
	v2 =	vsel vm3, $0x29FF, v2  }
0x2e: {  	s30 =	simm.s32 $0x80;
	s21 =	sadd.s32 $0x480, s12;
	[dreg:$0xd] =	wrdreg s20;
	v3 =	vsel vm3, $0x39FF, v3;
	v4 =	vsel vm3, $0x49FF, v4;
	v5 =	vsel vm3, $0x59FF, v5  }
0x2f: {  	s31 =	simm.s32 $0x14000;
	s22 =	sadd.s32 $0x500, s12;
	[dreg:$0xe] =	wrdreg s21;
	v6 =	vsel vm3, $0x69FF, v6;
	v7 =	vsel vm3, $0x79FF, v7;
	v8 =	vsel vm3, $0x40A, v8  }
0x30: {  	s8 =	sadd.s32 $0x800, s4;
	s23 =	sadd.s32 $0x580, s12;
	[dreg:$0xf] =	wrdreg s22;
	v0 =	vsel vm4, $0xA7F, v0;
	v1 =	vsel vm4, $0x1A7F, v1;
	v2 =	vsel vm4, $0x2A7F, v2  }
0x31: {  	s9 =	sor.u32 $0x100, s6;
	s24 =	sadd.s32 $0x600, s12;
	[dreg:$0x10] =	wrdreg s23;
	v3 =	vsel vm4, $0x3A7F, v3;
	v4 =	vsel vm4, $0x4A7F, v4;
	v5 =	vsel vm4, $0x5A7F, v5  }
0x32: {  	s11 =	simm.s32 $0x0;
	s25 =	sadd.s32 $0x680, s12;
	[dreg:$0x11] =	wrdreg s24;
	v6 =	vsel vm4, $0x6A7F, v6;
	v7 =	vsel vm4, $0x7A7F, v7;
	v8 =	vsel vm4, $0x40B, v8  }
0x33: {  	s7 =	simm.s32 $0x18080;
	s26 =	sadd.s32 $0x700, s12;
	[dreg:$0x12] =	wrdreg s25;
	v0 =	vsel vm5, $0xAFF, v0;
	v1 =	vsel vm5, $0x1AFF, v1;
	v2 =	vsel vm5, $0x2AFF, v2  }
0x34: {  	s28 =	sadd.s32 $0x780, s12;
	s2 =	simm.s32 $0x8000;
	[dreg:$0x13] =	wrdreg s26;
	v3 =	vsel vm5, $0x3AFF, v3;
	v4 =	vsel vm5, $0x4AFF, v4;
	v5 =	vsel vm5, $0x5AFF, v5  }
0x35: {  	[dreg:$0x14] =	wrdreg s28;
	s26 =	simm.s32 $0x4000;
	s16 =	simm.s32 $0xC000;
	v6 =	vsel vm5, $0x6AFF, v6;
	v7 =	vsel vm5, $0x7AFF, v7;
	v8 =	vsel vm5, $0x40C, v8  }
0x36: {  	s17 =	simm.s32 $0xC800;
	s18 =	simm.s32 $0xD000;
	s19 =	simm.s32 $0xD800;
	v0 =	vsel vm6, $0xB7F, v0;
	v1 =	vsel vm6, $0x1B7F, v1;
	v2 =	vsel vm6, $0x2B7F, v2  }
0x37: {  	s20 =	simm.s32 $0xE000;
	s21 =	simm.s32 $0xE800;
	s22 =	simm.s32 $0xF000;
	v3 =	vsel vm6, $0x3B7F, v3;
	v4 =	vsel vm6, $0x4B7F, v4;
	v5 =	vsel vm6, $0x5B7F, v5  }
0x38: {  	s23 =	simm.s32 $0xF800;
	s24 =	simm.s32 $0x3;
	s25 =	simm.s32 $0x2;
	v6 =	vsel vm6, $0x6B7F, v6;
	v7 =	vsel vm6, $0x7B7F, v7;
	v8 =	vsel vm6, $0x40D, v8  }
.LBB2_1:
0x39: {  	[dreg:$0x15] =	wrdreg s11  }
0x3a: {  	s3 =	rddreg [dreg:$0x4]  }
0x3b: {  	[tilespmem:s5], [sflag:$0x1] =	stream.linear.gather [hbm4b:s3+s5], $0x400, $0x38;
	[tilespmem:$0x18100] =	vst v63  }
0x3c: {  	s11 =	rddreg [dreg:$0x6];
	s10 =	simm.s32 $0x800  }
0x3d: {  	[tilespmem:s10], [sflag:$0x1] =	stream.linear.gather [hbm4b:s11+s5], $0x400, $0x38;
	[tilespmem:$0x18100] =	vst v63  }
0x3e: {  	s12 =	rddreg [dreg:$0x7];
	s13 =	simm.s32 $0x1000  }
0x3f: {  	[tilespmem:s13], [sflag:$0x1] =	stream.linear.gather [hbm4b:s12+s5], $0x400, $0x38;
	[tilespmem:$0x18100] =	vst v63  }
0x40: {  	s14 =	rddreg [dreg:$0x8];
	s15 =	simm.s32 $0x1800  }
0x41: {  	[tilespmem:s15], [sflag:$0x1] =	stream.linear.gather [hbm4b:s14+s5], $0x400, $0x38;
	[tilespmem:$0x18100] =	vst v63  }
0x42: {  	s10 =	rddreg [dreg:$0x9];
	s11 =	simm.s32 $0x2000  }
0x43: {  	[tilespmem:s11], [sflag:$0x1] =	stream.linear.gather [hbm4b:s10+s5], $0x400, $0x38;
	[tilespmem:$0x18100] =	vst v63  }
0x44: {  	s12 =	rddreg [dreg:$0xa];
	s13 =	simm.s32 $0x2800  }
0x45: {  	[tilespmem:s13], [sflag:$0x1] =	stream.linear.gather [hbm4b:s12+s5], $0x400, $0x38;
	[tilespmem:$0x18100] =	vst v63  }
0x46: {  	s14 =	rddreg [dreg:$0xb];
	s15 =	simm.s32 $0x3000  }
0x47: {  	[tilespmem:s15], [sflag:$0x1] =	stream.linear.gather [hbm4b:s14+s5], $0x400, $0x38;
	[tilespmem:$0x18100] =	vst v63  }
0x48: {  	s11 =	rddreg [dreg:$0xc];
	s12 =	simm.s32 $0x3800  }
0x49: {  	[tilespmem:s12], [sflag:$0x1] =	stream.linear.gather [hbm4b:s11+s5], $0x400, $0x38;
	[tilespmem:$0x18100] =	vst v63  }
0x4a: {  	s13 =	rddreg [dreg:$0xd]  }
0x4b: {  	[tilespmem:s26], [sflag:$0x1] =	stream.linear.gather [hbm4b:s13+s5], $0x400, $0x38;
	[tilespmem:$0x18100] =	vst v63  }
0x4c: {  	s14 =	rddreg [dreg:$0xe];
	s15 =	simm.s32 $0x4800  }
0x4d: {  	[tilespmem:s15], [sflag:$0x1] =	stream.linear.gather [hbm4b:s14+s5], $0x400, $0x38;
	[tilespmem:$0x18100] =	vst v63  }
0x4e: {  	s10 =	rddreg [dreg:$0xf];
	s11 =	simm.s32 $0x5000  }
0x4f: {  	[tilespmem:s11], [sflag:$0x1] =	stream.linear.gather [hbm4b:s10+s5], $0x400, $0x38;
	[tilespmem:$0x18100] =	vst v63  }
0x50: {  	s12 =	rddreg [dreg:$0x10];
	s13 =	simm.s32 $0x5800  }
0x51: {  	[tilespmem:s13], [sflag:$0x1] =	stream.linear.gather [hbm4b:s12+s5], $0x400, $0x38;
	[tilespmem:$0x18100] =	vst v63  }
0x52: {  	s14 =	rddreg [dreg:$0x11];
	s15 =	simm.s32 $0x6000  }
0x53: {  	[tilespmem:s15], [sflag:$0x1] =	stream.linear.gather [hbm4b:s14+s5], $0x400, $0x38;
	[tilespmem:$0x18100] =	vst v63  }
0x54: {  	p2 =	por $0x1, $0x1;
	s10 =	rddreg [dreg:$0x12];
	s11 =	simm.s32 $0x6800  }
0x55: {  	[tilespmem:s11], [sflag:$0x1] =	stream.linear.gather [hbm4b:s10+s5], $0x400, $0x38;
	[tilespmem:$0x18100] =	vst v63  }
0x56: {  	p1 =	por $0x0, $0x0;
	s12 =	rddreg [dreg:$0x13];
	s13 =	simm.s32 $0x7000  }
0x57: {  	[tilespmem:s13], [sflag:$0x1] =	stream.linear.gather [hbm4b:s12+s5], $0x400, $0x38;
	[tilespmem:$0x18100] =	vst v63  }
0x58: {  	s28 =	simm.s32 $0x0;
	s14 =	rddreg [dreg:$0x14];
	s15 =	simm.s32 $0x7800  }
0x59: {  	[tilespmem:s15], [sflag:$0x1] =	stream.linear.gather [hbm4b:s14+s5], $0x400, $0x38;
	[tilespmem:$0x18100] =	vst v63  }
.LBB2_2:
0x5a: {  	_ = 	snop  }
0x5b: {  	_ =	swait.ge [sflag:s29], $0x4000  }
0x5c: {  	[sflag:s29] =	ssyncset.done $0x0  }
0x5d: {  	[sflag:s29] =	ssyncadd.s32 $0xFFFFC000  }
0x5e: {  	v16 =	vld.idx.msk [tilespmem:v0+s5+$0x0], $0xffff;
	_ =	sdelay $0x4  }
0x5f: {  	v16 =	vtrunc.f32 v16  }
0x60: {  	v16 =	vcvt.f32.s32 v16;
	_ =	sdelay $0x1  }
0x61: {  	[tilespmem:$0x18000] =	vst v16  }
0x62: {  	v16 =	vld.idx.msk [tilespmem:v1+s5+$0x0], $0xffff;
	_ =	sdelay $0x4  }
0x63: {  	v16 =	vtrunc.f32 v16  }
0x64: {  	v16 =	vcvt.f32.s32 v16;
	_ =	sdelay $0x1  }
0x65: {  	[tilespmem:$0x18010] =	vst v16  }
0x66: {  	v16 =	vld.idx.msk [tilespmem:v2+s5+$0x0], $0xffff;
	_ =	sdelay $0x4  }
0x67: {  	v16 =	vtrunc.f32 v16  }
0x68: {  	v16 =	vcvt.f32.s32 v16;
	_ =	sdelay $0x1  }
0x69: {  	[tilespmem:$0x18020] =	vst v16  }
0x6a: {  	v16 =	vld.idx.msk [tilespmem:v3+s5+$0x0], $0xffff;
	_ =	sdelay $0x4  }
0x6b: {  	v16 =	vtrunc.f32 v16  }
0x6c: {  	v16 =	vcvt.f32.s32 v16;
	_ =	sdelay $0x1  }
0x6d: {  	[tilespmem:$0x18030] =	vst v16  }
0x6e: {  	v16 =	vld.idx.msk [tilespmem:v4+s5+$0x0], $0xffff;
	_ =	sdelay $0x4  }
0x6f: {  	v16 =	vtrunc.f32 v16  }
0x70: {  	v16 =	vcvt.f32.s32 v16;
	_ =	sdelay $0x1  }
0x71: {  	[tilespmem:$0x18040] =	vst v16  }
0x72: {  	v16 =	vld.idx.msk [tilespmem:v5+s5+$0x0], $0xffff;
	_ =	sdelay $0x4  }
0x73: {  	v16 =	vtrunc.f32 v16  }
0x74: {  	v16 =	vcvt.f32.s32 v16;
	_ =	sdelay $0x1  }
0x75: {  	[tilespmem:$0x18050] =	vst v16  }
0x76: {  	v16 =	vld.idx.msk [tilespmem:v6+s5+$0x0], $0xffff;
	_ =	sdelay $0x4  }
0x77: {  	v16 =	vtrunc.f32 v16  }
0x78: {  	v16 =	vcvt.f32.s32 v16;
	_ =	sdelay $0x1  }
0x79: {  	[tilespmem:$0x18060] =	vst v16  }
0x7a: {  	v16 =	vld.idx.msk [tilespmem:v7+s5+$0x0], $0xffff;
	_ =	sdelay $0x4  }
0x7b: {  	v16 =	vtrunc.f32 v16  }
0x7c: {  	v16 =	vcvt.f32.s32 v16;
	_ =	sdelay $0x1  }
0x7d: {  	s3 =	simm.s32 $0x18000;
	s10 =	simm.s32 $0x10000;
	s11 =	simm.s32 @p1 $0x5;
	[tilespmem:$0x18070] =	vst v16  }
0x7e: {  	[tilespmem:s10], [sflag:$0x3] =	stream.indirect.gather [hbm4b:s1+s30], $0x80, s3, s30, $0xb8;
	[tilespmem:$0x18100] =	vst v63  }
0x7f: {  	_ =	swait.ge @p1 [sflag:s11], $0x4000  }
0x80: {  	[sflag:s11] =	ssyncset.done @p1 $0x0  }
0x81: {  	s10 =	sor.u32 s6, s28;
	[sflag:s11] =	ssyncadd.s32 @p1 $0xFFFFC000  }
0x82: {  	s3 =	sor.u32 $0x80, s10;
	_ =	swait.ge @p1 [sflag:s11], $0x4000  }
0x83: {  	s12 =	sshll.u32 s3, $0x4;
	[sflag:s11] =	ssyncset.done @p1 $0x0  }
0x84: {  	[sflag:s11] =	ssyncadd.s32 @p1 $0xFFFFC000;
	s11 =	sadd.s32 s0, s12;
	s12 =	simm.s32 $0x0  }
0x85: {  	[tilespmem:s2], [sflag:$0x2] =	stream.linear.gather [hbm4b:s11+s12], $0x400, $0x38;
	[tilespmem:$0x18100] =	vst v63  }
0x86: {  	s14 =	simm.s32 $0x8800;
	s13 =	sadd.s32 $0x80, s11  }
0x87: {  	[tilespmem:s14], [sflag:$0x2] =	stream.linear.gather [hbm4b:s13+s12], $0x400, $0x38;
	[tilespmem:$0x18100] =	vst v63  }
0x88: {  	s15 =	simm.s32 $0x9000;
	s14 =	sadd.s32 $0x100, s11  }
0x89: {  	[tilespmem:s15], [sflag:$0x2] =	stream.linear.gather [hbm4b:s14+s12], $0x400, $0x38;
	[tilespmem:$0x18100] =	vst v63  }
0x8a: {  	s14 =	sadd.s32 $0x180, s11;
	s15 =	simm.s32 $0x9800  }
0x8b: {  	[tilespmem:s15], [sflag:$0x2] =	stream.linear.gather [hbm4b:s14+s12], $0x400, $0x38;
	[tilespmem:$0x18100] =	vst v63  }
0x8c: {  	s14 =	sadd.s32 $0x200, s11;
	s15 =	simm.s32 $0xA000  }
0x8d: {  	[tilespmem:s15], [sflag:$0x2] =	stream.linear.gather [hbm4b:s14+s12], $0x400, $0x38;
	[tilespmem:$0x18100] =	vst v63  }
0x8e: {  	s14 =	sadd.s32 $0x280, s11;
	s15 =	simm.s32 $0xA800  }
0x8f: {  	[tilespmem:s15], [sflag:$0x2] =	stream.linear.gather [hbm4b:s14+s12], $0x400, $0x38;
	[tilespmem:$0x18100] =	vst v63  }
0x90: {  	s14 =	sadd.s32 $0x300, s11;
	s15 =	simm.s32 $0xB000  }
0x91: {  	[tilespmem:s15], [sflag:$0x2] =	stream.linear.gather [hbm4b:s14+s12], $0x400, $0x38;
	[tilespmem:$0x18100] =	vst v63  }
0x92: {  	s14 =	sadd.s32 $0x380, s11;
	s15 =	simm.s32 $0xB800  }
0x93: {  	[tilespmem:s15], [sflag:$0x2] =	stream.linear.gather [hbm4b:s14+s12], $0x400, $0x38;
	[tilespmem:$0x18100] =	vst v63  }
0x94: {  	s14 =	sadd.s32 $0x400, s11  }
0x95: {  	[tilespmem:s16], [sflag:$0x2] =	stream.linear.gather [hbm4b:s14+s12], $0x400, $0x38;
	[tilespmem:$0x18100] =	vst v63  }
0x96: {  	s15 =	sadd.s32 $0x480, s11  }
0x97: {  	[tilespmem:s17], [sflag:$0x2] =	stream.linear.gather [hbm4b:s15+s12], $0x400, $0x38;
	[tilespmem:$0x18100] =	vst v63  }
0x98: {  	s14 =	sadd.s32 $0x500, s11  }
0x99: {  	[tilespmem:s18], [sflag:$0x2] =	stream.linear.gather [hbm4b:s14+s12], $0x400, $0x38;
	[tilespmem:$0x18100] =	vst v63  }
0x9a: {  	s15 =	sadd.s32 $0x580, s11  }
0x9b: {  	[tilespmem:s19], [sflag:$0x2] =	stream.linear.gather [hbm4b:s15+s12], $0x400, $0x38;
	[tilespmem:$0x18100] =	vst v63  }
0x9c: {  	s14 =	sadd.s32 $0x600, s11  }
0x9d: {  	[tilespmem:s20], [sflag:$0x2] =	stream.linear.gather [hbm4b:s14+s12], $0x400, $0x38;
	[tilespmem:$0x18100] =	vst v63  }
0x9e: {  	s15 =	sadd.s32 $0x680, s11  }
0x9f: {  	[tilespmem:s21], [sflag:$0x2] =	stream.linear.gather [hbm4b:s15+s12], $0x400, $0x38;
	[tilespmem:$0x18100] =	vst v63  }
0xa0: {  	s14 =	sadd.s32 $0x700, s11  }
0xa1: {  	[tilespmem:s22], [sflag:$0x2] =	stream.linear.gather [hbm4b:s14+s12], $0x400, $0x38;
	[tilespmem:$0x18100] =	vst v63  }
0xa2: {  	s11 =	sadd.s32 $0x780, s11;
	s15 =	simm.s32 $0x1  }
0xa3: {  	v16 =	vmov s12;
	v17 =	vmov s15;
	[tilespmem:s23], [sflag:$0x2] =	stream.linear.gather [hbm4b:s11+s12], $0x400, $0x38;
	[tilespmem:$0x18100] =	vst v63  }
0xa4: {  	v18 =	vshll.u32 v16, $0x8;
	v19 =	vshll.u32 v17, $0x8;
	v17 =	vshll.u32 v17, $0x7;
	_ =	swait.ge [sflag:s24], $0x4000  }
0xa5: {  	v16 =	vshll.u32 v16, $0x7;
	v19 =	vand.u32 $0x3800, v19;
	v17 =	vand.u32 $0x380, v17;
	[sflag:s24] =	ssyncset.done $0x0  }
0xa6: {  	s13 =	simm.s32 $0x10080;
	v18 =	vand.u32 $0x3800, v18;
	v16 =	vand.u32 $0x300, v16;
	v21 =	vor.u32 v19, v17;
	[sflag:s24] =	ssyncadd.s32 $0xFFFFC000  }
0xa7: {  	v25 =	vor.u32 v18, v16;
	v17 =	vor.u32 v8, v21;
	v16 =	vld [tilespmem:s13+$0x0]  }
0xa8: {  	v19 =	vor.u32 v8, v25;
	v18 =	vld [tilespmem:s13+$0xFFFFFF80];
	_ =	sdelay $0x3  }
0xa9: {  	[tilespmem:v17+s5+$0x0] =	vst.idx.msk $0xffff, v16  }
0xaa: {  	[tilespmem:v19+s5+$0x0] =	vst.idx.msk $0xffff, v18;
	v17 =	vor.u32 v9, v21;
	v16 =	vld [tilespmem:s13+$0x10]  }
0xab: {  	v19 =	vor.u32 v9, v25;
	v18 =	vld [tilespmem:s13+$0xFFFFFF90];
	_ =	sdelay $0x3  }
0xac: {  	v24 =	vor.u32 v10, v25;
	s14 =	simm.s32 $0x3;
	s12 =	simm.s32 $0x2;
	[tilespmem:v17+s5+$0x0] =	vst.idx.msk $0xffff, v16  }
0xad: {  	v20 =	vmov s12;
	v17 =	vmov s14;
	[tilespmem:v19+s5+$0x0] =	vst.idx.msk $0xffff, v18;
	v19 =	vor.u32 v10, v21;
	v18 =	vld [tilespmem:s13+$0x20]  }
0xae: {  	v16 =	vshll.u32 v20, $0x8;
	v22 =	vshll.u32 v17, $0x8;
	v17 =	vshll.u32 v17, $0x7;
	v23 =	vld [tilespmem:s13+$0xFFFFFFA0]  }
0xaf: {  	v20 =	vshll.u32 v20, $0x7;
	v22 =	vand.u32 $0x3800, v22;
	v17 =	vand.u32 $0x380, v17  }
0xb0: {  	s11 =	simm.s32 $0x10180;
	v26 =	vand.u32 $0x3800, v16;
	v20 =	vand.u32 $0x300, v20;
	v16 =	vor.u32 v22, v17  }
0xb1: {  	v17 =	vor.u32 v26, v20;
	v20 =	vld [tilespmem:s11+$0x0];
	v22 =	vor.u32 v8, v16  }
0xb2: {  	v26 =	vld [tilespmem:s11+$0xFFFFFF80];
	v27 =	vor.u32 v8, v17;
	[tilespmem:v19+s5+$0x0] =	vst.idx.msk $0xffff, v18  }
0xb3: {  	[tilespmem:v24+s5+$0x0] =	vst.idx.msk $0xffff, v23;
	v19 =	vor.u32 v11, v21;
	v18 =	vld [tilespmem:s13+$0x30]  }
0xb4: {  	v24 =	vor.u32 v11, v25;
	v23 =	vld [tilespmem:s13+$0xFFFFFFB0];
	_ =	sdelay $0x1  }
0xb5: {  	[tilespmem:v22+s5+$0x0] =	vst.idx.msk $0xffff, v20  }
0xb6: {  	[tilespmem:v27+s5+$0x0] =	vst.idx.msk $0xffff, v26;
	v22 =	vor.u32 v9, v16;
	v20 =	vld [tilespmem:s11+$0x10]  }
0xb7: {  	v27 =	vor.u32 v9, v17;
	v26 =	vld [tilespmem:s11+$0xFFFFFF90];
	[tilespmem:v19+s5+$0x0] =	vst.idx.msk $0xffff, v18  }
0xb8: {  	[tilespmem:v24+s5+$0x0] =	vst.idx.msk $0xffff, v23;
	v19 =	vor.u32 v12, v21;
	v18 =	vld [tilespmem:s13+$0x40]  }
0xb9: {  	s15 =	simm.s32 $0x4;
	v24 =	vor.u32 v12, v25;
	v23 =	vld [tilespmem:s13+$0xFFFFFFC0]  }
0xba: {  	v28 =	vmov s15  }
0xbb: {  	v29 =	vshll.u32 v28, $0x8;
	v28 =	vshll.u32 v28, $0x7;
	s14 =	simm.s32 $0x5;
	[tilespmem:v22+s5+$0x0] =	vst.idx.msk $0xffff, v20  }
0xbc: {  	v31 =	vor.u32 v10, v17;
	v22 =	vmov s14;
	[tilespmem:v27+s5+$0x0] =	vst.idx.msk $0xffff, v26;
	v27 =	vor.u32 v10, v16;
	v26 =	vld [tilespmem:s11+$0x20]  }
0xbd: {  	v20 =	vand.u32 $0x3800, v29;
	v29 =	vshll.u32 v22, $0x8;
	v22 =	vshll.u32 v22, $0x7;
	v30 =	vld [tilespmem:s11+$0xFFFFFFA0];
	[tilespmem:v19+s5+$0x0] =	vst.idx.msk $0xffff, v18  }
0xbe: {  	v18 =	vand.u32 $0x3800, v29;
	v19 =	vand.u32 $0x380, v22;
	[tilespmem:v24+s5+$0x0] =	vst.idx.msk $0xffff, v23;
	v23 =	vor.u32 v13, v21;
	v22 =	vld [tilespmem:s13+$0x50]  }
0xbf: {  	s12 =	simm.s32 $0x10280;
	v24 =	vand.u32 $0x300, v28;
	v29 =	vor.u32 v13, v25;
	v18 =	vor.u32 v18, v19;
	v28 =	vld [tilespmem:s13+$0xFFFFFFD0]  }
0xc0: {  	v19 =	vor.u32 v20, v24;
	v20 =	vld [tilespmem:s12+$0x0];
	v24 =	vor.u32 v8, v18  }
0xc1: {  	v32 =	vld [tilespmem:s12+$0xFFFFFF80];
	v33 =	vor.u32 v8, v19;
	[tilespmem:v27+s5+$0x0] =	vst.idx.msk $0xffff, v26  }
0xc2: {  	[tilespmem:v31+s5+$0x0] =	vst.idx.msk $0xffff, v30;
	v27 =	vor.u32 v11, v16;
	v26 =	vld [tilespmem:s11+$0x30]  }
0xc3: {  	v31 =	vor.u32 v11, v17;
	v30 =	vld [tilespmem:s11+$0xFFFFFFB0];
	[tilespmem:v23+s5+$0x0] =	vst.idx.msk $0xffff, v22  }
0xc4: {  	v34 =	vor.u32 v14, v21;
	[tilespmem:v29+s5+$0x0] =	vst.idx.msk $0xffff, v28;
	v22 =	vld [tilespmem:s13+$0x60]  }
0xc5: {  	v35 =	vor.u32 v14, v25;
	[tilespmem:v24+s5+$0x0] =	vst.idx.msk $0xffff, v20;
	v20 =	vld [tilespmem:s13+$0xFFFFFFE0]  }
0xc6: {  	v63 =	vor.u32 v9, v18;
	[tilespmem:v33+s5+$0x0] =	vst.idx.msk $0xffff, v32;
	v62 =	vld [tilespmem:s12+$0x10]  }
0xc7: {  	v29 =	vor.u32 v9, v19;
	v28 =	vld [tilespmem:s12+$0xFFFFFF90];
	[tilespmem:v27+s5+$0x0] =	vst.idx.msk $0xffff, v26  }
0xc8: {  	[tilespmem:v31+s5+$0x0] =	vst.idx.msk $0xffff, v30;
	v27 =	vor.u32 v12, v16;
	v23 =	vld [tilespmem:s11+$0x40]  }
0xc9: {  	s15 =	simm.s32 $0x6;
	v26 =	vor.u32 v12, v17;
	v24 =	vld [tilespmem:s11+$0xFFFFFFC0];
	[tilespmem:v34+s5+$0x0] =	vst.idx.msk $0xffff, v22  }
0xca: {  	v21 =	vor.u32 v15, v21;
	v22 =	vmov s15;
	[tilespmem:v35+s5+$0x0] =	vst.idx.msk $0xffff, v20;
	v20 =	vld [tilespmem:s13+$0x70]  }
0xcb: {  	p0 =	por p2, p2;
	v25 =	vor.u32 v15, v25;
	s15 =	simm.s32 $0x7;
	v31 =	vshll.u32 v22, $0x8;
	v30 =	vshll.u32 v22, $0x7;
	v22 =	vld [tilespmem:s13+$0xFFFFFFF0];
	s13 =	simm.s32 $0x8;
	[tilespmem:v63+s5+$0x0] =	vst.idx.msk $0xffff, v62  }
.LBB2_3:
0xcc: {  	p2 =	slt.u32 s13, $0x3E;
	v31 =	vand.u32 $0x3800, v31;
	v32 =	vmov s15;
	[tilespmem:v29+s5+$0x0] =	vst.idx.msk $0xffff, v28;
	v28 =	vld [tilespmem:s12+$0x20];
	v29 =	vor.u32 v10, v18;
	v33 =	vmovc v19;
	s14 =	smov.u32 s12  }
0xcd: {  	v19 =	vshll.u32 v32, $0x8;
	v32 =	vshll.u32 v32, $0x7;
	v34 =	vld [tilespmem:s12+$0xFFFFFFA0];
	v35 =	vor.u32 v10, v33;
	[tilespmem:v27+s5+$0x0] =	vst.idx.msk $0xffff, v23  }
0xce: {  	v19 =	vand.u32 $0x3800, v19;
	v23 =	vand.u32 $0x380, v32;
	[tilespmem:v26+s5+$0x0] =	vst.idx.msk $0xffff, v24;
	v24 =	vld [tilespmem:s11+$0x50];
	v26 =	vor.u32 v13, v16  }
0xcf: {  	v27 =	vand.u32 $0x300, v30;
	s12 =	sadd.s32 $0x100, s12;
	v32 =	vor.u32 v13, v17;
	v30 =	vor.u32 v19, v23;
	v23 =	vld [tilespmem:s11+$0xFFFFFFD0];
	[tilespmem:v21+s5+$0x0] =	vst.idx.msk $0xffff, v20  }
0xd0: {  	v19 =	vor.u32 v31, v27;
	v20 =	vld [tilespmem:s12+$0x0];
	v21 =	vor.u32 v8, v30;
	[tilespmem:v25+s5+$0x0] =	vst.idx.msk $0xffff, v22  }
0xd1: {  	v25 =	vor.u32 v8, v19;
	v22 =	vld [tilespmem:s12+$0xFFFFFF80];
	[tilespmem:v29+s5+$0x0] =	vst.idx.msk $0xffff, v28  }
0xd2: {  	v31 =	vor.u32 v11, v18;
	[tilespmem:v35+s5+$0x0] =	vst.idx.msk $0xffff, v34;
	v27 =	vld [tilespmem:s14+$0x30]  }
0xd3: {  	v35 =	vor.u32 v11, v33;
	v34 =	vld [tilespmem:s14+$0xFFFFFFB0];
	[tilespmem:v26+s5+$0x0] =	vst.idx.msk $0xffff, v24  }
0xd4: {  	v36 =	vor.u32 v14, v16;
	[tilespmem:v32+s5+$0x0] =	vst.idx.msk $0xffff, v23;
	v32 =	vld [tilespmem:s11+$0x60]  }
0xd5: {  	[tilespmem:v21+s5+$0x0] =	vst.idx.msk $0xffff, v20;
	v20 =	vld [tilespmem:s11+$0xFFFFFFE0];
	v21 =	vor.u32 v14, v17  }
0xd6: {  	[tilespmem:v25+s5+$0x0] =	vst.idx.msk $0xffff, v22;
	v22 =	vld [tilespmem:s12+$0x10];
	v25 =	vor.u32 v9, v30  }
.Ltmp0:
0xd7: {  	v29 =	vor.u32 v9, v19;
	v28 =	vld [tilespmem:s12+$0xFFFFFF90];
	[tilespmem:v31+s5+$0x0] =	vst.idx.msk $0xffff, v27;
	(pc) =	sbr.rel @p2 .LBB2_3-.Ltmp0, $4  }
0xd8: {  	v27 =	vor.u32 v12, v18;
	[tilespmem:v35+s5+$0x0] =	vst.idx.msk $0xffff, v34;
	v23 =	vld [tilespmem:s14+$0x40]  }
0xd9: {  	v26 =	vor.u32 v12, v33;
	v24 =	vld [tilespmem:s14+$0xFFFFFFC0];
	[tilespmem:v36+s5+$0x0] =	vst.idx.msk $0xffff, v32  }
0xda: {  	v32 =	vmov s13;
	[tilespmem:v21+s5+$0x0] =	vst.idx.msk $0xffff, v20;
	v20 =	vld [tilespmem:s11+$0x70];
	v21 =	vor.u32 v15, v16;
	v16 =	vmovc v18;
	v18 =	vmov v30  }
0xdb: {  	s15 =	sadd.s32 $0x1, s13;
	s13 =	sadd.s32 $0x2, s13;
	v31 =	vshll.u32 v32, $0x8;
	v30 =	vshll.u32 v32, $0x7;
	[tilespmem:v25+s5+$0x0] =	vst.idx.msk $0xffff, v22;
	v22 =	vld [tilespmem:s11+$0xFFFFFFF0];
	v25 =	vor.u32 v15, v17;
	v17 =	vmovc v33;
	s11 =	smov.u32 s14  }
0xdc: {  	v32 =	vmov s15;
	v31 =	vand.u32 $0x3800, v31  }
0xdd: {  	v30 =	vand.u32 $0x300, v30;
	v33 =	vshll.u32 v32, $0x8;
	v32 =	vshll.u32 v32, $0x7  }
0xde: {  	s13 =	sadd.s32 $0x100, s12;
	v30 =	vor.u32 v31, v30;
	v33 =	vand.u32 $0x3800, v33;
	v32 =	vand.u32 $0x380, v32  }
0xdf: {  	v34 =	vld [tilespmem:s13+$0xFFFFFF80];
	v35 =	vor.u32 v8, v30;
	v32 =	vor.u32 v33, v32  }
0xe0: {  	v31 =	vld [tilespmem:s13+$0x0];
	v33 =	vor.u32 v8, v32;
	_ =	sdelay $0x3  }
0xe1: {  	[tilespmem:v35+s5+$0x0] =	vst.idx.msk $0xffff, v34  }
0xe2: {  	v50 =	vor.u32 v9, v30;
	v34 =	vld [tilespmem:s13+$0xFFFFFF90];
	[tilespmem:v33+s5+$0x0] =	vst.idx.msk $0xffff, v31  }
0xe3: {  	v49 =	vor.u32 v9, v32;
	v31 =	vld [tilespmem:s13+$0x10];
	_ =	sdelay $0x1  }
0xe4: {  	[tilespmem:v29+s5+$0x0] =	vst.idx.msk $0xffff, v28;
	v28 =	vld [tilespmem:s12+$0x20];
	v29 =	vor.u32 v10, v18;
	_ =	sdelay $0x1  }
0xe5: {  	v37 =	vor.u32 v10, v19;
	v36 =	vld [tilespmem:s12+$0xFFFFFFA0];
	[tilespmem:v50+s5+$0x0] =	vst.idx.msk $0xffff, v34  }
0xe6: {  	v52 =	vor.u32 v10, v30;
	v34 =	vld [tilespmem:s13+$0xFFFFFFA0];
	[tilespmem:v49+s5+$0x0] =	vst.idx.msk $0xffff, v31  }
0xe7: {  	v51 =	vor.u32 v10, v32;
	v31 =	vld [tilespmem:s13+$0x20]  }
0xe8: {  	[tilespmem:v29+s5+$0x0] =	vst.idx.msk $0xffff, v28  }
0xe9: {  	[tilespmem:v27+s5+$0x0] =	vst.idx.msk $0xffff, v23;
	v29 =	vor.u32 v11, v18;
	v28 =	vld [tilespmem:s12+$0x30]  }
0xea: {  	[tilespmem:v37+s5+$0x0] =	vst.idx.msk $0xffff, v36  }
0xeb: {  	[tilespmem:v52+s5+$0x0] =	vst.idx.msk $0xffff, v34  }
0xec: {  	v53 =	vor.u32 v11, v19;
	[tilespmem:v51+s5+$0x0] =	vst.idx.msk $0xffff, v31;
	v31 =	vld [tilespmem:s12+$0xFFFFFFB0]  }
0xed: {  	v27 =	vor.u32 v11, v30;
	[tilespmem:v26+s5+$0x0] =	vst.idx.msk $0xffff, v24;
	v23 =	vld [tilespmem:s13+$0xFFFFFFB0]  }
0xee: {  	v55 =	vor.u32 v11, v32;
	[tilespmem:v29+s5+$0x0] =	vst.idx.msk $0xffff, v28;
	v54 =	vld [tilespmem:s13+$0x30]  }
0xef: {  	v26 =	vor.u32 v12, v18;
	[tilespmem:v21+s5+$0x0] =	vst.idx.msk $0xffff, v20;
	v24 =	vld [tilespmem:s12+$0x40]  }
0xf0: {  	[tilespmem:v25+s5+$0x0] =	vst.idx.msk $0xffff, v22;
	v22 =	vld [tilespmem:s11+$0xFFFFFFD0];
	v25 =	vor.u32 v13, v17  }
0xf1: {  	v56 =	vor.u32 v13, v16;
	[tilespmem:v53+s5+$0x0] =	vst.idx.msk $0xffff, v31;
	v31 =	vld [tilespmem:s11+$0x50]  }
0xf2: {  	v29 =	vor.u32 v12, v19;
	[tilespmem:v27+s5+$0x0] =	vst.idx.msk $0xffff, v23;
	v28 =	vld [tilespmem:s12+$0xFFFFFFC0]  }
0xf3: {  	v21 =	vor.u32 v12, v30;
	v20 =	vld [tilespmem:s13+$0xFFFFFFC0];
	[tilespmem:v55+s5+$0x0] =	vst.idx.msk $0xffff, v54  }
0xf4: {  	[tilespmem:v26+s5+$0x0] =	vst.idx.msk $0xffff, v24;
	v27 =	vor.u32 v12, v32;
	v23 =	vld [tilespmem:s13+$0x40]  }
0xf5: {  	[tilespmem:v25+s5+$0x0] =	vst.idx.msk $0xffff, v22;
	v26 =	vor.u32 v13, v18;
	v24 =	vld [tilespmem:s12+$0x50]  }
0xf6: {  	[tilespmem:v56+s5+$0x0] =	vst.idx.msk $0xffff, v31  }
0xf7: {  	v25 =	vor.u32 v14, v16;
	[tilespmem:v29+s5+$0x0] =	vst.idx.msk $0xffff, v28;
	v22 =	vld [tilespmem:s11+$0x60]  }
0xf8: {  	[tilespmem:v21+s5+$0x0] =	vst.idx.msk $0xffff, v20;
	v29 =	vor.u32 v13, v19;
	v28 =	vld [tilespmem:s12+$0xFFFFFFD0]  }
0xf9: {  	[tilespmem:v27+s5+$0x0] =	vst.idx.msk $0xffff, v23;
	v23 =	vld [tilespmem:s13+$0xFFFFFFD0];
	v27 =	vor.u32 v13, v30  }
0xfa: {  	[tilespmem:v26+s5+$0x0] =	vst.idx.msk $0xffff, v24;
	v21 =	vor.u32 v13, v32;
	v20 =	vld [tilespmem:s13+$0x50]  }
0xfb: {  	v26 =	vor.u32 v14, v18;
	v24 =	vld [tilespmem:s12+$0x60]  }
0xfc: {  	v57 =	vor.u32 v14, v17;
	v31 =	vld [tilespmem:s11+$0xFFFFFFE0];
	[tilespmem:v25+s5+$0x0] =	vst.idx.msk $0xffff, v22  }
0xfd: {  	v16 =	vor.u32 v15, v16;
	[tilespmem:v29+s5+$0x0] =	vst.idx.msk $0xffff, v28;
	v25 =	vld [tilespmem:s11+$0x70]  }
0xfe: {  	v29 =	vor.u32 v14, v19;
	[tilespmem:v27+s5+$0x0] =	vst.idx.msk $0xffff, v23;
	v28 =	vld [tilespmem:s12+$0xFFFFFFE0]  }
0xff: {  	v23 =	vor.u32 v14, v30;
	[tilespmem:v21+s5+$0x0] =	vst.idx.msk $0xffff, v20;
	v22 =	vld [tilespmem:s13+$0xFFFFFFE0]  }
0x100: {  	[tilespmem:v26+s5+$0x0] =	vst.idx.msk $0xffff, v24;
	v21 =	vor.u32 v14, v32;
	v20 =	vld [tilespmem:s13+$0x60]  }
0x101: {  	[tilespmem:v57+s5+$0x0] =	vst.idx.msk $0xffff, v31  }
0x102: {  	v18 =	vor.u32 v15, v18;
	v24 =	vld [tilespmem:s12+$0x70];
	[tilespmem:v16+s5+$0x0] =	vst.idx.msk $0xffff, v25  }
0x103: {  	v17 =	vor.u32 v15, v17;
	v27 =	vld [tilespmem:s11+$0xFFFFFFF0];
	[tilespmem:v29+s5+$0x0] =	vst.idx.msk $0xffff, v28  }
0x104: {  	v19 =	vor.u32 v15, v19;
	[tilespmem:v23+s5+$0x0] =	vst.idx.msk $0xffff, v22;
	v26 =	vld [tilespmem:s12+$0xFFFFFFF0]  }
0x105: {  	v22 =	vor.u32 v15, v30;
	[tilespmem:v21+s5+$0x0] =	vst.idx.msk $0xffff, v20;
	v16 =	vld [tilespmem:s13+$0xFFFFFFF0]  }
0x106: {  	v21 =	vor.u32 v15, v32;
	v20 =	vld [tilespmem:s13+$0x70]  }
0x107: {  	[tilespmem:v18+s5+$0x0] =	vst.idx.msk $0xffff, v24  }
0x108: {  	[tilespmem:v17+s5+$0x0] =	vst.idx.msk $0xffff, v27;
	s12 =	simm.s32 $0x40;
	s13 =	simm.s32 $0x41  }
0x109: {  	v17 =	vmov s12;
	v18 =	vmov s13;
	[tilespmem:v19+s5+$0x0] =	vst.idx.msk $0xffff, v26  }
0x10a: {  	s10 =	sshll.u32 s10, $0x5;
	[tilespmem:v22+s5+$0x0] =	vst.idx.msk $0xffff, v16;
	v16 =	vshll.u32 v17, $0x8;
	v19 =	vshll.u32 v18, $0x8;
	v18 =	vshll.u32 v18, $0x7  }
0x10b: {  	s14 =	sadd.s32 s4, s10;
	s13 =	simm.s32 $0x120F0;
	v17 =	vshll.u32 v17, $0x7;
	[tilespmem:v21+s5+$0x0] =	vst.idx.msk $0xffff, v20;
	v19 =	vand.u32 $0x7800, v19;
	v18 =	vand.u32 $0x380, v18  }
0x10c: {  	v16 =	vand.u32 $0x7800, v16;
	v17 =	vand.u32 $0x300, v17;
	[hbm4b:s14+s5] =	stream.linear.scatter [tilespmem:s5], [sflag:$0x4], $0x4000, $0x38;
	v21 =	vor.u32 v19, v18;
	[tilespmem:$0x18100] =	vst v63  }
0x10d: {  	v25 =	vor.u32 v16, v17;
	v16 =	vld [tilespmem:s13+$0xFFFFFF90];
	v17 =	vor.u32 v8, v21  }
0x10e: {  	v18 =	vld [tilespmem:s13+$0xFFFFFF10];
	v19 =	vor.u32 v8, v25;
	_ =	sdelay $0x3  }
0x10f: {  	[tilespmem:v17+s5+$0x0] =	vst.idx.msk $0xffff, v16  }
0x110: {  	[tilespmem:v19+s5+$0x0] =	vst.idx.msk $0xffff, v18;
	v17 =	vor.u32 v9, v21;
	v16 =	vld [tilespmem:s13+$0xFFFFFFA0]  }
0x111: {  	v19 =	vor.u32 v9, v25;
	v18 =	vld [tilespmem:s13+$0xFFFFFF20];
	_ =	sdelay $0x2  }
0x112: {  	s15 =	simm.s32 $0x42  }
0x113: {  	s12 =	simm.s32 $0x43;
	v20 =	vmov s15;
	[tilespmem:v17+s5+$0x0] =	vst.idx.msk $0xffff, v16  }
0x114: {  	v24 =	vor.u32 v10, v25;
	v17 =	vmov s12;
	[tilespmem:v19+s5+$0x0] =	vst.idx.msk $0xffff, v18;
	v19 =	vor.u32 v10, v21;
	v18 =	vld [tilespmem:s13+$0xFFFFFFB0]  }
0x115: {  	v16 =	vshll.u32 v20, $0x8;
	v22 =	vshll.u32 v17, $0x8;
	v17 =	vshll.u32 v17, $0x7;
	v23 =	vld [tilespmem:s13+$0xFFFFFF30]  }
0x116: {  	v20 =	vshll.u32 v20, $0x7;
	v22 =	vand.u32 $0x7800, v22;
	v17 =	vand.u32 $0x380, v17  }
0x117: {  	s11 =	simm.s32 $0x121F0;
	v26 =	vand.u32 $0x7800, v16;
	v20 =	vand.u32 $0x300, v20;
	v16 =	vor.u32 v22, v17  }
0x118: {  	v17 =	vor.u32 v26, v20;
	v20 =	vld [tilespmem:s11+$0xFFFFFF90];
	v22 =	vor.u32 v8, v16  }
0x119: {  	v26 =	vld [tilespmem:s11+$0xFFFFFF10];
	v27 =	vor.u32 v8, v17;
	[tilespmem:v19+s5+$0x0] =	vst.idx.msk $0xffff, v18  }
0x11a: {  	[tilespmem:v24+s5+$0x0] =	vst.idx.msk $0xffff, v23;
	v19 =	vor.u32 v11, v21;
	v18 =	vld [tilespmem:s13+$0xFFFFFFC0]  }
0x11b: {  	v24 =	vor.u32 v11, v25;
	v23 =	vld [tilespmem:s13+$0xFFFFFF40];
	_ =	sdelay $0x1  }
0x11c: {  	[tilespmem:v22+s5+$0x0] =	vst.idx.msk $0xffff, v20  }
0x11d: {  	[tilespmem:v27+s5+$0x0] =	vst.idx.msk $0xffff, v26;
	v22 =	vor.u32 v9, v16;
	v20 =	vld [tilespmem:s11+$0xFFFFFFA0]  }
0x11e: {  	v27 =	vor.u32 v9, v17;
	v26 =	vld [tilespmem:s11+$0xFFFFFF20];
	[tilespmem:v19+s5+$0x0] =	vst.idx.msk $0xffff, v18  }
0x11f: {  	[tilespmem:v24+s5+$0x0] =	vst.idx.msk $0xffff, v23;
	v19 =	vor.u32 v12, v21;
	v18 =	vld [tilespmem:s13+$0xFFFFFFD0]  }
0x120: {  	s14 =	simm.s32 $0x44;
	v24 =	vor.u32 v12, v25;
	v23 =	vld [tilespmem:s13+$0xFFFFFF50]  }
0x121: {  	v28 =	vmov s14  }
0x122: {  	s15 =	simm.s32 $0x45;
	v29 =	vshll.u32 v28, $0x8;
	v28 =	vshll.u32 v28, $0x7;
	[tilespmem:v22+s5+$0x0] =	vst.idx.msk $0xffff, v20  }
0x123: {  	v31 =	vor.u32 v10, v17;
	v22 =	vmov s15;
	[tilespmem:v27+s5+$0x0] =	vst.idx.msk $0xffff, v26;
	v27 =	vor.u32 v10, v16;
	v26 =	vld [tilespmem:s11+$0xFFFFFFB0]  }
0x124: {  	v20 =	vand.u32 $0x7800, v29;
	v29 =	vshll.u32 v22, $0x8;
	v22 =	vshll.u32 v22, $0x7;
	v30 =	vld [tilespmem:s11+$0xFFFFFF30];
	[tilespmem:v19+s5+$0x0] =	vst.idx.msk $0xffff, v18  }
0x125: {  	v18 =	vand.u32 $0x7800, v29;
	v19 =	vand.u32 $0x380, v22;
	[tilespmem:v24+s5+$0x0] =	vst.idx.msk $0xffff, v23;
	v23 =	vor.u32 v13, v21;
	v22 =	vld [tilespmem:s13+$0xFFFFFFE0]  }
0x126: {  	s12 =	simm.s32 $0x122F0;
	v24 =	vand.u32 $0x300, v28;
	v29 =	vor.u32 v13, v25;
	v18 =	vor.u32 v18, v19;
	v28 =	vld [tilespmem:s13+$0xFFFFFF60]  }
0x127: {  	v19 =	vor.u32 v20, v24;
	v20 =	vld [tilespmem:s12+$0xFFFFFF90];
	v24 =	vor.u32 v8, v18  }
0x128: {  	v58 =	vld [tilespmem:s12+$0xFFFFFF10];
	v59 =	vor.u32 v8, v19;
	[tilespmem:v27+s5+$0x0] =	vst.idx.msk $0xffff, v26  }
0x129: {  	[tilespmem:v31+s5+$0x0] =	vst.idx.msk $0xffff, v30;
	v27 =	vor.u32 v11, v16;
	v26 =	vld [tilespmem:s11+$0xFFFFFFC0]  }
0x12a: {  	v31 =	vor.u32 v11, v17;
	v30 =	vld [tilespmem:s11+$0xFFFFFF40];
	[tilespmem:v23+s5+$0x0] =	vst.idx.msk $0xffff, v22  }
0x12b: {  	v60 =	vor.u32 v14, v21;
	[tilespmem:v29+s5+$0x0] =	vst.idx.msk $0xffff, v28;
	v22 =	vld [tilespmem:s13+$0xFFFFFFF0]  }
0x12c: {  	v61 =	vor.u32 v14, v25;
	[tilespmem:v24+s5+$0x0] =	vst.idx.msk $0xffff, v20;
	v20 =	vld [tilespmem:s13+$0xFFFFFF70]  }
0x12d: {  	v63 =	vor.u32 v9, v18;
	[tilespmem:v59+s5+$0x0] =	vst.idx.msk $0xffff, v58;
	v62 =	vld [tilespmem:s12+$0xFFFFFFA0]  }
0x12e: {  	v29 =	vor.u32 v9, v19;
	v28 =	vld [tilespmem:s12+$0xFFFFFF20];
	[tilespmem:v27+s5+$0x0] =	vst.idx.msk $0xffff, v26  }
0x12f: {  	[tilespmem:v31+s5+$0x0] =	vst.idx.msk $0xffff, v30;
	v27 =	vor.u32 v12, v16;
	v23 =	vld [tilespmem:s11+$0xFFFFFFD0]  }
0x130: {  	s14 =	simm.s32 $0x46;
	v26 =	vor.u32 v12, v17;
	v24 =	vld [tilespmem:s11+$0xFFFFFF50];
	[tilespmem:v60+s5+$0x0] =	vst.idx.msk $0xffff, v22  }
0x131: {  	v21 =	vor.u32 v15, v21;
	v22 =	vmov s14;
	[tilespmem:v61+s5+$0x0] =	vst.idx.msk $0xffff, v20;
	v20 =	vld [tilespmem:s13+$0x0]  }
0x132: {  	s15 =	simm.s32 $0x47;
	v25 =	vor.u32 v15, v25;
	s14 =	simm.s32 $0x48;
	v31 =	vshll.u32 v22, $0x8;
	v30 =	vshll.u32 v22, $0x7;
	[tilespmem:v63+s5+$0x0] =	vst.idx.msk $0xffff, v62;
	v22 =	vld [tilespmem:s13+$0xFFFFFF80]  }
.LBB2_5:
0x133: {  	p2 =	slt.u32 s14, $0x7E;
	v31 =	vand.u32 $0x7800, v31;
	v32 =	vmov s15;
	[tilespmem:v29+s5+$0x0] =	vst.idx.msk $0xffff, v28;
	v28 =	vld [tilespmem:s12+$0xFFFFFFB0];
	v29 =	vor.u32 v10, v18;
	v33 =	vmovc v19;
	s13 =	smov.u32 s12  }
0x134: {  	v19 =	vshll.u32 v32, $0x8;
	v32 =	vshll.u32 v32, $0x7;
	v34 =	vld [tilespmem:s12+$0xFFFFFF30];
	v35 =	vor.u32 v10, v33;
	[tilespmem:v27+s5+$0x0] =	vst.idx.msk $0xffff, v23  }
0x135: {  	v19 =	vand.u32 $0x7800, v19;
	v23 =	vand.u32 $0x380, v32;
	[tilespmem:v26+s5+$0x0] =	vst.idx.msk $0xffff, v24;
	v24 =	vld [tilespmem:s11+$0xFFFFFFE0];
	v26 =	vor.u32 v13, v16  }
0x136: {  	v27 =	vand.u32 $0x300, v30;
	s12 =	sadd.s32 $0x100, s12;
	v32 =	vor.u32 v13, v17;
	v30 =	vor.u32 v19, v23;
	v23 =	vld [tilespmem:s11+$0xFFFFFF60];
	[tilespmem:v21+s5+$0x0] =	vst.idx.msk $0xffff, v20  }
0x137: {  	v19 =	vor.u32 v31, v27;
	v20 =	vld [tilespmem:s12+$0xFFFFFF90];
	v21 =	vor.u32 v8, v30;
	[tilespmem:v25+s5+$0x0] =	vst.idx.msk $0xffff, v22  }
0x138: {  	v25 =	vor.u32 v8, v19;
	v22 =	vld [tilespmem:s12+$0xFFFFFF10];
	[tilespmem:v29+s5+$0x0] =	vst.idx.msk $0xffff, v28  }
0x139: {  	v31 =	vor.u32 v11, v18;
	[tilespmem:v35+s5+$0x0] =	vst.idx.msk $0xffff, v34;
	v27 =	vld [tilespmem:s13+$0xFFFFFFC0]  }
0x13a: {  	v35 =	vor.u32 v11, v33;
	v34 =	vld [tilespmem:s13+$0xFFFFFF40];
	[tilespmem:v26+s5+$0x0] =	vst.idx.msk $0xffff, v24  }
0x13b: {  	v36 =	vor.u32 v14, v16;
	[tilespmem:v32+s5+$0x0] =	vst.idx.msk $0xffff, v23;
	v32 =	vld [tilespmem:s11+$0xFFFFFFF0]  }
0x13c: {  	[tilespmem:v21+s5+$0x0] =	vst.idx.msk $0xffff, v20;
	v20 =	vld [tilespmem:s11+$0xFFFFFF70];
	v21 =	vor.u32 v14, v17  }
0x13d: {  	[tilespmem:v25+s5+$0x0] =	vst.idx.msk $0xffff, v22;
	v22 =	vld [tilespmem:s12+$0xFFFFFFA0];
	v25 =	vor.u32 v9, v30  }
.Ltmp1:
0x13e: {  	v29 =	vor.u32 v9, v19;
	v28 =	vld [tilespmem:s12+$0xFFFFFF20];
	[tilespmem:v31+s5+$0x0] =	vst.idx.msk $0xffff, v27;
	(pc) =	sbr.rel @p2 .LBB2_5-.Ltmp1, $4  }
0x13f: {  	v27 =	vor.u32 v12, v18;
	[tilespmem:v35+s5+$0x0] =	vst.idx.msk $0xffff, v34;
	v23 =	vld [tilespmem:s13+$0xFFFFFFD0]  }
0x140: {  	v26 =	vor.u32 v12, v33;
	v24 =	vld [tilespmem:s13+$0xFFFFFF50];
	[tilespmem:v36+s5+$0x0] =	vst.idx.msk $0xffff, v32  }
0x141: {  	v32 =	vmov s14;
	[tilespmem:v21+s5+$0x0] =	vst.idx.msk $0xffff, v20;
	v20 =	vld [tilespmem:s11+$0x0];
	v21 =	vor.u32 v15, v16;
	v16 =	vmovc v18;
	v18 =	vmov v30  }
0x142: {  	s15 =	sadd.s32 $0x1, s14;
	s14 =	sadd.s32 $0x2, s14;
	v31 =	vshll.u32 v32, $0x8;
	v30 =	vshll.u32 v32, $0x7;
	[tilespmem:v25+s5+$0x0] =	vst.idx.msk $0xffff, v22;
	v22 =	vld [tilespmem:s11+$0xFFFFFF80];
	v25 =	vor.u32 v15, v17;
	v17 =	vmovc v33;
	s11 =	smov.u32 s13  }
0x143: {  	v32 =	vmov s15;
	v31 =	vand.u32 $0x7800, v31  }
0x144: {  	v30 =	vand.u32 $0x300, v30;
	v33 =	vshll.u32 v32, $0x8;
	v32 =	vshll.u32 v32, $0x7  }
0x145: {  	s13 =	sadd.s32 $0x100, s12;
	v30 =	vor.u32 v31, v30;
	v33 =	vand.u32 $0x7800, v33;
	v32 =	vand.u32 $0x380, v32  }
0x146: {  	v34 =	vld [tilespmem:s13+$0xFFFFFF10];
	v35 =	vor.u32 v8, v30;
	v32 =	vor.u32 v33, v32  }
0x147: {  	v31 =	vld [tilespmem:s13+$0xFFFFFF90];
	v33 =	vor.u32 v8, v32;
	_ =	sdelay $0x3  }
0x148: {  	[tilespmem:v35+s5+$0x0] =	vst.idx.msk $0xffff, v34  }
0x149: {  	v50 =	vor.u32 v9, v30;
	v34 =	vld [tilespmem:s13+$0xFFFFFF20];
	[tilespmem:v33+s5+$0x0] =	vst.idx.msk $0xffff, v31  }
0x14a: {  	v49 =	vor.u32 v9, v32;
	v31 =	vld [tilespmem:s13+$0xFFFFFFA0];
	_ =	sdelay $0x1  }
0x14b: {  	[tilespmem:v29+s5+$0x0] =	vst.idx.msk $0xffff, v28;
	v28 =	vld [tilespmem:s12+$0xFFFFFFB0];
	v29 =	vor.u32 v10, v18;
	_ =	sdelay $0x1  }
0x14c: {  	v37 =	vor.u32 v10, v19;
	v36 =	vld [tilespmem:s12+$0xFFFFFF30];
	[tilespmem:v50+s5+$0x0] =	vst.idx.msk $0xffff, v34  }
0x14d: {  	v52 =	vor.u32 v10, v30;
	v34 =	vld [tilespmem:s13+$0xFFFFFF30];
	[tilespmem:v49+s5+$0x0] =	vst.idx.msk $0xffff, v31  }
0x14e: {  	v51 =	vor.u32 v10, v32;
	v31 =	vld [tilespmem:s13+$0xFFFFFFB0]  }
0x14f: {  	[tilespmem:v29+s5+$0x0] =	vst.idx.msk $0xffff, v28  }
0x150: {  	[tilespmem:v27+s5+$0x0] =	vst.idx.msk $0xffff, v23;
	v29 =	vor.u32 v11, v18;
	v28 =	vld [tilespmem:s12+$0xFFFFFFC0]  }
0x151: {  	[tilespmem:v37+s5+$0x0] =	vst.idx.msk $0xffff, v36  }
0x152: {  	[tilespmem:v52+s5+$0x0] =	vst.idx.msk $0xffff, v34  }
0x153: {  	v53 =	vor.u32 v11, v19;
	[tilespmem:v51+s5+$0x0] =	vst.idx.msk $0xffff, v31;
	v31 =	vld [tilespmem:s12+$0xFFFFFF40]  }
0x154: {  	v27 =	vor.u32 v11, v30;
	[tilespmem:v26+s5+$0x0] =	vst.idx.msk $0xffff, v24;
	v23 =	vld [tilespmem:s13+$0xFFFFFF40]  }
0x155: {  	v55 =	vor.u32 v11, v32;
	[tilespmem:v29+s5+$0x0] =	vst.idx.msk $0xffff, v28;
	v54 =	vld [tilespmem:s13+$0xFFFFFFC0]  }
0x156: {  	v26 =	vor.u32 v12, v18;
	[tilespmem:v21+s5+$0x0] =	vst.idx.msk $0xffff, v20;
	v24 =	vld [tilespmem:s12+$0xFFFFFFD0]  }
0x157: {  	[tilespmem:v25+s5+$0x0] =	vst.idx.msk $0xffff, v22;
	v22 =	vld [tilespmem:s11+$0xFFFFFF60];
	v25 =	vor.u32 v13, v17  }
0x158: {  	v56 =	vor.u32 v13, v16;
	[tilespmem:v53+s5+$0x0] =	vst.idx.msk $0xffff, v31;
	v31 =	vld [tilespmem:s11+$0xFFFFFFE0]  }
0x159: {  	v29 =	vor.u32 v12, v19;
	[tilespmem:v27+s5+$0x0] =	vst.idx.msk $0xffff, v23;
	v28 =	vld [tilespmem:s12+$0xFFFFFF50]  }
0x15a: {  	v21 =	vor.u32 v12, v30;
	v20 =	vld [tilespmem:s13+$0xFFFFFF50];
	[tilespmem:v55+s5+$0x0] =	vst.idx.msk $0xffff, v54  }
0x15b: {  	[tilespmem:v26+s5+$0x0] =	vst.idx.msk $0xffff, v24;
	v27 =	vor.u32 v12, v32;
	v23 =	vld [tilespmem:s13+$0xFFFFFFD0]  }
0x15c: {  	[tilespmem:v25+s5+$0x0] =	vst.idx.msk $0xffff, v22;
	v26 =	vor.u32 v13, v18;
	v24 =	vld [tilespmem:s12+$0xFFFFFFE0]  }
0x15d: {  	[tilespmem:v56+s5+$0x0] =	vst.idx.msk $0xffff, v31  }
0x15e: {  	v25 =	vor.u32 v14, v16;
	[tilespmem:v29+s5+$0x0] =	vst.idx.msk $0xffff, v28;
	v22 =	vld [tilespmem:s11+$0xFFFFFFF0]  }
0x15f: {  	[tilespmem:v21+s5+$0x0] =	vst.idx.msk $0xffff, v20;
	v29 =	vor.u32 v13, v19;
	v28 =	vld [tilespmem:s12+$0xFFFFFF60]  }
0x160: {  	[tilespmem:v27+s5+$0x0] =	vst.idx.msk $0xffff, v23;
	v23 =	vld [tilespmem:s13+$0xFFFFFF60];
	v27 =	vor.u32 v13, v30  }
0x161: {  	[tilespmem:v26+s5+$0x0] =	vst.idx.msk $0xffff, v24;
	v21 =	vor.u32 v13, v32;
	v20 =	vld [tilespmem:s13+$0xFFFFFFE0]  }
0x162: {  	v26 =	vor.u32 v14, v18;
	v24 =	vld [tilespmem:s12+$0xFFFFFFF0]  }
0x163: {  	v57 =	vor.u32 v14, v17;
	v31 =	vld [tilespmem:s11+$0xFFFFFF70];
	[tilespmem:v25+s5+$0x0] =	vst.idx.msk $0xffff, v22  }
0x164: {  	v16 =	vor.u32 v15, v16;
	[tilespmem:v29+s5+$0x0] =	vst.idx.msk $0xffff, v28;
	v25 =	vld [tilespmem:s11+$0x0]  }
0x165: {  	v29 =	vor.u32 v14, v19;
	[tilespmem:v27+s5+$0x0] =	vst.idx.msk $0xffff, v23;
	v28 =	vld [tilespmem:s12+$0xFFFFFF70]  }
0x166: {  	v23 =	vor.u32 v14, v30;
	[tilespmem:v21+s5+$0x0] =	vst.idx.msk $0xffff, v20;
	v22 =	vld [tilespmem:s13+$0xFFFFFF70]  }
0x167: {  	[tilespmem:v26+s5+$0x0] =	vst.idx.msk $0xffff, v24;
	v21 =	vor.u32 v14, v32;
	v20 =	vld [tilespmem:s13+$0xFFFFFFF0]  }
0x168: {  	[tilespmem:v57+s5+$0x0] =	vst.idx.msk $0xffff, v31  }
0x169: {  	v18 =	vor.u32 v15, v18;
	v24 =	vld [tilespmem:s12+$0x0];
	[tilespmem:v16+s5+$0x0] =	vst.idx.msk $0xffff, v25  }
0x16a: {  	v17 =	vor.u32 v15, v17;
	v27 =	vld [tilespmem:s11+$0xFFFFFF80];
	[tilespmem:v29+s5+$0x0] =	vst.idx.msk $0xffff, v28  }
0x16b: {  	v19 =	vor.u32 v15, v19;
	[tilespmem:v23+s5+$0x0] =	vst.idx.msk $0xffff, v22;
	v26 =	vld [tilespmem:s12+$0xFFFFFF80]  }
0x16c: {  	v22 =	vor.u32 v15, v30;
	[tilespmem:v21+s5+$0x0] =	vst.idx.msk $0xffff, v20;
	v16 =	vld [tilespmem:s13+$0xFFFFFF80]  }
0x16d: {  	v21 =	vor.u32 v15, v32;
	v20 =	vld [tilespmem:s13+$0x0]  }
0x16e: {  	[tilespmem:v18+s5+$0x0] =	vst.idx.msk $0xffff, v24  }
0x16f: {  	[tilespmem:v17+s5+$0x0] =	vst.idx.msk $0xffff, v27  }
0x170: {  	[tilespmem:v19+s5+$0x0] =	vst.idx.msk $0xffff, v26  }
0x171: {  	[tilespmem:v22+s5+$0x0] =	vst.idx.msk $0xffff, v16  }
0x172: {  	s10 =	sadd.s32 s10, s8;
	[tilespmem:v21+s5+$0x0] =	vst.idx.msk $0xffff, v20  }
0x173: {  	[hbm4b:s10+s5] =	stream.linear.scatter [tilespmem:s26], [sflag:$0x4], $0x4000, $0x38;
	[tilespmem:$0x18100] =	vst v63  }
0x174: {  	_ =	swait.ge [sflag:s25], $0x4000  }
0x175: {  	[sflag:s25] =	ssyncset.done $0x0  }
0x176: {  	[sflag:s25] =	ssyncadd.s32 $0xFFFFC000  }
0x177: {  	v16 =	vld.idx.msk [tilespmem:v0+s2+$0x0], $0xffff;
	_ =	sdelay $0x4  }
0x178: {  	v16 =	vtrunc.f32 v16  }
0x179: {  	v16 =	vcvt.f32.s32 v16;
	_ =	sdelay $0x1  }
0x17a: {  	[tilespmem:$0x18080] =	vst v16  }
0x17b: {  	v16 =	vld.idx.msk [tilespmem:v1+s2+$0x0], $0xffff;
	_ =	sdelay $0x4  }
0x17c: {  	v16 =	vtrunc.f32 v16  }
0x17d: {  	v16 =	vcvt.f32.s32 v16;
	_ =	sdelay $0x1  }
0x17e: {  	[tilespmem:$0x18090] =	vst v16  }
0x17f: {  	v16 =	vld.idx.msk [tilespmem:v2+s2+$0x0], $0xffff;
	_ =	sdelay $0x4  }
0x180: {  	v16 =	vtrunc.f32 v16  }
0x181: {  	v16 =	vcvt.f32.s32 v16;
	_ =	sdelay $0x1  }
0x182: {  	[tilespmem:$0x180A0] =	vst v16  }
0x183: {  	v16 =	vld.idx.msk [tilespmem:v3+s2+$0x0], $0xffff;
	_ =	sdelay $0x4  }
0x184: {  	v16 =	vtrunc.f32 v16  }
0x185: {  	v16 =	vcvt.f32.s32 v16;
	_ =	sdelay $0x1  }
0x186: {  	[tilespmem:$0x180B0] =	vst v16  }
0x187: {  	v16 =	vld.idx.msk [tilespmem:v4+s2+$0x0], $0xffff;
	_ =	sdelay $0x4  }
0x188: {  	v16 =	vtrunc.f32 v16  }
0x189: {  	v16 =	vcvt.f32.s32 v16;
	_ =	sdelay $0x1  }
0x18a: {  	[tilespmem:$0x180C0] =	vst v16  }
0x18b: {  	v16 =	vld.idx.msk [tilespmem:v5+s2+$0x0], $0xffff;
	_ =	sdelay $0x4  }
0x18c: {  	v16 =	vtrunc.f32 v16  }
0x18d: {  	v16 =	vcvt.f32.s32 v16;
	_ =	sdelay $0x1  }
0x18e: {  	[tilespmem:$0x180D0] =	vst v16  }
0x18f: {  	v16 =	vld.idx.msk [tilespmem:v6+s2+$0x0], $0xffff;
	_ =	sdelay $0x4  }
0x190: {  	v16 =	vtrunc.f32 v16  }
0x191: {  	v16 =	vcvt.f32.s32 v16;
	_ =	sdelay $0x1  }
0x192: {  	[tilespmem:$0x180E0] =	vst v16  }
0x193: {  	v16 =	vld.idx.msk [tilespmem:v7+s2+$0x0], $0xffff;
	_ =	sdelay $0x4  }
0x194: {  	v16 =	vtrunc.f32 v16  }
0x195: {  	v16 =	vcvt.f32.s32 v16;
	_ =	sdelay $0x1  }
0x196: {  	s10 =	simm.s32 @!p1 $0x4;
	[tilespmem:$0x180F0] =	vst v16  }
0x197: {  	[tilespmem:s31], [sflag:$0x3] =	stream.indirect.gather [hbm4b:s1+s30], $0x80, s7, s30, $0xb8;
	[tilespmem:$0x18100] =	vst v63  }
0x198: {  	_ =	swait.ge @!p1 [sflag:s10], $0x4000  }
0x199: {  	[sflag:s10] =	ssyncset.done @!p1 $0x0  }
0x19a: {  	[sflag:s10] =	ssyncadd.s32 @!p1 $0xFFFFC000  }
0x19b: {  	s11 =	sadd.s32 @!p1 s28, s9;
	_ =	swait.ge @!p1 [sflag:s10], $0x4000  }
0x19c: {  	s11 =	sshll.u32 @!p1 s11, $0x4;
	[sflag:s10] =	ssyncset.done @!p1 $0x0  }
0x19d: {  	[sflag:s10] =	ssyncadd.s32 @!p1 $0xFFFFC000;
	s10 =	sadd.s32 @!p1 s0, s11;
	s11 =	simm.s32 @!p1 $0x0  }
0x19e: {  	[tilespmem:s11], [sflag:$0x1] =	stream.linear.gather @!p1 [hbm4b:s10+s11], $0x400, $0x38;
	[tilespmem:$0x18100] =	vst v63  }
0x19f: {  	s13 =	simm.s32 @!p1 $0x800;
	s12 =	sadd.s32 @!p1 $0x80, s10  }
0x1a0: {  	[tilespmem:s13], [sflag:$0x1] =	stream.linear.gather @!p1 [hbm4b:s12+s11], $0x400, $0x38;
	[tilespmem:$0x18100] =	vst v63  }
0x1a1: {  	s12 =	sadd.s32 @!p1 $0x100, s10;
	s13 =	simm.s32 @!p1 $0x1000  }
0x1a2: {  	[tilespmem:s13], [sflag:$0x1] =	stream.linear.gather @!p1 [hbm4b:s12+s11], $0x400, $0x38;
	[tilespmem:$0x18100] =	vst v63  }
0x1a3: {  	s12 =	sadd.s32 @!p1 $0x180, s10;
	s13 =	simm.s32 @!p1 $0x1800  }
0x1a4: {  	[tilespmem:s13], [sflag:$0x1] =	stream.linear.gather @!p1 [hbm4b:s12+s11], $0x400, $0x38;
	[tilespmem:$0x18100] =	vst v63  }
0x1a5: {  	s12 =	sadd.s32 @!p1 $0x200, s10;
	s13 =	simm.s32 @!p1 $0x2000  }
0x1a6: {  	[tilespmem:s13], [sflag:$0x1] =	stream.linear.gather @!p1 [hbm4b:s12+s11], $0x400, $0x38;
	[tilespmem:$0x18100] =	vst v63  }
0x1a7: {  	s12 =	sadd.s32 @!p1 $0x280, s10;
	s13 =	simm.s32 @!p1 $0x2800  }
0x1a8: {  	[tilespmem:s13], [sflag:$0x1] =	stream.linear.gather @!p1 [hbm4b:s12+s11], $0x400, $0x38;
	[tilespmem:$0x18100] =	vst v63  }
0x1a9: {  	s12 =	sadd.s32 @!p1 $0x300, s10;
	s13 =	simm.s32 @!p1 $0x3000  }
0x1aa: {  	[tilespmem:s13], [sflag:$0x1] =	stream.linear.gather @!p1 [hbm4b:s12+s11], $0x400, $0x38;
	[tilespmem:$0x18100] =	vst v63  }
0x1ab: {  	s12 =	sadd.s32 @!p1 $0x380, s10;
	s13 =	simm.s32 @!p1 $0x3800  }
0x1ac: {  	[tilespmem:s13], [sflag:$0x1] =	stream.linear.gather @!p1 [hbm4b:s12+s11], $0x400, $0x38;
	[tilespmem:$0x18100] =	vst v63  }
0x1ad: {  	s12 =	sadd.s32 @!p1 $0x400, s10;
	s13 =	simm.s32 @!p1 $0x4000  }
0x1ae: {  	[tilespmem:s13], [sflag:$0x1] =	stream.linear.gather @!p1 [hbm4b:s12+s11], $0x400, $0x38;
	[tilespmem:$0x18100] =	vst v63  }
0x1af: {  	s12 =	sadd.s32 @!p1 $0x480, s10;
	s13 =	simm.s32 @!p1 $0x4800  }
0x1b0: {  	[tilespmem:s13], [sflag:$0x1] =	stream.linear.gather @!p1 [hbm4b:s12+s11], $0x400, $0x38;
	[tilespmem:$0x18100] =	vst v63  }
0x1b1: {  	s12 =	sadd.s32 @!p1 $0x500, s10;
	s13 =	simm.s32 @!p1 $0x5000  }
0x1b2: {  	[tilespmem:s13], [sflag:$0x1] =	stream.linear.gather @!p1 [hbm4b:s12+s11], $0x400, $0x38;
	[tilespmem:$0x18100] =	vst v63  }
0x1b3: {  	s12 =	sadd.s32 @!p1 $0x580, s10;
	s13 =	simm.s32 @!p1 $0x5800  }
0x1b4: {  	[tilespmem:s13], [sflag:$0x1] =	stream.linear.gather @!p1 [hbm4b:s12+s11], $0x400, $0x38;
	[tilespmem:$0x18100] =	vst v63  }
0x1b5: {  	s12 =	sadd.s32 @!p1 $0x600, s10;
	s13 =	simm.s32 @!p1 $0x6000  }
0x1b6: {  	[tilespmem:s13], [sflag:$0x1] =	stream.linear.gather @!p1 [hbm4b:s12+s11], $0x400, $0x38;
	[tilespmem:$0x18100] =	vst v63  }
0x1b7: {  	s12 =	sadd.s32 @!p1 $0x680, s10;
	s13 =	simm.s32 @!p1 $0x6800  }
0x1b8: {  	[tilespmem:s13], [sflag:$0x1] =	stream.linear.gather @!p1 [hbm4b:s12+s11], $0x400, $0x38;
	[tilespmem:$0x18100] =	vst v63  }
0x1b9: {  	s14 =	simm.s32 $0x1;
	s12 =	sadd.s32 @!p1 $0x700, s10;
	s13 =	simm.s32 @!p1 $0x7000  }
0x1ba: {  	[tilespmem:s13], [sflag:$0x1] =	stream.linear.gather @!p1 [hbm4b:s12+s11], $0x400, $0x38;
	[tilespmem:$0x18100] =	vst v63  }
0x1bb: {  	s28 =	simm.s32 $0x0;
	v17 =	vmov s14;
	s10 =	sadd.s32 @!p1 $0x780, s10;
	s12 =	simm.s32 @!p1 $0x7800  }
0x1bc: {  	v19 =	vshll.u32 v17, $0x8;
	[tilespmem:s12], [sflag:$0x1] =	stream.linear.gather @!p1 [hbm4b:s10+s11], $0x400, $0x38;
	[tilespmem:$0x18100] =	vst v63  }
0x1bd: {  	v17 =	vshll.u32 v17, $0x7;
	v19 =	vand.u32 $0x3800, v19;
	v16 =	vmov s28;
	_ =	swait.ge [sflag:s24], $0x4000  }
0x1be: {  	v17 =	vand.u32 $0x380, v17;
	v18 =	vshll.u32 v16, $0x8;
	v16 =	vshll.u32 v16, $0x7;
	[sflag:s24] =	ssyncset.done $0x0  }
0x1bf: {  	v21 =	vor.u32 v19, v17;
	v18 =	vand.u32 $0x3800, v18;
	v16 =	vand.u32 $0x300, v16;
	s12 =	simm.s32 $0x140F0;
	[sflag:s24] =	ssyncadd.s32 $0xFFFFC000  }
0x1c0: {  	v17 =	vor.u32 v8, v21;
	v25 =	vor.u32 v18, v16;
	v16 =	vld [tilespmem:s12+$0xFFFFFF90]  }
0x1c1: {  	v19 =	vor.u32 v8, v25;
	v18 =	vld [tilespmem:s12+$0xFFFFFF10];
	_ =	sdelay $0x3  }
0x1c2: {  	[tilespmem:v17+s2+$0x0] =	vst.idx.msk $0xffff, v16  }
0x1c3: {  	[tilespmem:v19+s2+$0x0] =	vst.idx.msk $0xffff, v18;
	v17 =	vor.u32 v9, v21;
	v16 =	vld [tilespmem:s12+$0xFFFFFFA0]  }
0x1c4: {  	v19 =	vor.u32 v9, v25;
	v18 =	vld [tilespmem:s12+$0xFFFFFF20];
	_ =	sdelay $0x3  }
0x1c5: {  	v24 =	vor.u32 v10, v25;
	s13 =	simm.s32 $0x3;
	s11 =	simm.s32 $0x2;
	[tilespmem:v17+s2+$0x0] =	vst.idx.msk $0xffff, v16  }
0x1c6: {  	v20 =	vmov s11;
	v17 =	vmov s13;
	[tilespmem:v19+s2+$0x0] =	vst.idx.msk $0xffff, v18;
	v19 =	vor.u32 v10, v21;
	v18 =	vld [tilespmem:s12+$0xFFFFFFB0]  }
0x1c7: {  	v16 =	vshll.u32 v20, $0x8;
	v22 =	vshll.u32 v17, $0x8;
	v17 =	vshll.u32 v17, $0x7;
	v23 =	vld [tilespmem:s12+$0xFFFFFF30]  }
0x1c8: {  	v20 =	vshll.u32 v20, $0x7;
	v22 =	vand.u32 $0x3800, v22;
	v17 =	vand.u32 $0x380, v17  }
0x1c9: {  	s10 =	simm.s32 $0x141F0;
	v26 =	vand.u32 $0x3800, v16;
	v20 =	vand.u32 $0x300, v20;
	v16 =	vor.u32 v22, v17  }
0x1ca: {  	v17 =	vor.u32 v26, v20;
	v20 =	vld [tilespmem:s10+$0xFFFFFF90];
	v22 =	vor.u32 v8, v16  }
0x1cb: {  	v26 =	vld [tilespmem:s10+$0xFFFFFF10];
	v27 =	vor.u32 v8, v17;
	[tilespmem:v19+s2+$0x0] =	vst.idx.msk $0xffff, v18  }
0x1cc: {  	[tilespmem:v24+s2+$0x0] =	vst.idx.msk $0xffff, v23;
	v19 =	vor.u32 v11, v21;
	v18 =	vld [tilespmem:s12+$0xFFFFFFC0]  }
0x1cd: {  	v24 =	vor.u32 v11, v25;
	v23 =	vld [tilespmem:s12+$0xFFFFFF40];
	_ =	sdelay $0x1  }
0x1ce: {  	[tilespmem:v22+s2+$0x0] =	vst.idx.msk $0xffff, v20  }
0x1cf: {  	[tilespmem:v27+s2+$0x0] =	vst.idx.msk $0xffff, v26;
	v22 =	vor.u32 v9, v16;
	v20 =	vld [tilespmem:s10+$0xFFFFFFA0]  }
0x1d0: {  	v27 =	vor.u32 v9, v17;
	v26 =	vld [tilespmem:s10+$0xFFFFFF20];
	[tilespmem:v19+s2+$0x0] =	vst.idx.msk $0xffff, v18  }
0x1d1: {  	[tilespmem:v24+s2+$0x0] =	vst.idx.msk $0xffff, v23;
	v19 =	vor.u32 v12, v21;
	v18 =	vld [tilespmem:s12+$0xFFFFFFD0]  }
0x1d2: {  	s14 =	simm.s32 $0x4;
	v24 =	vor.u32 v12, v25;
	v23 =	vld [tilespmem:s12+$0xFFFFFF50]  }
0x1d3: {  	v28 =	vmov s14  }
0x1d4: {  	s15 =	simm.s32 $0x5;
	v29 =	vshll.u32 v28, $0x8;
	v28 =	vshll.u32 v28, $0x7;
	[tilespmem:v22+s2+$0x0] =	vst.idx.msk $0xffff, v20  }
0x1d5: {  	v31 =	vor.u32 v10, v17;
	v22 =	vmov s15;
	[tilespmem:v27+s2+$0x0] =	vst.idx.msk $0xffff, v26;
	v27 =	vor.u32 v10, v16;
	v26 =	vld [tilespmem:s10+$0xFFFFFFB0]  }
0x1d6: {  	v20 =	vand.u32 $0x3800, v29;
	v29 =	vshll.u32 v22, $0x8;
	v22 =	vshll.u32 v22, $0x7;
	v30 =	vld [tilespmem:s10+$0xFFFFFF30];
	[tilespmem:v19+s2+$0x0] =	vst.idx.msk $0xffff, v18  }
0x1d7: {  	v18 =	vand.u32 $0x3800, v29;
	v19 =	vand.u32 $0x380, v22;
	[tilespmem:v24+s2+$0x0] =	vst.idx.msk $0xffff, v23;
	v23 =	vor.u32 v13, v21;
	v22 =	vld [tilespmem:s12+$0xFFFFFFE0]  }
0x1d8: {  	s11 =	simm.s32 $0x142F0;
	v24 =	vand.u32 $0x300, v28;
	v29 =	vor.u32 v13, v25;
	v18 =	vor.u32 v18, v19;
	v28 =	vld [tilespmem:s12+$0xFFFFFF60]  }
0x1d9: {  	v19 =	vor.u32 v20, v24;
	v20 =	vld [tilespmem:s11+$0xFFFFFF90];
	v24 =	vor.u32 v8, v18  }
0x1da: {  	v58 =	vld [tilespmem:s11+$0xFFFFFF10];
	v59 =	vor.u32 v8, v19;
	[tilespmem:v27+s2+$0x0] =	vst.idx.msk $0xffff, v26  }
0x1db: {  	[tilespmem:v31+s2+$0x0] =	vst.idx.msk $0xffff, v30;
	v27 =	vor.u32 v11, v16;
	v26 =	vld [tilespmem:s10+$0xFFFFFFC0]  }
0x1dc: {  	v31 =	vor.u32 v11, v17;
	v30 =	vld [tilespmem:s10+$0xFFFFFF40];
	[tilespmem:v23+s2+$0x0] =	vst.idx.msk $0xffff, v22  }
0x1dd: {  	v60 =	vor.u32 v14, v21;
	[tilespmem:v29+s2+$0x0] =	vst.idx.msk $0xffff, v28;
	v22 =	vld [tilespmem:s12+$0xFFFFFFF0]  }
0x1de: {  	v61 =	vor.u32 v14, v25;
	[tilespmem:v24+s2+$0x0] =	vst.idx.msk $0xffff, v20;
	v20 =	vld [tilespmem:s12+$0xFFFFFF70]  }
0x1df: {  	v63 =	vor.u32 v9, v18;
	[tilespmem:v59+s2+$0x0] =	vst.idx.msk $0xffff, v58;
	v62 =	vld [tilespmem:s11+$0xFFFFFFA0]  }
0x1e0: {  	v29 =	vor.u32 v9, v19;
	v28 =	vld [tilespmem:s11+$0xFFFFFF20];
	[tilespmem:v27+s2+$0x0] =	vst.idx.msk $0xffff, v26  }
0x1e1: {  	[tilespmem:v31+s2+$0x0] =	vst.idx.msk $0xffff, v30;
	v27 =	vor.u32 v12, v16;
	v23 =	vld [tilespmem:s10+$0xFFFFFFD0]  }
0x1e2: {  	s28 =	simm.s32 $0x6;
	v26 =	vor.u32 v12, v17;
	v24 =	vld [tilespmem:s10+$0xFFFFFF50];
	[tilespmem:v60+s2+$0x0] =	vst.idx.msk $0xffff, v22  }
0x1e3: {  	v21 =	vor.u32 v15, v21;
	v22 =	vmov s28;
	[tilespmem:v61+s2+$0x0] =	vst.idx.msk $0xffff, v20;
	v20 =	vld [tilespmem:s12+$0x0]  }
0x1e4: {  	s14 =	simm.s32 $0x7;
	s13 =	simm.s32 $0x8;
	v25 =	vor.u32 v15, v25;
	v31 =	vshll.u32 v22, $0x8;
	v30 =	vshll.u32 v22, $0x7;
	[tilespmem:v63+s2+$0x0] =	vst.idx.msk $0xffff, v62;
	v22 =	vld [tilespmem:s12+$0xFFFFFF80]  }
.LBB2_7:
0x1e5: {  	p1 =	slt.u32 s13, $0x3E;
	v31 =	vand.u32 $0x3800, v31;
	v32 =	vmov s14;
	[tilespmem:v29+s2+$0x0] =	vst.idx.msk $0xffff, v28;
	v28 =	vld [tilespmem:s11+$0xFFFFFFB0];
	v29 =	vor.u32 v10, v18;
	v33 =	vmovc v19;
	s12 =	smov.u32 s11  }
0x1e6: {  	v19 =	vshll.u32 v32, $0x8;
	v32 =	vshll.u32 v32, $0x7;
	v34 =	vld [tilespmem:s11+$0xFFFFFF30];
	v35 =	vor.u32 v10, v33;
	[tilespmem:v27+s2+$0x0] =	vst.idx.msk $0xffff, v23  }
0x1e7: {  	v19 =	vand.u32 $0x3800, v19;
	v23 =	vand.u32 $0x380, v32;
	[tilespmem:v26+s2+$0x0] =	vst.idx.msk $0xffff, v24;
	v24 =	vld [tilespmem:s10+$0xFFFFFFE0];
	v26 =	vor.u32 v13, v16  }
0x1e8: {  	v27 =	vand.u32 $0x300, v30;
	s11 =	sadd.s32 $0x100, s11;
	v32 =	vor.u32 v13, v17;
	v30 =	vor.u32 v19, v23;
	v23 =	vld [tilespmem:s10+$0xFFFFFF60];
	[tilespmem:v21+s2+$0x0] =	vst.idx.msk $0xffff, v20  }
0x1e9: {  	v19 =	vor.u32 v31, v27;
	v20 =	vld [tilespmem:s11+$0xFFFFFF90];
	v21 =	vor.u32 v8, v30;
	[tilespmem:v25+s2+$0x0] =	vst.idx.msk $0xffff, v22  }
0x1ea: {  	v25 =	vor.u32 v8, v19;
	v22 =	vld [tilespmem:s11+$0xFFFFFF10];
	[tilespmem:v29+s2+$0x0] =	vst.idx.msk $0xffff, v28  }
0x1eb: {  	v31 =	vor.u32 v11, v18;
	[tilespmem:v35+s2+$0x0] =	vst.idx.msk $0xffff, v34;
	v27 =	vld [tilespmem:s12+$0xFFFFFFC0]  }
0x1ec: {  	v35 =	vor.u32 v11, v33;
	v34 =	vld [tilespmem:s12+$0xFFFFFF40];
	[tilespmem:v26+s2+$0x0] =	vst.idx.msk $0xffff, v24  }
0x1ed: {  	v36 =	vor.u32 v14, v16;
	[tilespmem:v32+s2+$0x0] =	vst.idx.msk $0xffff, v23;
	v32 =	vld [tilespmem:s10+$0xFFFFFFF0]  }
0x1ee: {  	[tilespmem:v21+s2+$0x0] =	vst.idx.msk $0xffff, v20;
	v20 =	vld [tilespmem:s10+$0xFFFFFF70];
	v21 =	vor.u32 v14, v17  }
0x1ef: {  	[tilespmem:v25+s2+$0x0] =	vst.idx.msk $0xffff, v22;
	v22 =	vld [tilespmem:s11+$0xFFFFFFA0];
	v25 =	vor.u32 v9, v30  }
.Ltmp2:
0x1f0: {  	v29 =	vor.u32 v9, v19;
	v28 =	vld [tilespmem:s11+$0xFFFFFF20];
	[tilespmem:v31+s2+$0x0] =	vst.idx.msk $0xffff, v27;
	(pc) =	sbr.rel @p1 .LBB2_7-.Ltmp2, $4  }
0x1f1: {  	v27 =	vor.u32 v12, v18;
	[tilespmem:v35+s2+$0x0] =	vst.idx.msk $0xffff, v34;
	v23 =	vld [tilespmem:s12+$0xFFFFFFD0]  }
0x1f2: {  	v26 =	vor.u32 v12, v33;
	v24 =	vld [tilespmem:s12+$0xFFFFFF50];
	[tilespmem:v36+s2+$0x0] =	vst.idx.msk $0xffff, v32  }
0x1f3: {  	v32 =	vmov s13;
	[tilespmem:v21+s2+$0x0] =	vst.idx.msk $0xffff, v20;
	v20 =	vld [tilespmem:s10+$0x0];
	v21 =	vor.u32 v15, v16;
	v16 =	vmovc v18;
	v18 =	vmov v30  }
0x1f4: {  	s14 =	sadd.s32 $0x1, s13;
	s13 =	sadd.s32 $0x2, s13;
	v31 =	vshll.u32 v32, $0x8;
	v30 =	vshll.u32 v32, $0x7;
	[tilespmem:v25+s2+$0x0] =	vst.idx.msk $0xffff, v22;
	v22 =	vld [tilespmem:s10+$0xFFFFFF80];
	v25 =	vor.u32 v15, v17;
	v17 =	vmovc v33;
	s10 =	smov.u32 s12  }
0x1f5: {  	v32 =	vmov s14;
	v31 =	vand.u32 $0x3800, v31  }
0x1f6: {  	v30 =	vand.u32 $0x300, v30;
	v33 =	vshll.u32 v32, $0x8;
	v32 =	vshll.u32 v32, $0x7  }
0x1f7: {  	s12 =	sadd.s32 $0x100, s11;
	v30 =	vor.u32 v31, v30;
	v33 =	vand.u32 $0x3800, v33;
	v32 =	vand.u32 $0x380, v32  }
0x1f8: {  	v34 =	vld [tilespmem:s12+$0xFFFFFF10];
	v35 =	vor.u32 v8, v30;
	v32 =	vor.u32 v33, v32  }
0x1f9: {  	v31 =	vld [tilespmem:s12+$0xFFFFFF90];
	v33 =	vor.u32 v8, v32;
	_ =	sdelay $0x3  }
0x1fa: {  	[tilespmem:v35+s2+$0x0] =	vst.idx.msk $0xffff, v34  }
0x1fb: {  	v50 =	vor.u32 v9, v30;
	v34 =	vld [tilespmem:s12+$0xFFFFFF20];
	[tilespmem:v33+s2+$0x0] =	vst.idx.msk $0xffff, v31  }
0x1fc: {  	v49 =	vor.u32 v9, v32;
	v31 =	vld [tilespmem:s12+$0xFFFFFFA0];
	_ =	sdelay $0x1  }
0x1fd: {  	[tilespmem:v29+s2+$0x0] =	vst.idx.msk $0xffff, v28;
	v28 =	vld [tilespmem:s11+$0xFFFFFFB0];
	v29 =	vor.u32 v10, v18;
	_ =	sdelay $0x1  }
0x1fe: {  	v37 =	vor.u32 v10, v19;
	v36 =	vld [tilespmem:s11+$0xFFFFFF30];
	[tilespmem:v50+s2+$0x0] =	vst.idx.msk $0xffff, v34  }
0x1ff: {  	v52 =	vor.u32 v10, v30;
	v34 =	vld [tilespmem:s12+$0xFFFFFF30];
	[tilespmem:v49+s2+$0x0] =	vst.idx.msk $0xffff, v31  }
0x200: {  	v51 =	vor.u32 v10, v32;
	v31 =	vld [tilespmem:s12+$0xFFFFFFB0]  }
0x201: {  	[tilespmem:v29+s2+$0x0] =	vst.idx.msk $0xffff, v28  }
0x202: {  	[tilespmem:v27+s2+$0x0] =	vst.idx.msk $0xffff, v23;
	v29 =	vor.u32 v11, v18;
	v28 =	vld [tilespmem:s11+$0xFFFFFFC0]  }
0x203: {  	[tilespmem:v37+s2+$0x0] =	vst.idx.msk $0xffff, v36  }
0x204: {  	[tilespmem:v52+s2+$0x0] =	vst.idx.msk $0xffff, v34  }
0x205: {  	v53 =	vor.u32 v11, v19;
	[tilespmem:v51+s2+$0x0] =	vst.idx.msk $0xffff, v31;
	v31 =	vld [tilespmem:s11+$0xFFFFFF40]  }
0x206: {  	v27 =	vor.u32 v11, v30;
	[tilespmem:v26+s2+$0x0] =	vst.idx.msk $0xffff, v24;
	v23 =	vld [tilespmem:s12+$0xFFFFFF40]  }
0x207: {  	v55 =	vor.u32 v11, v32;
	[tilespmem:v29+s2+$0x0] =	vst.idx.msk $0xffff, v28;
	v54 =	vld [tilespmem:s12+$0xFFFFFFC0]  }
0x208: {  	v26 =	vor.u32 v12, v18;
	[tilespmem:v21+s2+$0x0] =	vst.idx.msk $0xffff, v20;
	v24 =	vld [tilespmem:s11+$0xFFFFFFD0]  }
0x209: {  	[tilespmem:v25+s2+$0x0] =	vst.idx.msk $0xffff, v22;
	v22 =	vld [tilespmem:s10+$0xFFFFFF60];
	v25 =	vor.u32 v13, v17  }
0x20a: {  	v56 =	vor.u32 v13, v16;
	[tilespmem:v53+s2+$0x0] =	vst.idx.msk $0xffff, v31;
	v31 =	vld [tilespmem:s10+$0xFFFFFFE0]  }
0x20b: {  	v29 =	vor.u32 v12, v19;
	[tilespmem:v27+s2+$0x0] =	vst.idx.msk $0xffff, v23;
	v28 =	vld [tilespmem:s11+$0xFFFFFF50]  }
0x20c: {  	v21 =	vor.u32 v12, v30;
	v20 =	vld [tilespmem:s12+$0xFFFFFF50];
	[tilespmem:v55+s2+$0x0] =	vst.idx.msk $0xffff, v54  }
0x20d: {  	[tilespmem:v26+s2+$0x0] =	vst.idx.msk $0xffff, v24;
	v27 =	vor.u32 v12, v32;
	v23 =	vld [tilespmem:s12+$0xFFFFFFD0]  }
0x20e: {  	[tilespmem:v25+s2+$0x0] =	vst.idx.msk $0xffff, v22;
	v26 =	vor.u32 v13, v18;
	v24 =	vld [tilespmem:s11+$0xFFFFFFE0]  }
0x20f: {  	[tilespmem:v56+s2+$0x0] =	vst.idx.msk $0xffff, v31  }
0x210: {  	v25 =	vor.u32 v14, v16;
	[tilespmem:v29+s2+$0x0] =	vst.idx.msk $0xffff, v28;
	v22 =	vld [tilespmem:s10+$0xFFFFFFF0]  }
0x211: {  	[tilespmem:v21+s2+$0x0] =	vst.idx.msk $0xffff, v20;
	v29 =	vor.u32 v13, v19;
	v28 =	vld [tilespmem:s11+$0xFFFFFF60]  }
0x212: {  	[tilespmem:v27+s2+$0x0] =	vst.idx.msk $0xffff, v23;
	v23 =	vld [tilespmem:s12+$0xFFFFFF60];
	v27 =	vor.u32 v13, v30  }
0x213: {  	[tilespmem:v26+s2+$0x0] =	vst.idx.msk $0xffff, v24;
	v21 =	vor.u32 v13, v32;
	v20 =	vld [tilespmem:s12+$0xFFFFFFE0]  }
0x214: {  	v26 =	vor.u32 v14, v18;
	v24 =	vld [tilespmem:s11+$0xFFFFFFF0]  }
0x215: {  	v57 =	vor.u32 v14, v17;
	v31 =	vld [tilespmem:s10+$0xFFFFFF70];
	[tilespmem:v25+s2+$0x0] =	vst.idx.msk $0xffff, v22  }
0x216: {  	v16 =	vor.u32 v15, v16;
	[tilespmem:v29+s2+$0x0] =	vst.idx.msk $0xffff, v28;
	v25 =	vld [tilespmem:s10+$0x0]  }
0x217: {  	v29 =	vor.u32 v14, v19;
	[tilespmem:v27+s2+$0x0] =	vst.idx.msk $0xffff, v23;
	v28 =	vld [tilespmem:s11+$0xFFFFFF70]  }
0x218: {  	v23 =	vor.u32 v14, v30;
	[tilespmem:v21+s2+$0x0] =	vst.idx.msk $0xffff, v20;
	v22 =	vld [tilespmem:s12+$0xFFFFFF70]  }
0x219: {  	[tilespmem:v26+s2+$0x0] =	vst.idx.msk $0xffff, v24;
	v21 =	vor.u32 v14, v32;
	v20 =	vld [tilespmem:s12+$0xFFFFFFF0]  }
0x21a: {  	[tilespmem:v57+s2+$0x0] =	vst.idx.msk $0xffff, v31  }
0x21b: {  	v18 =	vor.u32 v15, v18;
	v24 =	vld [tilespmem:s11+$0x0];
	[tilespmem:v16+s2+$0x0] =	vst.idx.msk $0xffff, v25  }
0x21c: {  	v17 =	vor.u32 v15, v17;
	v27 =	vld [tilespmem:s10+$0xFFFFFF80];
	[tilespmem:v29+s2+$0x0] =	vst.idx.msk $0xffff, v28  }
0x21d: {  	v19 =	vor.u32 v15, v19;
	[tilespmem:v23+s2+$0x0] =	vst.idx.msk $0xffff, v22;
	v26 =	vld [tilespmem:s11+$0xFFFFFF80]  }
0x21e: {  	v22 =	vor.u32 v15, v30;
	[tilespmem:v21+s2+$0x0] =	vst.idx.msk $0xffff, v20;
	v16 =	vld [tilespmem:s12+$0xFFFFFF80]  }
0x21f: {  	v21 =	vor.u32 v15, v32;
	v20 =	vld [tilespmem:s12+$0x0]  }
0x220: {  	[tilespmem:v18+s2+$0x0] =	vst.idx.msk $0xffff, v24  }
0x221: {  	[tilespmem:v17+s2+$0x0] =	vst.idx.msk $0xffff, v27  }
0x222: {  	s15 =	simm.s32 $0x40;
	s28 =	simm.s32 $0x41;
	[tilespmem:v19+s2+$0x0] =	vst.idx.msk $0xffff, v26  }
0x223: {  	s3 =	sshll.u32 s3, $0x5;
	v18 =	vmov s28;
	v17 =	vmov s15;
	[tilespmem:v22+s2+$0x0] =	vst.idx.msk $0xffff, v16  }
0x224: {  	s12 =	sadd.s32 s4, s3;
	v16 =	vshll.u32 v17, $0x8;
	v19 =	vshll.u32 v18, $0x8;
	v18 =	vshll.u32 v18, $0x7;
	[tilespmem:v21+s2+$0x0] =	vst.idx.msk $0xffff, v20  }
0x225: {  	v17 =	vshll.u32 v17, $0x7;
	v19 =	vand.u32 $0x7800, v19;
	v18 =	vand.u32 $0x380, v18;
	[hbm4b:s12+s5] =	stream.linear.scatter [tilespmem:s2], [sflag:$0x5], $0x4000, $0x38;
	[tilespmem:$0x18100] =	vst v63  }
0x226: {  	v16 =	vand.u32 $0x7800, v16;
	v17 =	vand.u32 $0x300, v17;
	s12 =	simm.s32 $0x160F0;
	v21 =	vor.u32 v19, v18  }
0x227: {  	v25 =	vor.u32 v16, v17;
	v16 =	vld [tilespmem:s12+$0xFFFFFF90];
	v17 =	vor.u32 v8, v21  }
0x228: {  	v18 =	vld [tilespmem:s12+$0xFFFFFF10];
	v19 =	vor.u32 v8, v25;
	_ =	sdelay $0x3  }
0x229: {  	[tilespmem:v17+s2+$0x0] =	vst.idx.msk $0xffff, v16  }
0x22a: {  	[tilespmem:v19+s2+$0x0] =	vst.idx.msk $0xffff, v18;
	v17 =	vor.u32 v9, v21;
	v16 =	vld [tilespmem:s12+$0xFFFFFFA0]  }
0x22b: {  	v19 =	vor.u32 v9, v25;
	v18 =	vld [tilespmem:s12+$0xFFFFFF20];
	_ =	sdelay $0x2  }
0x22c: {  	s13 =	simm.s32 $0x42  }
0x22d: {  	s14 =	simm.s32 $0x43;
	v20 =	vmov s13;
	[tilespmem:v17+s2+$0x0] =	vst.idx.msk $0xffff, v16  }
0x22e: {  	v24 =	vor.u32 v10, v25;
	v17 =	vmov s14;
	[tilespmem:v19+s2+$0x0] =	vst.idx.msk $0xffff, v18;
	v19 =	vor.u32 v10, v21;
	v18 =	vld [tilespmem:s12+$0xFFFFFFB0]  }
0x22f: {  	v16 =	vshll.u32 v20, $0x8;
	v22 =	vshll.u32 v17, $0x8;
	v17 =	vshll.u32 v17, $0x7;
	v23 =	vld [tilespmem:s12+$0xFFFFFF30]  }
0x230: {  	v20 =	vshll.u32 v20, $0x7;
	v22 =	vand.u32 $0x7800, v22;
	v17 =	vand.u32 $0x380, v17  }
0x231: {  	s10 =	simm.s32 $0x161F0;
	v26 =	vand.u32 $0x7800, v16;
	v20 =	vand.u32 $0x300, v20;
	v16 =	vor.u32 v22, v17  }
0x232: {  	v17 =	vor.u32 v26, v20;
	v20 =	vld [tilespmem:s10+$0xFFFFFF90];
	v22 =	vor.u32 v8, v16  }
0x233: {  	v26 =	vld [tilespmem:s10+$0xFFFFFF10];
	v27 =	vor.u32 v8, v17;
	[tilespmem:v19+s2+$0x0] =	vst.idx.msk $0xffff, v18  }
0x234: {  	[tilespmem:v24+s2+$0x0] =	vst.idx.msk $0xffff, v23;
	v19 =	vor.u32 v11, v21;
	v18 =	vld [tilespmem:s12+$0xFFFFFFC0]  }
0x235: {  	v24 =	vor.u32 v11, v25;
	v23 =	vld [tilespmem:s12+$0xFFFFFF40];
	_ =	sdelay $0x1  }
0x236: {  	[tilespmem:v22+s2+$0x0] =	vst.idx.msk $0xffff, v20  }
0x237: {  	[tilespmem:v27+s2+$0x0] =	vst.idx.msk $0xffff, v26;
	v22 =	vor.u32 v9, v16;
	v20 =	vld [tilespmem:s10+$0xFFFFFFA0]  }
0x238: {  	v27 =	vor.u32 v9, v17;
	v26 =	vld [tilespmem:s10+$0xFFFFFF20];
	[tilespmem:v19+s2+$0x0] =	vst.idx.msk $0xffff, v18  }
0x239: {  	[tilespmem:v24+s2+$0x0] =	vst.idx.msk $0xffff, v23;
	v19 =	vor.u32 v12, v21;
	v18 =	vld [tilespmem:s12+$0xFFFFFFD0]  }
0x23a: {  	s15 =	simm.s32 $0x44;
	v24 =	vor.u32 v12, v25;
	v23 =	vld [tilespmem:s12+$0xFFFFFF50]  }
0x23b: {  	v28 =	vmov s15  }
0x23c: {  	s28 =	simm.s32 $0x45;
	v29 =	vshll.u32 v28, $0x8;
	v28 =	vshll.u32 v28, $0x7;
	[tilespmem:v22+s2+$0x0] =	vst.idx.msk $0xffff, v20  }
0x23d: {  	v31 =	vor.u32 v10, v17;
	v22 =	vmov s28;
	[tilespmem:v27+s2+$0x0] =	vst.idx.msk $0xffff, v26;
	v27 =	vor.u32 v10, v16;
	v26 =	vld [tilespmem:s10+$0xFFFFFFB0]  }
0x23e: {  	v20 =	vand.u32 $0x7800, v29;
	v29 =	vshll.u32 v22, $0x8;
	v22 =	vshll.u32 v22, $0x7;
	v30 =	vld [tilespmem:s10+$0xFFFFFF30];
	[tilespmem:v19+s2+$0x0] =	vst.idx.msk $0xffff, v18  }
0x23f: {  	v18 =	vand.u32 $0x7800, v29;
	v19 =	vand.u32 $0x380, v22;
	[tilespmem:v24+s2+$0x0] =	vst.idx.msk $0xffff, v23;
	v23 =	vor.u32 v13, v21;
	v22 =	vld [tilespmem:s12+$0xFFFFFFE0]  }
0x240: {  	s11 =	simm.s32 $0x162F0;
	v24 =	vand.u32 $0x300, v28;
	v29 =	vor.u32 v13, v25;
	v18 =	vor.u32 v18, v19;
	v28 =	vld [tilespmem:s12+$0xFFFFFF60]  }
0x241: {  	v19 =	vor.u32 v20, v24;
	v20 =	vld [tilespmem:s11+$0xFFFFFF90];
	v24 =	vor.u32 v8, v18  }
0x242: {  	v58 =	vld [tilespmem:s11+$0xFFFFFF10];
	v59 =	vor.u32 v8, v19;
	[tilespmem:v27+s2+$0x0] =	vst.idx.msk $0xffff, v26  }
0x243: {  	[tilespmem:v31+s2+$0x0] =	vst.idx.msk $0xffff, v30;
	v27 =	vor.u32 v11, v16;
	v26 =	vld [tilespmem:s10+$0xFFFFFFC0]  }
0x244: {  	v31 =	vor.u32 v11, v17;
	v30 =	vld [tilespmem:s10+$0xFFFFFF40];
	[tilespmem:v23+s2+$0x0] =	vst.idx.msk $0xffff, v22  }
0x245: {  	v60 =	vor.u32 v14, v21;
	[tilespmem:v29+s2+$0x0] =	vst.idx.msk $0xffff, v28;
	v22 =	vld [tilespmem:s12+$0xFFFFFFF0]  }
0x246: {  	v61 =	vor.u32 v14, v25;
	[tilespmem:v24+s2+$0x0] =	vst.idx.msk $0xffff, v20;
	v20 =	vld [tilespmem:s12+$0xFFFFFF70]  }
0x247: {  	v63 =	vor.u32 v9, v18;
	[tilespmem:v59+s2+$0x0] =	vst.idx.msk $0xffff, v58;
	v62 =	vld [tilespmem:s11+$0xFFFFFFA0]  }
0x248: {  	v29 =	vor.u32 v9, v19;
	v28 =	vld [tilespmem:s11+$0xFFFFFF20];
	[tilespmem:v27+s2+$0x0] =	vst.idx.msk $0xffff, v26  }
0x249: {  	[tilespmem:v31+s2+$0x0] =	vst.idx.msk $0xffff, v30;
	v27 =	vor.u32 v12, v16;
	v23 =	vld [tilespmem:s10+$0xFFFFFFD0]  }
0x24a: {  	s13 =	simm.s32 $0x46;
	v26 =	vor.u32 v12, v17;
	v24 =	vld [tilespmem:s10+$0xFFFFFF50];
	[tilespmem:v60+s2+$0x0] =	vst.idx.msk $0xffff, v22  }
0x24b: {  	v21 =	vor.u32 v15, v21;
	v22 =	vmov s13;
	[tilespmem:v61+s2+$0x0] =	vst.idx.msk $0xffff, v20;
	v20 =	vld [tilespmem:s12+$0x0]  }
0x24c: {  	s14 =	simm.s32 $0x47;
	v25 =	vor.u32 v15, v25;
	s13 =	simm.s32 $0x48;
	v31 =	vshll.u32 v22, $0x8;
	v30 =	vshll.u32 v22, $0x7;
	[tilespmem:v63+s2+$0x0] =	vst.idx.msk $0xffff, v62;
	v22 =	vld [tilespmem:s12+$0xFFFFFF80]  }
.LBB2_9:
0x24d: {  	p1 =	slt.u32 s13, $0x7E;
	v31 =	vand.u32 $0x7800, v31;
	v32 =	vmov s14;
	[tilespmem:v29+s2+$0x0] =	vst.idx.msk $0xffff, v28;
	v28 =	vld [tilespmem:s11+$0xFFFFFFB0];
	v29 =	vor.u32 v10, v18;
	v33 =	vmovc v19;
	s12 =	smov.u32 s11  }
0x24e: {  	v19 =	vshll.u32 v32, $0x8;
	v32 =	vshll.u32 v32, $0x7;
	v34 =	vld [tilespmem:s11+$0xFFFFFF30];
	v35 =	vor.u32 v10, v33;
	[tilespmem:v27+s2+$0x0] =	vst.idx.msk $0xffff, v23  }
0x24f: {  	v19 =	vand.u32 $0x7800, v19;
	v23 =	vand.u32 $0x380, v32;
	[tilespmem:v26+s2+$0x0] =	vst.idx.msk $0xffff, v24;
	v24 =	vld [tilespmem:s10+$0xFFFFFFE0];
	v26 =	vor.u32 v13, v16  }
0x250: {  	v27 =	vand.u32 $0x300, v30;
	s11 =	sadd.s32 $0x100, s11;
	v32 =	vor.u32 v13, v17;
	v30 =	vor.u32 v19, v23;
	v23 =	vld [tilespmem:s10+$0xFFFFFF60];
	[tilespmem:v21+s2+$0x0] =	vst.idx.msk $0xffff, v20  }
0x251: {  	v19 =	vor.u32 v31, v27;
	v20 =	vld [tilespmem:s11+$0xFFFFFF90];
	v21 =	vor.u32 v8, v30;
	[tilespmem:v25+s2+$0x0] =	vst.idx.msk $0xffff, v22  }
0x252: {  	v25 =	vor.u32 v8, v19;
	v22 =	vld [tilespmem:s11+$0xFFFFFF10];
	[tilespmem:v29+s2+$0x0] =	vst.idx.msk $0xffff, v28  }
0x253: {  	v31 =	vor.u32 v11, v18;
	[tilespmem:v35+s2+$0x0] =	vst.idx.msk $0xffff, v34;
	v27 =	vld [tilespmem:s12+$0xFFFFFFC0]  }
0x254: {  	v35 =	vor.u32 v11, v33;
	v34 =	vld [tilespmem:s12+$0xFFFFFF40];
	[tilespmem:v26+s2+$0x0] =	vst.idx.msk $0xffff, v24  }
0x255: {  	v36 =	vor.u32 v14, v16;
	[tilespmem:v32+s2+$0x0] =	vst.idx.msk $0xffff, v23;
	v32 =	vld [tilespmem:s10+$0xFFFFFFF0]  }
0x256: {  	[tilespmem:v21+s2+$0x0] =	vst.idx.msk $0xffff, v20;
	v20 =	vld [tilespmem:s10+$0xFFFFFF70];
	v21 =	vor.u32 v14, v17  }
0x257: {  	[tilespmem:v25+s2+$0x0] =	vst.idx.msk $0xffff, v22;
	v22 =	vld [tilespmem:s11+$0xFFFFFFA0];
	v25 =	vor.u32 v9, v30  }
.Ltmp3:
0x258: {  	v29 =	vor.u32 v9, v19;
	v28 =	vld [tilespmem:s11+$0xFFFFFF20];
	[tilespmem:v31+s2+$0x0] =	vst.idx.msk $0xffff, v27;
	(pc) =	sbr.rel @p1 .LBB2_9-.Ltmp3, $4  }
0x259: {  	v27 =	vor.u32 v12, v18;
	[tilespmem:v35+s2+$0x0] =	vst.idx.msk $0xffff, v34;
	v23 =	vld [tilespmem:s12+$0xFFFFFFD0]  }
0x25a: {  	v26 =	vor.u32 v12, v33;
	v24 =	vld [tilespmem:s12+$0xFFFFFF50];
	[tilespmem:v36+s2+$0x0] =	vst.idx.msk $0xffff, v32  }
0x25b: {  	v32 =	vmov s13;
	[tilespmem:v21+s2+$0x0] =	vst.idx.msk $0xffff, v20;
	v20 =	vld [tilespmem:s10+$0x0];
	v21 =	vor.u32 v15, v16;
	v16 =	vmovc v18;
	v18 =	vmov v30  }
0x25c: {  	s14 =	sadd.s32 $0x1, s13;
	s13 =	sadd.s32 $0x2, s13;
	v31 =	vshll.u32 v32, $0x8;
	v30 =	vshll.u32 v32, $0x7;
	[tilespmem:v25+s2+$0x0] =	vst.idx.msk $0xffff, v22;
	v22 =	vld [tilespmem:s10+$0xFFFFFF80];
	v25 =	vor.u32 v15, v17;
	v17 =	vmovc v33;
	s10 =	smov.u32 s12  }
0x25d: {  	v32 =	vmov s14;
	v31 =	vand.u32 $0x7800, v31  }
0x25e: {  	v30 =	vand.u32 $0x300, v30;
	v33 =	vshll.u32 v32, $0x8;
	v32 =	vshll.u32 v32, $0x7  }
0x25f: {  	s12 =	sadd.s32 $0x100, s11;
	v30 =	vor.u32 v31, v30;
	v33 =	vand.u32 $0x7800, v33;
	v32 =	vand.u32 $0x380, v32  }
0x260: {  	v34 =	vld [tilespmem:s12+$0xFFFFFF10];
	v35 =	vor.u32 v8, v30;
	v32 =	vor.u32 v33, v32  }
0x261: {  	v45 =	vld [tilespmem:s12+$0xFFFFFF90];
	v33 =	vor.u32 v8, v32;
	_ =	sdelay $0x3  }
0x262: {  	[tilespmem:v35+s2+$0x0] =	vst.idx.msk $0xffff, v34  }
0x263: {  	v47 =	vor.u32 v9, v30;
	v34 =	vld [tilespmem:s12+$0xFFFFFF20];
	[tilespmem:v33+s2+$0x0] =	vst.idx.msk $0xffff, v45  }
0x264: {  	v46 =	vor.u32 v9, v32;
	v31 =	vld [tilespmem:s12+$0xFFFFFFA0];
	_ =	sdelay $0x1  }
0x265: {  	[tilespmem:v29+s2+$0x0] =	vst.idx.msk $0xffff, v28;
	v48 =	vld [tilespmem:s11+$0xFFFFFFB0];
	v49 =	vor.u32 v10, v18  }
0x266: {  	v37 =	vor.u32 v10, v19;
	v36 =	vld [tilespmem:s11+$0xFFFFFF30]  }
0x267: {  	[tilespmem:v47+s2+$0x0] =	vst.idx.msk $0xffff, v34  }
0x268: {  	v51 =	vor.u32 v10, v30;
	v34 =	vld [tilespmem:s12+$0xFFFFFF30];
	[tilespmem:v46+s2+$0x0] =	vst.idx.msk $0xffff, v31  }
0x269: {  	v50 =	vor.u32 v10, v32;
	v31 =	vld [tilespmem:s12+$0xFFFFFFB0]  }
0x26a: {  	[tilespmem:v49+s2+$0x0] =	vst.idx.msk $0xffff, v48  }
0x26b: {  	v52 =	vor.u32 v11, v18;
	[tilespmem:v37+s2+$0x0] =	vst.idx.msk $0xffff, v36;
	v28 =	vld [tilespmem:s11+$0xFFFFFFC0]  }
0x26c: {  	v54 =	vor.u32 v11, v19;
	[tilespmem:v27+s2+$0x0] =	vst.idx.msk $0xffff, v23;
	v53 =	vld [tilespmem:s11+$0xFFFFFF40]  }
0x26d: {  	[tilespmem:v51+s2+$0x0] =	vst.idx.msk $0xffff, v34  }
0x26e: {  	v58 =	vor.u32 v11, v30;
	v57 =	vld [tilespmem:s12+$0xFFFFFF40];
	[tilespmem:v50+s2+$0x0] =	vst.idx.msk $0xffff, v31  }
0x26f: {  	[tilespmem:v26+s2+$0x0] =	vst.idx.msk $0xffff, v24;
	v56 =	vor.u32 v11, v32;
	v55 =	vld [tilespmem:s12+$0xFFFFFFC0]  }
0x270: {  	[tilespmem:v52+s2+$0x0] =	vst.idx.msk $0xffff, v28  }
0x271: {  	v60 =	vor.u32 v12, v18;
	[tilespmem:v54+s2+$0x0] =	vst.idx.msk $0xffff, v53;
	v59 =	vld [tilespmem:s11+$0xFFFFFFD0]  }
0x272: {  	v62 =	vor.u32 v12, v19;
	[tilespmem:v21+s2+$0x0] =	vst.idx.msk $0xffff, v20;
	v61 =	vld [tilespmem:s11+$0xFFFFFF50]  }
0x273: {  	v40 =	vor.u32 v13, v16;
	v39 =	vld [tilespmem:s10+$0xFFFFFFE0];
	[tilespmem:v58+s2+$0x0] =	vst.idx.msk $0xffff, v57  }
0x274: {  	v38 =	vor.u32 v12, v30;
	v37 =	vld [tilespmem:s12+$0xFFFFFF50];
	[tilespmem:v56+s2+$0x0] =	vst.idx.msk $0xffff, v55  }
0x275: {  	[tilespmem:v25+s2+$0x0] =	vst.idx.msk $0xffff, v22;
	v36 =	vor.u32 v12, v32;
	v63 =	vld [tilespmem:s12+$0xFFFFFFD0]  }
0x276: {  	v42 =	vor.u32 v13, v17;
	v41 =	vld [tilespmem:s10+$0xFFFFFF60];
	[tilespmem:v60+s2+$0x0] =	vst.idx.msk $0xffff, v59  }
0x277: {  	v43 =	vor.u32 v13, v18;
	[tilespmem:v62+s2+$0x0] =	vst.idx.msk $0xffff, v61;
	v24 =	vld [tilespmem:s11+$0xFFFFFFE0]  }
0x278: {  	v44 =	vor.u32 v13, v19;
	[tilespmem:v40+s2+$0x0] =	vst.idx.msk $0xffff, v39;
	v28 =	vld [tilespmem:s11+$0xFFFFFF60]  }
0x279: {  	v49 =	vld [tilespmem:s10+$0xFFFFFFF0];
	v50 =	vor.u32 v14, v16;
	[tilespmem:v38+s2+$0x0] =	vst.idx.msk $0xffff, v37  }
0x27a: {  	v48 =	vor.u32 v13, v30;
	v47 =	vld [tilespmem:s12+$0xFFFFFF60];
	[tilespmem:v36+s2+$0x0] =	vst.idx.msk $0xffff, v63  }
0x27b: {  	[tilespmem:v42+s2+$0x0] =	vst.idx.msk $0xffff, v41;
	v46 =	vor.u32 v13, v32;
	v45 =	vld [tilespmem:s12+$0xFFFFFFE0]  }
0x27c: {  	v52 =	vor.u32 v14, v17;
	v51 =	vld [tilespmem:s10+$0xFFFFFF70];
	[tilespmem:v43+s2+$0x0] =	vst.idx.msk $0xffff, v24  }
0x27d: {  	v53 =	vor.u32 v14, v18;
	[tilespmem:v44+s2+$0x0] =	vst.idx.msk $0xffff, v28;
	v24 =	vld [tilespmem:s11+$0xFFFFFFF0]  }
0x27e: {  	v54 =	vor.u32 v14, v19;
	v28 =	vld [tilespmem:s11+$0xFFFFFF70];
	[tilespmem:v50+s2+$0x0] =	vst.idx.msk $0xffff, v49  }
0x27f: {  	v16 =	vor.u32 v15, v16;
	v25 =	vld [tilespmem:s10+$0x0];
	[tilespmem:v48+s2+$0x0] =	vst.idx.msk $0xffff, v47  }
0x280: {  	v57 =	vor.u32 v14, v30;
	v56 =	vld [tilespmem:s12+$0xFFFFFF70];
	[tilespmem:v46+s2+$0x0] =	vst.idx.msk $0xffff, v45  }
0x281: {  	[tilespmem:v52+s2+$0x0] =	vst.idx.msk $0xffff, v51;
	v55 =	vor.u32 v14, v32;
	v20 =	vld [tilespmem:s12+$0xFFFFFFF0]  }
0x282: {  	[tilespmem:v53+s2+$0x0] =	vst.idx.msk $0xffff, v24  }
0x283: {  	v17 =	vor.u32 v15, v17;
	v58 =	vld [tilespmem:s10+$0xFFFFFF80];
	[tilespmem:v54+s2+$0x0] =	vst.idx.msk $0xffff, v28  }
0x284: {  	v59 =	vor.u32 v15, v18;
	v24 =	vld [tilespmem:s11+$0x0];
	[tilespmem:v16+s2+$0x0] =	vst.idx.msk $0xffff, v25  }
0x285: {  	v61 =	vor.u32 v15, v19;
	v60 =	vld [tilespmem:s11+$0xFFFFFF80];
	[tilespmem:v57+s2+$0x0] =	vst.idx.msk $0xffff, v56  }
0x286: {  	v63 =	vor.u32 v15, v30;
	v16 =	vld [tilespmem:s12+$0xFFFFFF80];
	[tilespmem:v55+s2+$0x0] =	vst.idx.msk $0xffff, v20  }
0x287: {  	v62 =	vor.u32 v15, v32;
	v20 =	vld [tilespmem:s12+$0x0]  }
0x288: {  	[tilespmem:v17+s2+$0x0] =	vst.idx.msk $0xffff, v58  }
.Ltmp4:
0x289: {  	[tilespmem:v59+s2+$0x0] =	vst.idx.msk $0xffff, v24;
	(pc) =	sbr.rel @p0 .LBB2_2-.Ltmp4, $4  }
0x28a: {  	[tilespmem:v61+s2+$0x0] =	vst.idx.msk $0xffff, v60  }
0x28b: {  	s3 =	sadd.s32 s3, s8;
	[tilespmem:v63+s2+$0x0] =	vst.idx.msk $0xffff, v16  }
0x28c: {  	s28 =	simm.s32 $0x100;
	p2 =	por $0x0, $0x0;
	p1 =	por $0x1, $0x1;
	[tilespmem:v62+s2+$0x0] =	vst.idx.msk $0xffff, v20  }
0x28d: {  	[hbm4b:s3+s5] =	stream.linear.scatter [tilespmem:s16], [sflag:$0x5], $0x4000, $0x38;
	[tilespmem:$0x18100] =	vst v63  }
0x28e: {  	s3 =	simm.s32 $0x4  }
0x28f: {  	_ =	swait.ge [sflag:s3], $0x4000  }
0x290: {  	[sflag:s3] =	ssyncset.done $0x0  }
0x291: {  	[sflag:s3] =	ssyncadd.s32 $0xFFFFC000  }
0x292: {  	_ =	swait.ge [sflag:s3], $0x4000  }
0x293: {  	[sflag:s3] =	ssyncset.done $0x0  }
0x294: {  	s10 =	simm.s32 $0x5;
	[sflag:s3] =	ssyncadd.s32 $0xFFFFC000  }
0x295: {  	_ =	swait.ge [sflag:s10], $0x4000  }
0x296: {  	[sflag:s10] =	ssyncset.done $0x0  }
0x297: {  	[sflag:s10] =	ssyncadd.s32 $0xFFFFC000  }
0x298: {  	_ =	swait.ge [sflag:s10], $0x4000  }
0x299: {  	s11 =	rddreg [dreg:$0x15]  }
0x29a: {  	s28 =	rddreg [dreg:$0x5];
	s11 =	sadd.s32 $0x1, s11  }
0x29b: {  	p0 =	sne.s32 s11, s28  }
.Ltmp5:
0x29c: {  	_ = 	snop;
	(pc) =	sbr.rel @p0 .LBB2_1-.Ltmp5, $3  }
0x29d: {  	_ =	sdelay $0x1  }
0x29e: {  	[sflag:s10] =	ssyncset.done $0x0  }
0x29f: {  	[sflag:s10] =	ssyncadd.s32 $0xFFFFC000  }
0x2a0: {  	_ =	sfence.sel $0x180000  }
0x2a1: {  	[bflag:$0x0] =	sbarrier.arrive $0xFFFF  }
0x2a2: {  	_ =	strace $0x90000047  }
0x2a3: {  	s0 =	stileid.u32;
	[bflag:$0x2] =	sbarrier.arrive $0xFFFF  }
0x2a4: {  	p0 =	sne.s32 s0, $0x0;
	s0 =	rddreg [dreg:$0x3]  }
0x2a5: {  	s0 =	sadd.s32 @!p0 $0x100000, s0  }
0x2a6: {  	[sflag:s0] =	ssyncadd.tile.s32 @!p0 $0x1;
	_ =	shalt  }
.Lfunc_end2:
_tile_overlayer_lowered:
.L_overlay_start_2:
0x2a7: {  	(tag) =	ssettag $0x2  }
0x2a8: {  	s0 =	rddreg [dreg:$0x0];
	s2 =	stileid.u32  }
0x2a9: {  	s1 =	rddreg [dreg:$0x1];
	p0 =	sne.s32 s2, $0x0  }
0x2aa: {  	s3 =	rddreg [dreg:$0x2];
	[bflag:$0x3] =	sbarrier.arrive $0xFFFF;
	s2 =	simm.s32 @!p0 $0x1C06  }
0x2ab: {  	[timem:s3], [sflag:s2] =	dma.local @!p0 [hbm:s0], s1  }
0x2ac: {  	s0 =	simm.s32 @!p0 $0x6  }
0x2ad: {  	_ =	swait.ge @!p0 [sflag:s0], s1  }
0x2ae: {  	s1 =	ssub.s32 @!p0 $0x0, s1;
	[sflag:s0] =	ssyncset.done @!p0 $0x0  }
0x2af: {  	[sflag:s0] =	ssyncadd.s32 @!p0 s1  }
0x2b0: {  	[bflag:$0x3] =	sbarrier.arrive $0xFFFF  }
0x2b1: {  	_ =	shalt  }

</sc_bundles>
